<compile_context>
chip_gen: v7x
topology: tpu7x:2x2x1
jax: 0.10.2.dev20260603
libtpu: 0.0.44.dev20260713+nightly
codegen_flags: <defaults>
</compile_context>

<pallas_src>
import functools

import jax
import jax.numpy as jnp
from jax import lax
from jax.experimental import pallas as pl
from jax.experimental.pallas import tpu as pltpu
from jax.experimental.pallas import tpu_sc as plsc

N = 10000
D = 128
E = 320000

NC = 2
NS = 16
CH = 128
CPT = 80
EPT = CH * CPT
EPAD = EPT * NC * NS
NACC = 10240
RPS = NACC // NS

_MESH = plsc.VectorSubcoreMesh(
    core_axis_name="c", subcore_axis_name="s", num_cores=NC, num_subcores=NS
)


@functools.partial(
    pl.kernel,
    out_type=[jax.ShapeDtypeStruct((NC, NACC, D), jnp.float32)],
    mesh=_MESH,
    scratch_types=[
        pltpu.VMEM_SHARED((NACC, D), jnp.float32),
        pltpu.VMEM((CH,), jnp.int32),
        pltpu.VMEM((CH,), jnp.int32),
        pltpu.VMEM((CH, D), jnp.float32),
        pltpu.SemaphoreType.DMA,
        pltpu.SemaphoreType.DMA,
    ],
)
def _sc_counts(dst_hbm, z128_hbm, ones_hbm, c_out,
               cacc, dst_v0, dst_v1, ones_v, sd0, sd1):
    c = lax.axis_index("c")
    s = lax.axis_index("s")
    wid = c * NS + s
    dst_v = (dst_v0, dst_v1)
    sd = (sd0, sd1)
    for k in range(RPS // CH):
        pltpu.sync_copy(z128_hbm, cacc.at[pl.ds(s * RPS + k * CH, CH)])
    pltpu.sync_copy(ones_hbm, ones_v)
    plsc.subcore_barrier()

    def idx_load(j, b):
        pltpu.async_copy(dst_hbm.at[pl.ds(wid * EPT + j * CH, CH)], dst_v[b], sd[b])

    def idx_wait(b):
        pltpu.make_async_copy(dst_hbm.at[pl.ds(0, CH)], dst_v[b], sd[b]).wait()

    def step(j, b, prefetch):
        idx_wait(b)
        pltpu.sync_copy(ones_v, cacc.at[dst_v[b]], add=True)
        if prefetch:
            idx_load(j + 2, b)

    idx_load(0, 0)
    idx_load(1, 1)

    def pair(t, carry):
        step(2 * t, 0, True)
        step(2 * t + 1, 1, True)
        return carry

    lax.fori_loop(0, CPT // 2 - 1, pair, 0)
    step(CPT - 2, 0, False)
    step(CPT - 1, 1, False)
    plsc.subcore_barrier()
    pltpu.sync_copy(cacc.at[pl.ds(s * RPS, RPS)], c_out.at[c, pl.ds(s * RPS, RPS)])


@functools.partial(
    pl.kernel,
    out_type=[jax.ShapeDtypeStruct((NC, NACC, D), jnp.float32)],
    mesh=_MESH,
    scratch_types=[
        pltpu.VMEM_SHARED((NACC, D), jnp.float32),
        pltpu.VMEM((CH,), jnp.int32),
        pltpu.VMEM((CH,), jnp.int32),
        pltpu.VMEM((CH,), jnp.int32),
        pltpu.VMEM((CH,), jnp.int32),
        pltpu.VMEM((CH, D), jnp.float32),
        pltpu.VMEM((CH, D), jnp.float32),
        pltpu.SemaphoreType.DMA,
        pltpu.SemaphoreType.DMA,
        pltpu.SemaphoreType.DMA,
        pltpu.SemaphoreType.DMA,
        pltpu.SemaphoreType.DMA,
        pltpu.SemaphoreType.DMA,
    ],
)
def _sc_agg(h_hbm, src_hbm, dst_hbm, z128_hbm, p_out, acc,
            src_v0, src_v1, dst_v0, dst_v1, rows_v0, rows_v1,
            ss0, ss1, sd0, sd1, sg0, sg1):
    c = lax.axis_index("c")
    s = lax.axis_index("s")
    wid = c * NS + s
    src_v = (src_v0, src_v1)
    dst_v = (dst_v0, dst_v1)
    rows_v = (rows_v0, rows_v1)
    ss = (ss0, ss1)
    sd = (sd0, sd1)
    sg = (sg0, sg1)
    for k in range(RPS // CH):
        pltpu.sync_copy(z128_hbm, acc.at[pl.ds(s * RPS + k * CH, CH)])
    plsc.subcore_barrier()

    def idx_load(j, b):
        base = wid * EPT + j * CH
        pltpu.async_copy(src_hbm.at[pl.ds(base, CH)], src_v[b], ss[b])
        pltpu.async_copy(dst_hbm.at[pl.ds(base, CH)], dst_v[b], sd[b])

    def step(j, b, gather_next, prefetch):
        nb = 1 - b
        if gather_next:
            pltpu.make_async_copy(src_hbm.at[pl.ds(0, CH)], src_v[nb], ss[nb]).wait()
            pltpu.async_copy(h_hbm.at[src_v[nb]], rows_v[nb], sg[nb])
        pltpu.make_async_copy(h_hbm.at[pl.ds(0, CH)], rows_v[b], sg[b]).wait()
        pltpu.make_async_copy(dst_hbm.at[pl.ds(0, CH)], dst_v[b], sd[b]).wait()
        pltpu.sync_copy(rows_v[b], acc.at[dst_v[b]], add=True)
        if prefetch:
            idx_load(j + 2, b)

    idx_load(0, 0)
    idx_load(1, 1)
    pltpu.make_async_copy(src_hbm.at[pl.ds(0, CH)], src_v[0], ss[0]).wait()
    pltpu.async_copy(h_hbm.at[src_v[0]], rows_v[0], sg[0])

    def pair(t, carry):
        step(2 * t, 0, True, True)
        step(2 * t + 1, 1, True, True)
        return carry

    lax.fori_loop(0, CPT // 2 - 1, pair, 0)
    step(CPT - 2, 0, True, False)
    step(CPT - 1, 1, False, False)
    plsc.subcore_barrier()
    pltpu.sync_copy(acc.at[pl.ds(s * RPS, RPS)], p_out.at[c, pl.ds(s * RPS, RPS)])


_BLK = 1000


def _tc_layer_body(relu, p_ref, c_ref, x_ref, wl_ref, bl_ref, wr_ref, o_ref):
    psum = p_ref[0] + p_ref[1]
    cnt = c_ref[0, :, 0:1] + c_ref[1, :, 0:1]
    agg = psum / jnp.maximum(cnt, 1.0)
    h = (jnp.dot(agg, wl_ref[...], preferred_element_type=jnp.float32)
         + bl_ref[...]
         + jnp.dot(x_ref[...], wr_ref[...], preferred_element_type=jnp.float32))
    o_ref[...] = jnp.maximum(h, 0.0) if relu else h


def _tc_layer(p, cnts, x, wl, bl, wr, relu):
    return pl.pallas_call(
        functools.partial(_tc_layer_body, relu),
        grid=(N // _BLK,),
        in_specs=[
            pl.BlockSpec((NC, _BLK, D), lambda i: (0, i, 0)),
            pl.BlockSpec((NC, _BLK, D), lambda i: (0, i, 0)),
            pl.BlockSpec((_BLK, D), lambda i: (i, 0)),
            pl.BlockSpec((D, D), lambda i: (0, 0)),
            pl.BlockSpec((1, D), lambda i: (0, 0)),
            pl.BlockSpec((D, D), lambda i: (0, 0)),
        ],
        out_specs=pl.BlockSpec((_BLK, D), lambda i: (i, 0)),
        out_shape=jax.ShapeDtypeStruct((N, D), jnp.float32),
    )(p, cnts, x, wl, bl.reshape(1, D), wr)


def _tc_final_body(p_ref, c_ref, x_ref, wl_ref, bl_ref, wr_ref,
                   p1_ref, pb1_ref, p2_ref, pb2_ref, o_ref):
    psum = p_ref[0] + p_ref[1]
    cnt = c_ref[0, :, 0:1] + c_ref[1, :, 0:1]
    agg = psum / jnp.maximum(cnt, 1.0)
    h = (jnp.dot(agg, wl_ref[...], preferred_element_type=jnp.float32)
         + bl_ref[...]
         + jnp.dot(x_ref[...], wr_ref[...], preferred_element_type=jnp.float32))
    z = jnp.maximum(
        jnp.dot(h, p1_ref[...], preferred_element_type=jnp.float32) + pb1_ref[...],
        0.0)
    t = jnp.dot(z, p2_ref[...], preferred_element_type=jnp.float32) + pb2_ref[...]
    o_ref[...] = 1.0 / (1.0 + jnp.exp(-t))


def _tc_final(p, cnts, x, wl, bl, wr, P1, pb1, P2, pb2):
    return pl.pallas_call(
        _tc_final_body,
        grid=(N // _BLK,),
        in_specs=[
            pl.BlockSpec((NC, _BLK, D), lambda i: (0, i, 0)),
            pl.BlockSpec((NC, _BLK, D), lambda i: (0, i, 0)),
            pl.BlockSpec((_BLK, D), lambda i: (i, 0)),
            pl.BlockSpec((D, D), lambda i: (0, 0)),
            pl.BlockSpec((1, D), lambda i: (0, 0)),
            pl.BlockSpec((D, D), lambda i: (0, 0)),
            pl.BlockSpec((D, D), lambda i: (0, 0)),
            pl.BlockSpec((1, D), lambda i: (0, 0)),
            pl.BlockSpec((D, 1), lambda i: (0, 0)),
            pl.BlockSpec((1, 1), lambda i: (0, 0)),
        ],
        out_specs=pl.BlockSpec((_BLK, 1), lambda i: (i, 0)),
        out_shape=jax.ShapeDtypeStruct((N, 1), jnp.float32),
    )(p, cnts, x, wl, bl.reshape(1, D), wr,
      P1, pb1.reshape(1, D), P2, pb2.reshape(1, 1))


def kernel(x, edge_index, W_l1, b_l1, W_r1, W_l2, b_l2, W_r2,
           W_l3, b_l3, W_r3, P1, pb1, P2, pb2):
    src = edge_index[0]
    dst = edge_index[1]
    npad = EPAD - E
    src1 = jnp.concatenate([src, jnp.zeros((npad,), jnp.int32)])
    dst1 = jnp.concatenate([dst, jnp.full((npad,), N, jnp.int32)])
    z128 = jnp.zeros((CH, D), jnp.float32)
    ones128 = jnp.ones((CH, D), jnp.float32)

    (cnts,) = _sc_counts(dst1, z128, ones128)
    (p1,) = _sc_agg(x, src1, dst1, z128)
    h1 = _tc_layer(p1, cnts, x, W_l1, b_l1, W_r1, relu=True)
    (p2,) = _sc_agg(h1, src1, dst1, z128)
    h2 = _tc_layer(p2, cnts, h1, W_l2, b_l2, W_r2, relu=True)
    (p3,) = _sc_agg(h2, src1, dst1, z128)
    return _tc_final(p3, cnts, h2, W_l3, b_l3, W_r3, P1, pb1, P2, pb2)

# --- scband reference (transcript-rebuilt; emitter-appended) ---
"""Pipeline reference for scband-drainage-gnn-59665685676525 (READ-ONLY COPY).

The authoritative reference and input builder live on the scoring server;
editing this copy changes nothing except your own understanding.
"""

import jax, jax.numpy as jnp
import numpy as np

N = 10000
E = 320000
D = 128
H = 128
O = 1

def _init_linear(key, fan_in, fan_out):
    bound = 1.0 / np.sqrt(fan_in)
    return jax.random.uniform(key, (fan_in, fan_out), minval=-bound, maxval=bound, dtype=jnp.float32)

def setup_inputs(seed: int = 0):
    key = jax.random.key(seed)
    ks = jax.random.split(key, 20)
    x = jax.random.normal(ks[0], (N, D), dtype=jnp.float32)
    edge_index = jax.random.randint(ks[1], (2, E), 0, N, dtype=jnp.int32)
    inp = {"x": x, "edge_index": edge_index}
    dims = [(D, H), (H, H), (H, H)]
    for i, (fi, fo) in enumerate(dims, start=1):
        inp["W_l%d" % i] = _init_linear(ks[2 * i], fi, fo)
        inp["b_l%d" % i] = jnp.zeros((fo,), dtype=jnp.float32)
        inp["W_r%d" % i] = _init_linear(ks[2 * i + 1], fi, fo)
    inp["P1"] = _init_linear(ks[10], H, H)
    inp["pb1"] = jnp.zeros((H,), dtype=jnp.float32)
    inp["P2"] = _init_linear(ks[11], H, O)
    inp["pb2"] = jnp.zeros((O,), dtype=jnp.float32)
    return inp

def _sage_conv(x, src, dst, Wl, bl, Wr, num_nodes):
    # PyG SAGEConv with mean aggregation: lin_l(mean_agg(x_src -> dst)) + lin_r(x)
    msg = jnp.take(x, src, axis=0)
    agg = jax.ops.segment_sum(msg, dst, num_segments=num_nodes)
    cnt = jax.ops.segment_sum(jnp.ones((src.shape[0], 1), dtype=x.dtype), dst, num_segments=num_nodes)
    agg = agg / jnp.maximum(cnt, 1.0)
    return agg @ Wl + bl + x @ Wr

def reference(x, edge_index, W_l1, b_l1, W_r1, W_l2, b_l2, W_r2, W_l3, b_l3, W_r3, P1, pb1, P2, pb2):
    src = edge_index[0]
    dst = edge_index[1]
    n = x.shape[0]
    # torch_geometric.nn.GraphSAGE: ReLU between conv layers, none after the last conv
    h = _sage_conv(x, src, dst, W_l1, b_l1, W_r1, n)
    h = jax.nn.relu(h)
    h = _sage_conv(h, src, dst, W_l2, b_l2, W_r2, n)
    h = jax.nn.relu(h)
    h = _sage_conv(h, src, dst, W_l3, b_l3, W_r3, n)
    # predictor: Linear -> ReLU -> Linear -> Sigmoid
    h = jax.nn.relu(h @ P1 + pb1)
    out = jax.nn.sigmoid(h @ P2 + pb2)
    return out

if __name__ == "__main__":
    import jax
    _d = setup_inputs()
    print(jax.jit(kernel)(*tuple(_d.values())))

</pallas_src>

<mosaic_0001>
#map = affine_map<(d0, d1) -> (0, 0)>
#map1 = affine_map<(d0, d1) -> (0)>
#map2 = affine_map<(d0, d1) -> (0, 0, 0)>
module attributes {stable_mosaic.version = 14 : i64} {
  func.func @_sc_agg(%arg0: i32, %arg1: i32, %arg2: memref<10000x128xf32, #tpu.memory_space<hbm>>, %arg3: memref<327680xi32, #tpu.memory_space<hbm>>, %arg4: memref<327680xi32, #tpu.memory_space<hbm>>, %arg5: memref<128x128xf32, #tpu.memory_space<hbm>>, %arg6: memref<2x10240x128xf32, #tpu.memory_space<hbm>>, %arg7: memref<10240x128xf32, #tpu.memory_space<vmem_shared>>, %arg8: memref<128xi32, #tpu.memory_space<vmem>>, %arg9: memref<128xi32, #tpu.memory_space<vmem>>, %arg10: memref<128xi32, #tpu.memory_space<vmem>>, %arg11: memref<128xi32, #tpu.memory_space<vmem>>, %arg12: memref<128x128xf32, #tpu.memory_space<vmem>>, %arg13: memref<128x128xf32, #tpu.memory_space<vmem>>, %arg14: memref<!tpu.dma_semaphore, #tpu.memory_space<semaphore_mem>>, %arg15: memref<!tpu.dma_semaphore, #tpu.memory_space<semaphore_mem>>, %arg16: memref<!tpu.dma_semaphore, #tpu.memory_space<semaphore_mem>>, %arg17: memref<!tpu.dma_semaphore, #tpu.memory_space<semaphore_mem>>, %arg18: memref<!tpu.dma_semaphore, #tpu.memory_space<semaphore_mem>>, %arg19: memref<!tpu.dma_semaphore, #tpu.memory_space<semaphore_mem>>) attributes {dimension_semantics = [#tpu.dimension_semantics<core_parallel>, #tpu.dimension_semantics<subcore_parallel>], iteration_bounds = array<i64: 2, 16>, scalar_prefetch = 0 : i64, scratch_operands = 13 : i64, tpu.core_type = #tpu.core_type<sc_vector_subcore>, window_params = [{transform_indices = #map}, {transform_indices = #map1}, {transform_indices = #map1}, {transform_indices = #map}, {transform_indices = #map2}]} {
    %mul3A = arith.constant 16 : i32
    %mul3A_0 = arith.muli %arg0, %mul3A : i32
    %add3A = arith.addi %mul3A_0, %arg1 : i32
    %mul3A_1 = arith.constant 640 : i32
    %mul3A_2 = arith.muli %arg1, %mul3A_1 : i32
    %add3A_3 = arith.constant 0 : i32
    %add3A_4 = arith.addi %mul3A_2, %add3A_3 : i32
    "tpu.region"() ({
      %run_scoped3A = tpu.sem_alloc : memref<!tpu.dma_semaphore, #tpu.memory_space<semaphore_mem>>
      %dma_start3A_79 = arith.constant 0 : i32
      %dma_start3A_80 = tpu.memref_slice %arg7[%add3A_4, %dma_start3A_79] : memref<10240x128xf32, #tpu.memory_space<vmem_shared>> -> memref<128x128xf32, #tpu.memory_space<vmem_shared>>
      tpu.enqueue_dma source(%arg5 : memref<128x128xf32, #tpu.memory_space<hbm>>) target(%dma_start3A_80 : memref<128x128xf32, #tpu.memory_space<vmem_shared>>) target_semaphore(%run_scoped3A : memref<!tpu.dma_semaphore, #tpu.memory_space<semaphore_mem>>)
      %dma_wait3A_81 = arith.constant 0 : i32
      %dma_wait3A_82 = tpu.memref_slice %arg7[%add3A_4, %dma_wait3A_81] : memref<10240x128xf32, #tpu.memory_space<vmem_shared>> -> memref<128x128xf32, #tpu.memory_space<vmem_shared>>
      tpu.wait_dma2 semaphore(%run_scoped3A : memref<!tpu.dma_semaphore, #tpu.memory_space<semaphore_mem>>) src(%arg5 : memref<128x128xf32, #tpu.memory_space<hbm>>) dst(%dma_wait3A_82 : memref<128x128xf32, #tpu.memory_space<vmem_shared>>)
      tpu.yield
    }) : () -> ()
    %mul3A_5 = arith.constant 640 : i32
    %mul3A_6 = arith.muli %arg1, %mul3A_5 : i32
    %add3A_7 = arith.constant 128 : i32
    %add3A_8 = arith.addi %mul3A_6, %add3A_7 : i32
    "tpu.region"() ({
      %run_scoped3A = tpu.sem_alloc : memref<!tpu.dma_semaphore, #tpu.memory_space<semaphore_mem>>
      %dma_start3A_79 = arith.constant 0 : i32
      %dma_start3A_80 = tpu.memref_slice %arg7[%add3A_8, %dma_start3A_79] : memref<10240x128xf32, #tpu.memory_space<vmem_shared>> -> memref<128x128xf32, #tpu.memory_space<vmem_shared>>
      tpu.enqueue_dma source(%arg5 : memref<128x128xf32, #tpu.memory_space<hbm>>) target(%dma_start3A_80 : memref<128x128xf32, #tpu.memory_space<vmem_shared>>) target_semaphore(%run_scoped3A : memref<!tpu.dma_semaphore, #tpu.memory_space<semaphore_mem>>)
      %dma_wait3A_81 = arith.constant 0 : i32
      %dma_wait3A_82 = tpu.memref_slice %arg7[%add3A_8, %dma_wait3A_81] : memref<10240x128xf32, #tpu.memory_space<vmem_shared>> -> memref<128x128xf32, #tpu.memory_space<vmem_shared>>
      tpu.wait_dma2 semaphore(%run_scoped3A : memref<!tpu.dma_semaphore, #tpu.memory_space<semaphore_mem>>) src(%arg5 : memref<128x128xf32, #tpu.memory_space<hbm>>) dst(%dma_wait3A_82 : memref<128x128xf32, #tpu.memory_space<vmem_shared>>)
      tpu.yield
    }) : () -> ()
    %mul3A_9 = arith.constant 640 : i32
    %mul3A_10 = arith.muli %arg1, %mul3A_9 : i32
    %add3A_11 = arith.constant 256 : i32
    %add3A_12 = arith.addi %mul3A_10, %add3A_11 : i32
    "tpu.region"() ({
      %run_scoped3A = tpu.sem_alloc : memref<!tpu.dma_semaphore, #tpu.memory_space<semaphore_mem>>
      %dma_start3A_79 = arith.constant 0 : i32
      %dma_start3A_80 = tpu.memref_slice %arg7[%add3A_12, %dma_start3A_79] : memref<10240x128xf32, #tpu.memory_space<vmem_shared>> -> memref<128x128xf32, #tpu.memory_space<vmem_shared>>
      tpu.enqueue_dma source(%arg5 : memref<128x128xf32, #tpu.memory_space<hbm>>) target(%dma_start3A_80 : memref<128x128xf32, #tpu.memory_space<vmem_shared>>) target_semaphore(%run_scoped3A : memref<!tpu.dma_semaphore, #tpu.memory_space<semaphore_mem>>)
      %dma_wait3A_81 = arith.constant 0 : i32
      %dma_wait3A_82 = tpu.memref_slice %arg7[%add3A_12, %dma_wait3A_81] : memref<10240x128xf32, #tpu.memory_space<vmem_shared>> -> memref<128x128xf32, #tpu.memory_space<vmem_shared>>
      tpu.wait_dma2 semaphore(%run_scoped3A : memref<!tpu.dma_semaphore, #tpu.memory_space<semaphore_mem>>) src(%arg5 : memref<128x128xf32, #tpu.memory_space<hbm>>) dst(%dma_wait3A_82 : memref<128x128xf32, #tpu.memory_space<vmem_shared>>)
      tpu.yield
    }) : () -> ()
    %mul3A_13 = arith.constant 640 : i32
    %mul3A_14 = arith.muli %arg1, %mul3A_13 : i32
    %add3A_15 = arith.constant 384 : i32
    %add3A_16 = arith.addi %mul3A_14, %add3A_15 : i32
    "tpu.region"() ({
      %run_scoped3A = tpu.sem_alloc : memref<!tpu.dma_semaphore, #tpu.memory_space<semaphore_mem>>
      %dma_start3A_79 = arith.constant 0 : i32
      %dma_start3A_80 = tpu.memref_slice %arg7[%add3A_16, %dma_start3A_79] : memref<10240x128xf32, #tpu.memory_space<vmem_shared>> -> memref<128x128xf32, #tpu.memory_space<vmem_shared>>
      tpu.enqueue_dma source(%arg5 : memref<128x128xf32, #tpu.memory_space<hbm>>) target(%dma_start3A_80 : memref<128x128xf32, #tpu.memory_space<vmem_shared>>) target_semaphore(%run_scoped3A : memref<!tpu.dma_semaphore, #tpu.memory_space<semaphore_mem>>)
      %dma_wait3A_81 = arith.constant 0 : i32
      %dma_wait3A_82 = tpu.memref_slice %arg7[%add3A_16, %dma_wait3A_81] : memref<10240x128xf32, #tpu.memory_space<vmem_shared>> -> memref<128x128xf32, #tpu.memory_space<vmem_shared>>
      tpu.wait_dma2 semaphore(%run_scoped3A : memref<!tpu.dma_semaphore, #tpu.memory_space<semaphore_mem>>) src(%arg5 : memref<128x128xf32, #tpu.memory_space<hbm>>) dst(%dma_wait3A_82 : memref<128x128xf32, #tpu.memory_space<vmem_shared>>)
      tpu.yield
    }) : () -> ()
    %mul3A_17 = arith.constant 640 : i32
    %mul3A_18 = arith.muli %arg1, %mul3A_17 : i32
    %add3A_19 = arith.constant 512 : i32
    %add3A_20 = arith.addi %mul3A_18, %add3A_19 : i32
    "tpu.region"() ({
      %run_scoped3A = tpu.sem_alloc : memref<!tpu.dma_semaphore, #tpu.memory_space<semaphore_mem>>
      %dma_start3A_79 = arith.constant 0 : i32
      %dma_start3A_80 = tpu.memref_slice %arg7[%add3A_20, %dma_start3A_79] : memref<10240x128xf32, #tpu.memory_space<vmem_shared>> -> memref<128x128xf32, #tpu.memory_space<vmem_shared>>
      tpu.enqueue_dma source(%arg5 : memref<128x128xf32, #tpu.memory_space<hbm>>) target(%dma_start3A_80 : memref<128x128xf32, #tpu.memory_space<vmem_shared>>) target_semaphore(%run_scoped3A : memref<!tpu.dma_semaphore, #tpu.memory_space<semaphore_mem>>)
      %dma_wait3A_81 = arith.constant 0 : i32
      %dma_wait3A_82 = tpu.memref_slice %arg7[%add3A_20, %dma_wait3A_81] : memref<10240x128xf32, #tpu.memory_space<vmem_shared>> -> memref<128x128xf32, #tpu.memory_space<vmem_shared>>
      tpu.wait_dma2 semaphore(%run_scoped3A : memref<!tpu.dma_semaphore, #tpu.memory_space<semaphore_mem>>) src(%arg5 : memref<128x128xf32, #tpu.memory_space<hbm>>) dst(%dma_wait3A_82 : memref<128x128xf32, #tpu.memory_space<vmem_shared>>)
      tpu.yield
    }) : () -> ()
    %barrier3A = arith.constant 0 : index
    tpu.barrier barrier_id(%barrier3A)
    %mul3A_21 = arith.constant 10240 : i32
    %mul3A_22 = arith.muli %add3A, %mul3A_21 : i32
    %add3A_23 = arith.constant 0 : i32
    %add3A_24 = arith.addi %mul3A_22, %add3A_23 : i32
    %dma_start3A = tpu.memref_slice %arg3[%add3A_24] : memref<327680xi32, #tpu.memory_space<hbm>> -> memref<128xi32, #tpu.memory_space<hbm>>
    %dma_start3A_25 = tpu.memref_slice %arg3[%add3A_24] : memref<327680xi32, #tpu.memory_space<hbm>> -> memref<128xi32, #tpu.memory_space<hbm>>
    tpu.enqueue_dma source(%dma_start3A_25 : memref<128xi32, #tpu.memory_space<hbm>>) target(%arg8 : memref<128xi32, #tpu.memory_space<vmem>>) target_semaphore(%arg14 : memref<!tpu.dma_semaphore, #tpu.memory_space<semaphore_mem>>)
    %dma_start3A_26 = tpu.memref_slice %arg4[%add3A_24] : memref<327680xi32, #tpu.memory_space<hbm>> -> memref<128xi32, #tpu.memory_space<hbm>>
    %dma_start3A_27 = tpu.memref_slice %arg4[%add3A_24] : memref<327680xi32, #tpu.memory_space<hbm>> -> memref<128xi32, #tpu.memory_space<hbm>>
    tpu.enqueue_dma source(%dma_start3A_27 : memref<128xi32, #tpu.memory_space<hbm>>) target(%arg10 : memref<128xi32, #tpu.memory_space<vmem>>) target_semaphore(%arg16 : memref<!tpu.dma_semaphore, #tpu.memory_space<semaphore_mem>>)
    %mul3A_28 = arith.constant 10240 : i32
    %mul3A_29 = arith.muli %add3A, %mul3A_28 : i32
    %add3A_30 = arith.constant 128 : i32
    %add3A_31 = arith.addi %mul3A_29, %add3A_30 : i32
    %dma_start3A_32 = tpu.memref_slice %arg3[%add3A_31] : memref<327680xi32, #tpu.memory_space<hbm>> -> memref<128xi32, #tpu.memory_space<hbm>>
    %dma_start3A_33 = tpu.memref_slice %arg3[%add3A_31] : memref<327680xi32, #tpu.memory_space<hbm>> -> memref<128xi32, #tpu.memory_space<hbm>>
    tpu.enqueue_dma source(%dma_start3A_33 : memref<128xi32, #tpu.memory_space<hbm>>) target(%arg9 : memref<128xi32, #tpu.memory_space<vmem>>) target_semaphore(%arg15 : memref<!tpu.dma_semaphore, #tpu.memory_space<semaphore_mem>>)
    %dma_start3A_34 = tpu.memref_slice %arg4[%add3A_31] : memref<327680xi32, #tpu.memory_space<hbm>> -> memref<128xi32, #tpu.memory_space<hbm>>
    %dma_start3A_35 = tpu.memref_slice %arg4[%add3A_31] : memref<327680xi32, #tpu.memory_space<hbm>> -> memref<128xi32, #tpu.memory_space<hbm>>
    tpu.enqueue_dma source(%dma_start3A_35 : memref<128xi32, #tpu.memory_space<hbm>>) target(%arg11 : memref<128xi32, #tpu.memory_space<vmem>>) target_semaphore(%arg17 : memref<!tpu.dma_semaphore, #tpu.memory_space<semaphore_mem>>)
    %dma_wait3A = arith.constant 0 : i32
    %dma_wait3A_36 = tpu.memref_slice %arg3[%dma_wait3A] : memref<327680xi32, #tpu.memory_space<hbm>> -> memref<128xi32, #tpu.memory_space<hbm>>
    %dma_wait3A_37 = arith.constant 0 : i32
    %dma_wait3A_38 = tpu.memref_slice %arg3[%dma_wait3A_37] : memref<327680xi32, #tpu.memory_space<hbm>> -> memref<128xi32, #tpu.memory_space<hbm>>
    tpu.wait_dma2 semaphore(%arg14 : memref<!tpu.dma_semaphore, #tpu.memory_space<semaphore_mem>>) src(%dma_wait3A_38 : memref<128xi32, #tpu.memory_space<hbm>>) dst(%arg8 : memref<128xi32, #tpu.memory_space<vmem>>)
    %dma_start3A_39 = arith.constant 0 : i32
    %dma_start3A_40 = arith.constant 0 : i32
    %dma_start3A_41 = tpu.memref_slice %arg2[%dma_start3A_39, %dma_start3A_40] : memref<10000x128xf32, #tpu.memory_space<hbm>> -> memref<10000x128xf32, #tpu.memory_space<hbm>>
    tpu.enqueue_indirect_dma source(%dma_start3A_41 : memref<10000x128xf32, #tpu.memory_space<hbm>>) target(%arg12 : memref<128x128xf32, #tpu.memory_space<vmem>>) offsets(%arg8 : memref<128xi32, #tpu.memory_space<vmem>>) semaphore(%arg18 : memref<!tpu.dma_semaphore, #tpu.memory_space<semaphore_mem>>)
    %scan3A = arith.constant 0 : i32
    %scan3A_42 = arith.constant 0 : i32
    %scan3A_43 = arith.constant 39 : i32
    %scan3A_44 = arith.addi %scan3A_42, %scan3A_43 : i32
    %scan3A_45 = arith.constant 1 : i32
    scf.for %scan3A_79 = %scan3A_42 to %scan3A_44 step %scan3A_45  : i32 {
      %mul3A_80 = arith.constant 2 : i32
      %mul3A_81 = arith.muli %mul3A_80, %scan3A_79 : i32
      %dma_wait3A_82 = arith.constant 0 : i32
      %dma_wait3A_83 = tpu.memref_slice %arg3[%dma_wait3A_82] : memref<327680xi32, #tpu.memory_space<hbm>> -> memref<128xi32, #tpu.memory_space<hbm>>
      %dma_wait3A_84 = arith.constant 0 : i32
      %dma_wait3A_85 = tpu.memref_slice %arg3[%dma_wait3A_84] : memref<327680xi32, #tpu.memory_space<hbm>> -> memref<128xi32, #tpu.memory_space<hbm>>
      tpu.wait_dma2 semaphore(%arg15 : memref<!tpu.dma_semaphore, #tpu.memory_space<semaphore_mem>>) src(%dma_wait3A_85 : memref<128xi32, #tpu.memory_space<hbm>>) dst(%arg9 : memref<128xi32, #tpu.memory_space<vmem>>)
      %dma_start3A_86 = arith.constant 0 : i32
      %dma_start3A_87 = arith.constant 0 : i32
      %dma_start3A_88 = tpu.memref_slice %arg2[%dma_start3A_86, %dma_start3A_87] : memref<10000x128xf32, #tpu.memory_space<hbm>> -> memref<10000x128xf32, #tpu.memory_space<hbm>>
      tpu.enqueue_indirect_dma source(%dma_start3A_88 : memref<10000x128xf32, #tpu.memory_space<hbm>>) target(%arg13 : memref<128x128xf32, #tpu.memory_space<vmem>>) offsets(%arg9 : memref<128xi32, #tpu.memory_space<vmem>>) semaphore(%arg19 : memref<!tpu.dma_semaphore, #tpu.memory_space<semaphore_mem>>)
      %dma_wait3A_89 = arith.constant 0 : i32
      %dma_wait3A_90 = arith.constant 0 : i32
      %dma_wait3A_91 = tpu.memref_slice %arg2[%dma_wait3A_89, %dma_wait3A_90] : memref<10000x128xf32, #tpu.memory_space<hbm>> -> memref<128x128xf32, #tpu.memory_space<hbm>>
      %dma_wait3A_92 = arith.constant 0 : i32
      %dma_wait3A_93 = arith.constant 0 : i32
      %dma_wait3A_94 = tpu.memref_slice %arg2[%dma_wait3A_92, %dma_wait3A_93] : memref<10000x128xf32, #tpu.memory_space<hbm>> -> memref<128x128xf32, #tpu.memory_space<hbm>>
      tpu.wait_dma2 semaphore(%arg18 : memref<!tpu.dma_semaphore, #tpu.memory_space<semaphore_mem>>) src(%dma_wait3A_94 : memref<128x128xf32, #tpu.memory_space<hbm>>) dst(%arg12 : memref<128x128xf32, #tpu.memory_space<vmem>>)
      %dma_wait3A_95 = arith.constant 0 : i32
      %dma_wait3A_96 = tpu.memref_slice %arg4[%dma_wait3A_95] : memref<327680xi32, #tpu.memory_space<hbm>> -> memref<128xi32, #tpu.memory_space<hbm>>
      %dma_wait3A_97 = arith.constant 0 : i32
      %dma_wait3A_98 = tpu.memref_slice %arg4[%dma_wait3A_97] : memref<327680xi32, #tpu.memory_space<hbm>> -> memref<128xi32, #tpu.memory_space<hbm>>
      tpu.wait_dma2 semaphore(%arg16 : memref<!tpu.dma_semaphore, #tpu.memory_space<semaphore_mem>>) src(%dma_wait3A_98 : memref<128xi32, #tpu.memory_space<hbm>>) dst(%arg10 : memref<128xi32, #tpu.memory_space<vmem>>)
      "tpu.region"() ({
        %run_scoped3A = tpu.sem_alloc : memref<!tpu.dma_semaphore, #tpu.memory_space<semaphore_mem>>
        %dma_start3A_142 = arith.constant 0 : i32
        %dma_start3A_143 = arith.constant 0 : i32
        %dma_start3A_144 = tpu.memref_slice %arg7[%dma_start3A_142, %dma_start3A_143] : memref<10240x128xf32, #tpu.memory_space<vmem_shared>> -> memref<10240x128xf32, #tpu.memory_space<vmem_shared>>
        tpu.enqueue_indirect_dma source(%arg12 : memref<128x128xf32, #tpu.memory_space<vmem>>) target(%dma_start3A_144 : memref<10240x128xf32, #tpu.memory_space<vmem_shared>>) offsets(%arg10 : memref<128xi32, #tpu.memory_space<vmem>>) semaphore(%run_scoped3A : memref<!tpu.dma_semaphore, #tpu.memory_space<semaphore_mem>>) {add = true}
        %dma_wait3A_145 = arith.constant 0 : i32
        %dma_wait3A_146 = arith.constant 0 : i32
        %dma_wait3A_147 = tpu.memref_slice %arg7[%dma_wait3A_145, %dma_wait3A_146] : memref<10240x128xf32, #tpu.memory_space<vmem_shared>> -> memref<10240x128xf32, #tpu.memory_space<vmem_shared>>
        tpu.wait_indirect_dma semaphore(%run_scoped3A : memref<!tpu.dma_semaphore, #tpu.memory_space<semaphore_mem>>) src(%arg12 : memref<128x128xf32, #tpu.memory_space<vmem>>) dst(%dma_wait3A_147 : memref<10240x128xf32, #tpu.memory_space<vmem_shared>>)
        tpu.yield
      }) : () -> ()
      %add3A_99 = arith.constant 2 : i32
      %add3A_100 = arith.addi %mul3A_81, %add3A_99 : i32
      %mul3A_101 = arith.constant 10240 : i32
      %mul3A_102 = arith.muli %add3A, %mul3A_101 : i32
      %mul3A_103 = arith.constant 128 : i32
      %mul3A_104 = arith.muli %add3A_100, %mul3A_103 : i32
      %add3A_105 = arith.addi %mul3A_102, %mul3A_104 : i32
      %dma_start3A_106 = tpu.memref_slice %arg3[%add3A_105] : memref<327680xi32, #tpu.memory_space<hbm>> -> memref<128xi32, #tpu.memory_space<hbm>>
      %dma_start3A_107 = tpu.memref_slice %arg3[%add3A_105] : memref<327680xi32, #tpu.memory_space<hbm>> -> memref<128xi32, #tpu.memory_space<hbm>>
      tpu.enqueue_dma source(%dma_start3A_107 : memref<128xi32, #tpu.memory_space<hbm>>) target(%arg8 : memref<128xi32, #tpu.memory_space<vmem>>) target_semaphore(%arg14 : memref<!tpu.dma_semaphore, #tpu.memory_space<semaphore_mem>>)
      %dma_start3A_108 = tpu.memref_slice %arg4[%add3A_105] : memref<327680xi32, #tpu.memory_space<hbm>> -> memref<128xi32, #tpu.memory_space<hbm>>
      %dma_start3A_109 = tpu.memref_slice %arg4[%add3A_105] : memref<327680xi32, #tpu.memory_space<hbm>> -> memref<128xi32, #tpu.memory_space<hbm>>
      tpu.enqueue_dma source(%dma_start3A_109 : memref<128xi32, #tpu.memory_space<hbm>>) target(%arg10 : memref<128xi32, #tpu.memory_space<vmem>>) target_semaphore(%arg16 : memref<!tpu.dma_semaphore, #tpu.memory_space<semaphore_mem>>)
      %mul3A_110 = arith.constant 2 : i32
      %mul3A_111 = arith.muli %mul3A_110, %scan3A_79 : i32
      %add3A_112 = arith.constant 1 : i32
      %add3A_113 = arith.addi %mul3A_111, %add3A_112 : i32
      %dma_wait3A_114 = arith.constant 0 : i32
      %dma_wait3A_115 = tpu.memref_slice %arg3[%dma_wait3A_114] : memref<327680xi32, #tpu.memory_space<hbm>> -> memref<128xi32, #tpu.memory_space<hbm>>
      %dma_wait3A_116 = arith.constant 0 : i32
      %dma_wait3A_117 = tpu.memref_slice %arg3[%dma_wait3A_116] : memref<327680xi32, #tpu.memory_space<hbm>> -> memref<128xi32, #tpu.memory_space<hbm>>
      tpu.wait_dma2 semaphore(%arg14 : memref<!tpu.dma_semaphore, #tpu.memory_space<semaphore_mem>>) src(%dma_wait3A_117 : memref<128xi32, #tpu.memory_space<hbm>>) dst(%arg8 : memref<128xi32, #tpu.memory_space<vmem>>)
      %dma_start3A_118 = arith.constant 0 : i32
      %dma_start3A_119 = arith.constant 0 : i32
      %dma_start3A_120 = tpu.memref_slice %arg2[%dma_start3A_118, %dma_start3A_119] : memref<10000x128xf32, #tpu.memory_space<hbm>> -> memref<10000x128xf32, #tpu.memory_space<hbm>>
      tpu.enqueue_indirect_dma source(%dma_start3A_120 : memref<10000x128xf32, #tpu.memory_space<hbm>>) target(%arg12 : memref<128x128xf32, #tpu.memory_space<vmem>>) offsets(%arg8 : memref<128xi32, #tpu.memory_space<vmem>>) semaphore(%arg18 : memref<!tpu.dma_semaphore, #tpu.memory_space<semaphore_mem>>)
      %dma_wait3A_121 = arith.constant 0 : i32
      %dma_wait3A_122 = arith.constant 0 : i32
      %dma_wait3A_123 = tpu.memref_slice %arg2[%dma_wait3A_121, %dma_wait3A_122] : memref<10000x128xf32, #tpu.memory_space<hbm>> -> memref<128x128xf32, #tpu.memory_space<hbm>>
      %dma_wait3A_124 = arith.constant 0 : i32
      %dma_wait3A_125 = arith.constant 0 : i32
      %dma_wait3A_126 = tpu.memref_slice %arg2[%dma_wait3A_124, %dma_wait3A_125] : memref<10000x128xf32, #tpu.memory_space<hbm>> -> memref<128x128xf32, #tpu.memory_space<hbm>>
      tpu.wait_dma2 semaphore(%arg19 : memref<!tpu.dma_semaphore, #tpu.memory_space<semaphore_mem>>) src(%dma_wait3A_126 : memref<128x128xf32, #tpu.memory_space<hbm>>) dst(%arg13 : memref<128x128xf32, #tpu.memory_space<vmem>>)
      %dma_wait3A_127 = arith.constant 0 : i32
      %dma_wait3A_128 = tpu.memref_slice %arg4[%dma_wait3A_127] : memref<327680xi32, #tpu.memory_space<hbm>> -> memref<128xi32, #tpu.memory_space<hbm>>
      %dma_wait3A_129 = arith.constant 0 : i32
      %dma_wait3A_130 = tpu.memref_slice %arg4[%dma_wait3A_129] : memref<327680xi32, #tpu.memory_space<hbm>> -> memref<128xi32, #tpu.memory_space<hbm>>
      tpu.wait_dma2 semaphore(%arg17 : memref<!tpu.dma_semaphore, #tpu.memory_space<semaphore_mem>>) src(%dma_wait3A_130 : memref<128xi32, #tpu.memory_space<hbm>>) dst(%arg11 : memref<128xi32, #tpu.memory_space<vmem>>)
      "tpu.region"() ({
        %run_scoped3A = tpu.sem_alloc : memref<!tpu.dma_semaphore, #tpu.memory_space<semaphore_mem>>
        %dma_start3A_142 = arith.constant 0 : i32
        %dma_start3A_143 = arith.constant 0 : i32
        %dma_start3A_144 = tpu.memref_slice %arg7[%dma_start3A_142, %dma_start3A_143] : memref<10240x128xf32, #tpu.memory_space<vmem_shared>> -> memref<10240x128xf32, #tpu.memory_space<vmem_shared>>
        tpu.enqueue_indirect_dma source(%arg13 : memref<128x128xf32, #tpu.memory_space<vmem>>) target(%dma_start3A_144 : memref<10240x128xf32, #tpu.memory_space<vmem_shared>>) offsets(%arg11 : memref<128xi32, #tpu.memory_space<vmem>>) semaphore(%run_scoped3A : memref<!tpu.dma_semaphore, #tpu.memory_space<semaphore_mem>>) {add = true}
        %dma_wait3A_145 = arith.constant 0 : i32
        %dma_wait3A_146 = arith.constant 0 : i32
        %dma_wait3A_147 = tpu.memref_slice %arg7[%dma_wait3A_145, %dma_wait3A_146] : memref<10240x128xf32, #tpu.memory_space<vmem_shared>> -> memref<10240x128xf32, #tpu.memory_space<vmem_shared>>
        tpu.wait_indirect_dma semaphore(%run_scoped3A : memref<!tpu.dma_semaphore, #tpu.memory_space<semaphore_mem>>) src(%arg13 : memref<128x128xf32, #tpu.memory_space<vmem>>) dst(%dma_wait3A_147 : memref<10240x128xf32, #tpu.memory_space<vmem_shared>>)
        tpu.yield
      }) : () -> ()
      %add3A_131 = arith.constant 2 : i32
      %add3A_132 = arith.addi %add3A_113, %add3A_131 : i32
      %mul3A_133 = arith.constant 10240 : i32
      %mul3A_134 = arith.muli %add3A, %mul3A_133 : i32
      %mul3A_135 = arith.constant 128 : i32
      %mul3A_136 = arith.muli %add3A_132, %mul3A_135 : i32
      %add3A_137 = arith.addi %mul3A_134, %mul3A_136 : i32
      %dma_start3A_138 = tpu.memref_slice %arg3[%add3A_137] : memref<327680xi32, #tpu.memory_space<hbm>> -> memref<128xi32, #tpu.memory_space<hbm>>
      %dma_start3A_139 = tpu.memref_slice %arg3[%add3A_137] : memref<327680xi32, #tpu.memory_space<hbm>> -> memref<128xi32, #tpu.memory_space<hbm>>
      tpu.enqueue_dma source(%dma_start3A_139 : memref<128xi32, #tpu.memory_space<hbm>>) target(%arg9 : memref<128xi32, #tpu.memory_space<vmem>>) target_semaphore(%arg15 : memref<!tpu.dma_semaphore, #tpu.memory_space<semaphore_mem>>)
      %dma_start3A_140 = tpu.memref_slice %arg4[%add3A_137] : memref<327680xi32, #tpu.memory_space<hbm>> -> memref<128xi32, #tpu.memory_space<hbm>>
      %dma_start3A_141 = tpu.memref_slice %arg4[%add3A_137] : memref<327680xi32, #tpu.memory_space<hbm>> -> memref<128xi32, #tpu.memory_space<hbm>>
      tpu.enqueue_dma source(%dma_start3A_141 : memref<128xi32, #tpu.memory_space<hbm>>) target(%arg11 : memref<128xi32, #tpu.memory_space<vmem>>) target_semaphore(%arg17 : memref<!tpu.dma_semaphore, #tpu.memory_space<semaphore_mem>>)
    }
    %scan3A_46 = arith.constant 39 : i32
    %dma_wait3A_47 = arith.constant 0 : i32
    %dma_wait3A_48 = tpu.memref_slice %arg3[%dma_wait3A_47] : memref<327680xi32, #tpu.memory_space<hbm>> -> memref<128xi32, #tpu.memory_space<hbm>>
    %dma_wait3A_49 = arith.constant 0 : i32
    %dma_wait3A_50 = tpu.memref_slice %arg3[%dma_wait3A_49] : memref<327680xi32, #tpu.memory_space<hbm>> -> memref<128xi32, #tpu.memory_space<hbm>>
    tpu.wait_dma2 semaphore(%arg15 : memref<!tpu.dma_semaphore, #tpu.memory_space<semaphore_mem>>) src(%dma_wait3A_50 : memref<128xi32, #tpu.memory_space<hbm>>) dst(%arg9 : memref<128xi32, #tpu.memory_space<vmem>>)
    %dma_start3A_51 = arith.constant 0 : i32
    %dma_start3A_52 = arith.constant 0 : i32
    %dma_start3A_53 = tpu.memref_slice %arg2[%dma_start3A_51, %dma_start3A_52] : memref<10000x128xf32, #tpu.memory_space<hbm>> -> memref<10000x128xf32, #tpu.memory_space<hbm>>
    tpu.enqueue_indirect_dma source(%dma_start3A_53 : memref<10000x128xf32, #tpu.memory_space<hbm>>) target(%arg13 : memref<128x128xf32, #tpu.memory_space<vmem>>) offsets(%arg9 : memref<128xi32, #tpu.memory_space<vmem>>) semaphore(%arg19 : memref<!tpu.dma_semaphore, #tpu.memory_space<semaphore_mem>>)
    %dma_wait3A_54 = arith.constant 0 : i32
    %dma_wait3A_55 = arith.constant 0 : i32
    %dma_wait3A_56 = tpu.memref_slice %arg2[%dma_wait3A_54, %dma_wait3A_55] : memref<10000x128xf32, #tpu.memory_space<hbm>> -> memref<128x128xf32, #tpu.memory_space<hbm>>
    %dma_wait3A_57 = arith.constant 0 : i32
    %dma_wait3A_58 = arith.constant 0 : i32
    %dma_wait3A_59 = tpu.memref_slice %arg2[%dma_wait3A_57, %dma_wait3A_58] : memref<10000x128xf32, #tpu.memory_space<hbm>> -> memref<128x128xf32, #tpu.memory_space<hbm>>
    tpu.wait_dma2 semaphore(%arg18 : memref<!tpu.dma_semaphore, #tpu.memory_space<semaphore_mem>>) src(%dma_wait3A_59 : memref<128x128xf32, #tpu.memory_space<hbm>>) dst(%arg12 : memref<128x128xf32, #tpu.memory_space<vmem>>)
    %dma_wait3A_60 = arith.constant 0 : i32
    %dma_wait3A_61 = tpu.memref_slice %arg4[%dma_wait3A_60] : memref<327680xi32, #tpu.memory_space<hbm>> -> memref<128xi32, #tpu.memory_space<hbm>>
    %dma_wait3A_62 = arith.constant 0 : i32
    %dma_wait3A_63 = tpu.memref_slice %arg4[%dma_wait3A_62] : memref<327680xi32, #tpu.memory_space<hbm>> -> memref<128xi32, #tpu.memory_space<hbm>>
    tpu.wait_dma2 semaphore(%arg16 : memref<!tpu.dma_semaphore, #tpu.memory_space<semaphore_mem>>) src(%dma_wait3A_63 : memref<128xi32, #tpu.memory_space<hbm>>) dst(%arg10 : memref<128xi32, #tpu.memory_space<vmem>>)
    "tpu.region"() ({
      %run_scoped3A = tpu.sem_alloc : memref<!tpu.dma_semaphore, #tpu.memory_space<semaphore_mem>>
      %dma_start3A_79 = arith.constant 0 : i32
      %dma_start3A_80 = arith.constant 0 : i32
      %dma_start3A_81 = tpu.memref_slice %arg7[%dma_start3A_79, %dma_start3A_80] : memref<10240x128xf32, #tpu.memory_space<vmem_shared>> -> memref<10240x128xf32, #tpu.memory_space<vmem_shared>>
      tpu.enqueue_indirect_dma source(%arg12 : memref<128x128xf32, #tpu.memory_space<vmem>>) target(%dma_start3A_81 : memref<10240x128xf32, #tpu.memory_space<vmem_shared>>) offsets(%arg10 : memref<128xi32, #tpu.memory_space<vmem>>) semaphore(%run_scoped3A : memref<!tpu.dma_semaphore, #tpu.memory_space<semaphore_mem>>) {add = true}
      %dma_wait3A_82 = arith.constant 0 : i32
      %dma_wait3A_83 = arith.constant 0 : i32
      %dma_wait3A_84 = tpu.memref_slice %arg7[%dma_wait3A_82, %dma_wait3A_83] : memref<10240x128xf32, #tpu.memory_space<vmem_shared>> -> memref<10240x128xf32, #tpu.memory_space<vmem_shared>>
      tpu.wait_indirect_dma semaphore(%run_scoped3A : memref<!tpu.dma_semaphore, #tpu.memory_space<semaphore_mem>>) src(%arg12 : memref<128x128xf32, #tpu.memory_space<vmem>>) dst(%dma_wait3A_84 : memref<10240x128xf32, #tpu.memory_space<vmem_shared>>)
      tpu.yield
    }) : () -> ()
    %dma_wait3A_64 = arith.constant 0 : i32
    %dma_wait3A_65 = arith.constant 0 : i32
    %dma_wait3A_66 = tpu.memref_slice %arg2[%dma_wait3A_64, %dma_wait3A_65] : memref<10000x128xf32, #tpu.memory_space<hbm>> -> memref<128x128xf32, #tpu.memory_space<hbm>>
    %dma_wait3A_67 = arith.constant 0 : i32
    %dma_wait3A_68 = arith.constant 0 : i32
    %dma_wait3A_69 = tpu.memref_slice %arg2[%dma_wait3A_67, %dma_wait3A_68] : memref<10000x128xf32, #tpu.memory_space<hbm>> -> memref<128x128xf32, #tpu.memory_space<hbm>>
    tpu.wait_dma2 semaphore(%arg19 : memref<!tpu.dma_semaphore, #tpu.memory_space<semaphore_mem>>) src(%dma_wait3A_69 : memref<128x128xf32, #tpu.memory_space<hbm>>) dst(%arg13 : memref<128x128xf32, #tpu.memory_space<vmem>>)
    %dma_wait3A_70 = arith.constant 0 : i32
    %dma_wait3A_71 = tpu.memref_slice %arg4[%dma_wait3A_70] : memref<327680xi32, #tpu.memory_space<hbm>> -> memref<128xi32, #tpu.memory_space<hbm>>
    %dma_wait3A_72 = arith.constant 0 : i32
    %dma_wait3A_73 = tpu.memref_slice %arg4[%dma_wait3A_72] : memref<327680xi32, #tpu.memory_space<hbm>> -> memref<128xi32, #tpu.memory_space<hbm>>
    tpu.wait_dma2 semaphore(%arg17 : memref<!tpu.dma_semaphore, #tpu.memory_space<semaphore_mem>>) src(%dma_wait3A_73 : memref<128xi32, #tpu.memory_space<hbm>>) dst(%arg11 : memref<128xi32, #tpu.memory_space<vmem>>)
    "tpu.region"() ({
      %run_scoped3A = tpu.sem_alloc : memref<!tpu.dma_semaphore, #tpu.memory_space<semaphore_mem>>
      %dma_start3A_79 = arith.constant 0 : i32
      %dma_start3A_80 = arith.constant 0 : i32
      %dma_start3A_81 = tpu.memref_slice %arg7[%dma_start3A_79, %dma_start3A_80] : memref<10240x128xf32, #tpu.memory_space<vmem_shared>> -> memref<10240x128xf32, #tpu.memory_space<vmem_shared>>
      tpu.enqueue_indirect_dma source(%arg13 : memref<128x128xf32, #tpu.memory_space<vmem>>) target(%dma_start3A_81 : memref<10240x128xf32, #tpu.memory_space<vmem_shared>>) offsets(%arg11 : memref<128xi32, #tpu.memory_space<vmem>>) semaphore(%run_scoped3A : memref<!tpu.dma_semaphore, #tpu.memory_space<semaphore_mem>>) {add = true}
      %dma_wait3A_82 = arith.constant 0 : i32
      %dma_wait3A_83 = arith.constant 0 : i32
      %dma_wait3A_84 = tpu.memref_slice %arg7[%dma_wait3A_82, %dma_wait3A_83] : memref<10240x128xf32, #tpu.memory_space<vmem_shared>> -> memref<10240x128xf32, #tpu.memory_space<vmem_shared>>
      tpu.wait_indirect_dma semaphore(%run_scoped3A : memref<!tpu.dma_semaphore, #tpu.memory_space<semaphore_mem>>) src(%arg13 : memref<128x128xf32, #tpu.memory_space<vmem>>) dst(%dma_wait3A_84 : memref<10240x128xf32, #tpu.memory_space<vmem_shared>>)
      tpu.yield
    }) : () -> ()
    %barrier3A_74 = arith.constant 0 : index
    tpu.barrier barrier_id(%barrier3A_74)
    %mul3A_75 = arith.constant 640 : i32
    %mul3A_76 = arith.muli %arg1, %mul3A_75 : i32
    %mul3A_77 = arith.constant 640 : i32
    %mul3A_78 = arith.muli %arg1, %mul3A_77 : i32
    "tpu.region"() ({
      %run_scoped3A = tpu.sem_alloc : memref<!tpu.dma_semaphore, #tpu.memory_space<semaphore_mem>>
      %dma_start3A_79 = arith.constant 0 : i32
      %dma_start3A_80 = tpu.memref_slice %arg6[%arg0, %mul3A_78, %dma_start3A_79] : memref<2x10240x128xf32, #tpu.memory_space<hbm>> -> memref<1x640x128xf32, #tpu.memory_space<hbm>>
      %dma_start3A_81 = tpu.memref_squeeze %dma_start3A_80 : memref<1x640x128xf32, #tpu.memory_space<hbm>> -> memref<640x128xf32, #tpu.memory_space<hbm>>
      %dma_start3A_82 = arith.constant 0 : i32
      %dma_start3A_83 = tpu.memref_slice %arg7[%mul3A_76, %dma_start3A_82] : memref<10240x128xf32, #tpu.memory_space<vmem_shared>> -> memref<640x128xf32, #tpu.memory_space<vmem_shared>>
      tpu.enqueue_dma source(%dma_start3A_83 : memref<640x128xf32, #tpu.memory_space<vmem_shared>>) target(%dma_start3A_81 : memref<640x128xf32, #tpu.memory_space<hbm>>) target_semaphore(%run_scoped3A : memref<!tpu.dma_semaphore, #tpu.memory_space<semaphore_mem>>)
      %dma_wait3A_84 = arith.constant 0 : i32
      %dma_wait3A_85 = tpu.memref_slice %arg6[%arg0, %mul3A_78, %dma_wait3A_84] : memref<2x10240x128xf32, #tpu.memory_space<hbm>> -> memref<1x640x128xf32, #tpu.memory_space<hbm>>
      %dma_wait3A_86 = tpu.memref_squeeze %dma_wait3A_85 : memref<1x640x128xf32, #tpu.memory_space<hbm>> -> memref<640x128xf32, #tpu.memory_space<hbm>>
      %dma_wait3A_87 = arith.constant 0 : i32
      %dma_wait3A_88 = tpu.memref_slice %arg7[%mul3A_76, %dma_wait3A_87] : memref<10240x128xf32, #tpu.memory_space<vmem_shared>> -> memref<640x128xf32, #tpu.memory_space<vmem_shared>>
      tpu.wait_dma2 semaphore(%run_scoped3A : memref<!tpu.dma_semaphore, #tpu.memory_space<semaphore_mem>>) src(%dma_wait3A_88 : memref<640x128xf32, #tpu.memory_space<vmem_shared>>) dst(%dma_wait3A_86 : memref<640x128xf32, #tpu.memory_space<hbm>>)
      tpu.yield
    }) : () -> ()
    return
  }
}

#map = affine_map<(d0, d1) -> (0, 0)>
#map1 = affine_map<(d0, d1) -> (0)>
#map2 = affine_map<(d0, d1) -> (0, 0, 0)>
module attributes {stable_mosaic.version = 14 : i64} {
  func.func @_sc_agg(%arg0: i32, %arg1: i32, %arg2: memref<10000x128xf32, #tpu.memory_space<hbm>>, %arg3: memref<327680xi32, #tpu.memory_space<hbm>>, %arg4: memref<327680xi32, #tpu.memory_space<hbm>>, %arg5: memref<128x128xf32, #tpu.memory_space<hbm>>, %arg6: memref<2x10240x128xf32, #tpu.memory_space<hbm>>, %arg7: memref<10240x128xf32, #tpu.memory_space<vmem_shared>>, %arg8: memref<128xi32, #tpu.memory_space<vmem>>, %arg9: memref<128xi32, #tpu.memory_space<vmem>>, %arg10: memref<128xi32, #tpu.memory_space<vmem>>, %arg11: memref<128xi32, #tpu.memory_space<vmem>>, %arg12: memref<128x128xf32, #tpu.memory_space<vmem>>, %arg13: memref<128x128xf32, #tpu.memory_space<vmem>>, %arg14: memref<!tpu.dma_semaphore, #tpu.memory_space<semaphore_mem>>, %arg15: memref<!tpu.dma_semaphore, #tpu.memory_space<semaphore_mem>>, %arg16: memref<!tpu.dma_semaphore, #tpu.memory_space<semaphore_mem>>, %arg17: memref<!tpu.dma_semaphore, #tpu.memory_space<semaphore_mem>>, %arg18: memref<!tpu.dma_semaphore, #tpu.memory_space<semaphore_mem>>, %arg19: memref<!tpu.dma_semaphore, #tpu.memory_space<semaphore_mem>>) attributes {dimension_semantics = [#tpu.dimension_semantics<core_parallel>, #tpu.dimension_semantics<subcore_parallel>], iteration_bounds = array<i64: 2, 16>, scalar_prefetch = 0 : i64, scratch_operands = 13 : i64, tpu.core_type = #tpu.core_type<sc_vector_subcore>, window_params = [{transform_indices = #map}, {transform_indices = #map1}, {transform_indices = #map1}, {transform_indices = #map}, {transform_indices = #map2}]} {
    %mul3A = arith.constant 16 : i32
    %mul3A_0 = arith.muli %arg0, %mul3A : i32
    %add3A = arith.addi %mul3A_0, %arg1 : i32
    %mul3A_1 = arith.constant 640 : i32
    %mul3A_2 = arith.muli %arg1, %mul3A_1 : i32
    %add3A_3 = arith.constant 0 : i32
    %add3A_4 = arith.addi %mul3A_2, %add3A_3 : i32
    "tpu.region"() ({
      %run_scoped3A = tpu.sem_alloc : memref<!tpu.dma_semaphore, #tpu.memory_space<semaphore_mem>>
      %dma_start3A_79 = arith.constant 0 : i32
      %dma_start3A_80 = tpu.memref_slice %arg7[%add3A_4, %dma_start3A_79] : memref<10240x128xf32, #tpu.memory_space<vmem_shared>> -> memref<128x128xf32, #tpu.memory_space<vmem_shared>>
      tpu.enqueue_dma source(%arg5 : memref<128x128xf32, #tpu.memory_space<hbm>>) target(%dma_start3A_80 : memref<128x128xf32, #tpu.memory_space<vmem_shared>>) target_semaphore(%run_scoped3A : memref<!tpu.dma_semaphore, #tpu.memory_space<semaphore_mem>>)
      %dma_wait3A_81 = arith.constant 0 : i32
      %dma_wait3A_82 = tpu.memref_slice %arg7[%add3A_4, %dma_wait3A_81] : memref<10240x128xf32, #tpu.memory_space<vmem_shared>> -> memref<128x128xf32, #tpu.memory_space<vmem_shared>>
      tpu.wait_dma2 semaphore(%run_scoped3A : memref<!tpu.dma_semaphore, #tpu.memory_space<semaphore_mem>>) src(%arg5 : memref<128x128xf32, #tpu.memory_space<hbm>>) dst(%dma_wait3A_82 : memref<128x128xf32, #tpu.memory_space<vmem_shared>>)
      tpu.yield
    }) : () -> ()
    %mul3A_5 = arith.constant 640 : i32
    %mul3A_6 = arith.muli %arg1, %mul3A_5 : i32
    %add3A_7 = arith.constant 128 : i32
    %add3A_8 = arith.addi %mul3A_6, %add3A_7 : i32
    "tpu.region"() ({
      %run_scoped3A = tpu.sem_alloc : memref<!tpu.dma_semaphore, #tpu.memory_space<semaphore_mem>>
      %dma_start3A_79 = arith.constant 0 : i32
      %dma_start3A_80 = tpu.memref_slice %arg7[%add3A_8, %dma_start3A_79] : memref<10240x128xf32, #tpu.memory_space<vmem_shared>> -> memref<128x128xf32, #tpu.memory_space<vmem_shared>>
      tpu.enqueue_dma source(%arg5 : memref<128x128xf32, #tpu.memory_space<hbm>>) target(%dma_start3A_80 : memref<128x128xf32, #tpu.memory_space<vmem_shared>>) target_semaphore(%run_scoped3A : memref<!tpu.dma_semaphore, #tpu.memory_space<semaphore_mem>>)
      %dma_wait3A_81 = arith.constant 0 : i32
      %dma_wait3A_82 = tpu.memref_slice %arg7[%add3A_8, %dma_wait3A_81] : memref<10240x128xf32, #tpu.memory_space<vmem_shared>> -> memref<128x128xf32, #tpu.memory_space<vmem_shared>>
      tpu.wait_dma2 semaphore(%run_scoped3A : memref<!tpu.dma_semaphore, #tpu.memory_space<semaphore_mem>>) src(%arg5 : memref<128x128xf32, #tpu.memory_space<hbm>>) dst(%dma_wait3A_82 : memref<128x128xf32, #tpu.memory_space<vmem_shared>>)
      tpu.yield
    }) : () -> ()
    %mul3A_9 = arith.constant 640 : i32
    %mul3A_10 = arith.muli %arg1, %mul3A_9 : i32
    %add3A_11 = arith.constant 256 : i32
    %add3A_12 = arith.addi %mul3A_10, %add3A_11 : i32
    "tpu.region"() ({
      %run_scoped3A = tpu.sem_alloc : memref<!tpu.dma_semaphore, #tpu.memory_space<semaphore_mem>>
      %dma_start3A_79 = arith.constant 0 : i32
      %dma_start3A_80 = tpu.memref_slice %arg7[%add3A_12, %dma_start3A_79] : memref<10240x128xf32, #tpu.memory_space<vmem_shared>> -> memref<128x128xf32, #tpu.memory_space<vmem_shared>>
      tpu.enqueue_dma source(%arg5 : memref<128x128xf32, #tpu.memory_space<hbm>>) target(%dma_start3A_80 : memref<128x128xf32, #tpu.memory_space<vmem_shared>>) target_semaphore(%run_scoped3A : memref<!tpu.dma_semaphore, #tpu.memory_space<semaphore_mem>>)
      %dma_wait3A_81 = arith.constant 0 : i32
      %dma_wait3A_82 = tpu.memref_slice %arg7[%add3A_12, %dma_wait3A_81] : memref<10240x128xf32, #tpu.memory_space<vmem_shared>> -> memref<128x128xf32, #tpu.memory_space<vmem_shared>>
      tpu.wait_dma2 semaphore(%run_scoped3A : memref<!tpu.dma_semaphore, #tpu.memory_space<semaphore_mem>>) src(%arg5 : memref<128x128xf32, #tpu.memory_space<hbm>>) dst(%dma_wait3A_82 : memref<128x128xf32, #tpu.memory_space<vmem_shared>>)
      tpu.yield
    }) : () -> ()
    %mul3A_13 = arith.constant 640 : i32
    %mul3A_14 = arith.muli %arg1, %mul3A_13 : i32
    %add3A_15 = arith.constant 384 : i32
    %add3A_16 = arith.addi %mul3A_14, %add3A_15 : i32
    "tpu.region"() ({
      %run_scoped3A = tpu.sem_alloc : memref<!tpu.dma_semaphore, #tpu.memory_space<semaphore_mem>>
      %dma_start3A_79 = arith.constant 0 : i32
      %dma_start3A_80 = tpu.memref_slice %arg7[%add3A_16, %dma_start3A_79] : memref<10240x128xf32, #tpu.memory_space<vmem_shared>> -> memref<128x128xf32, #tpu.memory_space<vmem_shared>>
      tpu.enqueue_dma source(%arg5 : memref<128x128xf32, #tpu.memory_space<hbm>>) target(%dma_start3A_80 : memref<128x128xf32, #tpu.memory_space<vmem_shared>>) target_semaphore(%run_scoped3A : memref<!tpu.dma_semaphore, #tpu.memory_space<semaphore_mem>>)
      %dma_wait3A_81 = arith.constant 0 : i32
      %dma_wait3A_82 = tpu.memref_slice %arg7[%add3A_16, %dma_wait3A_81] : memref<10240x128xf32, #tpu.memory_space<vmem_shared>> -> memref<128x128xf32, #tpu.memory_space<vmem_shared>>
      tpu.wait_dma2 semaphore(%run_scoped3A : memref<!tpu.dma_semaphore, #tpu.memory_space<semaphore_mem>>) src(%arg5 : memref<128x128xf32, #tpu.memory_space<hbm>>) dst(%dma_wait3A_82 : memref<128x128xf32, #tpu.memory_space<vmem_shared>>)
      tpu.yield
    }) : () -> ()
    %mul3A_17 = arith.constant 640 : i32
    %mul3A_18 = arith.muli %arg1, %mul3A_17 : i32
    %add3A_19 = arith.constant 512 : i32
    %add3A_20 = arith.addi %mul3A_18, %add3A_19 : i32
    "tpu.region"() ({
      %run_scoped3A = tpu.sem_alloc : memref<!tpu.dma_semaphore, #tpu.memory_space<semaphore_mem>>
      %dma_start3A_79 = arith.constant 0 : i32
      %dma_start3A_80 = tpu.memref_slice %arg7[%add3A_20, %dma_start3A_79] : memref<10240x128xf32, #tpu.memory_space<vmem_shared>> -> memref<128x128xf32, #tpu.memory_space<vmem_shared>>
      tpu.enqueue_dma source(%arg5 : memref<128x128xf32, #tpu.memory_space<hbm>>) target(%dma_start3A_80 : memref<128x128xf32, #tpu.memory_space<vmem_shared>>) target_semaphore(%run_scoped3A : memref<!tpu.dma_semaphore, #tpu.memory_space<semaphore_mem>>)
      %dma_wait3A_81 = arith.constant 0 : i32
      %dma_wait3A_82 = tpu.memref_slice %arg7[%add3A_20, %dma_wait3A_81] : memref<10240x128xf32, #tpu.memory_space<vmem_shared>> -> memref<128x128xf32, #tpu.memory_space<vmem_shared>>
      tpu.wait_dma2 semaphore(%run_scoped3A : memref<!tpu.dma_semaphore, #tpu.memory_space<semaphore_mem>>) src(%arg5 : memref<128x128xf32, #tpu.memory_space<hbm>>) dst(%dma_wait3A_82 : memref<128x128xf32, #tpu.memory_space<vmem_shared>>)
      tpu.yield
    }) : () -> ()
    %barrier3A = arith.constant 0 : index
    tpu.barrier barrier_id(%barrier3A)
    %mul3A_21 = arith.constant 10240 : i32
    %mul3A_22 = arith.muli %add3A, %mul3A_21 : i32
    %add3A_23 = arith.constant 0 : i32
    %add3A_24 = arith.addi %mul3A_22, %add3A_23 : i32
    %dma_start3A = tpu.memref_slice %arg3[%add3A_24] : memref<327680xi32, #tpu.memory_space<hbm>> -> memref<128xi32, #tpu.memory_space<hbm>>
    %dma_start3A_25 = tpu.memref_slice %arg3[%add3A_24] : memref<327680xi32, #tpu.memory_space<hbm>> -> memref<128xi32, #tpu.memory_space<hbm>>
    tpu.enqueue_dma source(%dma_start3A_25 : memref<128xi32, #tpu.memory_space<hbm>>) target(%arg8 : memref<128xi32, #tpu.memory_space<vmem>>) target_semaphore(%arg14 : memref<!tpu.dma_semaphore, #tpu.memory_space<semaphore_mem>>)
    %dma_start3A_26 = tpu.memref_slice %arg4[%add3A_24] : memref<327680xi32, #tpu.memory_space<hbm>> -> memref<128xi32, #tpu.memory_space<hbm>>
    %dma_start3A_27 = tpu.memref_slice %arg4[%add3A_24] : memref<327680xi32, #tpu.memory_space<hbm>> -> memref<128xi32, #tpu.memory_space<hbm>>
    tpu.enqueue_dma source(%dma_start3A_27 : memref<128xi32, #tpu.memory_space<hbm>>) target(%arg10 : memref<128xi32, #tpu.memory_space<vmem>>) target_semaphore(%arg16 : memref<!tpu.dma_semaphore, #tpu.memory_space<semaphore_mem>>)
    %mul3A_28 = arith.constant 10240 : i32
    %mul3A_29 = arith.muli %add3A, %mul3A_28 : i32
    %add3A_30 = arith.constant 128 : i32
    %add3A_31 = arith.addi %mul3A_29, %add3A_30 : i32
    %dma_start3A_32 = tpu.memref_slice %arg3[%add3A_31] : memref<327680xi32, #tpu.memory_space<hbm>> -> memref<128xi32, #tpu.memory_space<hbm>>
    %dma_start3A_33 = tpu.memref_slice %arg3[%add3A_31] : memref<327680xi32, #tpu.memory_space<hbm>> -> memref<128xi32, #tpu.memory_space<hbm>>
    tpu.enqueue_dma source(%dma_start3A_33 : memref<128xi32, #tpu.memory_space<hbm>>) target(%arg9 : memref<128xi32, #tpu.memory_space<vmem>>) target_semaphore(%arg15 : memref<!tpu.dma_semaphore, #tpu.memory_space<semaphore_mem>>)
    %dma_start3A_34 = tpu.memref_slice %arg4[%add3A_31] : memref<327680xi32, #tpu.memory_space<hbm>> -> memref<128xi32, #tpu.memory_space<hbm>>
    %dma_start3A_35 = tpu.memref_slice %arg4[%add3A_31] : memref<327680xi32, #tpu.memory_space<hbm>> -> memref<128xi32, #tpu.memory_space<hbm>>
    tpu.enqueue_dma source(%dma_start3A_35 : memref<128xi32, #tpu.memory_space<hbm>>) target(%arg11 : memref<128xi32, #tpu.memory_space<vmem>>) target_semaphore(%arg17 : memref<!tpu.dma_semaphore, #tpu.memory_space<semaphore_mem>>)
    %dma_wait3A = arith.constant 0 : i32
    %dma_wait3A_36 = tpu.memref_slice %arg3[%dma_wait3A] : memref<327680xi32, #tpu.memory_space<hbm>> -> memref<128xi32, #tpu.memory_space<hbm>>
    %dma_wait3A_37 = arith.constant 0 : i32
    %dma_wait3A_38 = tpu.memref_slice %arg3[%dma_wait3A_37] : memref<327680xi32, #tpu.memory_space<hbm>> -> memref<128xi32, #tpu.memory_space<hbm>>
    tpu.wait_dma2 semaphore(%arg14 : memref<!tpu.dma_semaphore, #tpu.memory_space<semaphore_mem>>) src(%dma_wait3A_38 : memref<128xi32, #tpu.memory_space<hbm>>) dst(%arg8 : memref<128xi32, #tpu.memory_space<vmem>>)
    %dma_start3A_39 = arith.constant 0 : i32
    %dma_start3A_40 = arith.constant 0 : i32
    %dma_start3A_41 = tpu.memref_slice %arg2[%dma_start3A_39, %dma_start3A_40] : memref<10000x128xf32, #tpu.memory_space<hbm>> -> memref<10000x128xf32, #tpu.memory_space<hbm>>
    tpu.enqueue_indirect_dma source(%dma_start3A_41 : memref<10000x128xf32, #tpu.memory_space<hbm>>) target(%arg12 : memref<128x128xf32, #tpu.memory_space<vmem>>) offsets(%arg8 : memref<128xi32, #tpu.memory_space<vmem>>) semaphore(%arg18 : memref<!tpu.dma_semaphore, #tpu.memory_space<semaphore_mem>>)
    %scan3A = arith.constant 0 : i32
    %scan3A_42 = arith.constant 0 : i32
    %scan3A_43 = arith.constant 39 : i32
    %scan3A_44 = arith.addi %scan3A_42, %scan3A_43 : i32
    %scan3A_45 = arith.constant 1 : i32
    scf.for %scan3A_79 = %scan3A_42 to %scan3A_44 step %scan3A_45  : i32 {
      %mul3A_80 = arith.constant 2 : i32
      %mul3A_81 = arith.muli %mul3A_80, %scan3A_79 : i32
      %dma_wait3A_82 = arith.constant 0 : i32
      %dma_wait3A_83 = tpu.memref_slice %arg3[%dma_wait3A_82] : memref<327680xi32, #tpu.memory_space<hbm>> -> memref<128xi32, #tpu.memory_space<hbm>>
      %dma_wait3A_84 = arith.constant 0 : i32
      %dma_wait3A_85 = tpu.memref_slice %arg3[%dma_wait3A_84] : memref<327680xi32, #tpu.memory_space<hbm>> -> memref<128xi32, #tpu.memory_space<hbm>>
      tpu.wait_dma2 semaphore(%arg15 : memref<!tpu.dma_semaphore, #tpu.memory_space<semaphore_mem>>) src(%dma_wait3A_85 : memref<128xi32, #tpu.memory_space<hbm>>) dst(%arg9 : memref<128xi32, #tpu.memory_space<vmem>>)
      %dma_start3A_86 = arith.constant 0 : i32
      %dma_start3A_87 = arith.constant 0 : i32
      %dma_start3A_88 = tpu.memref_slice %arg2[%dma_start3A_86, %dma_start3A_87] : memref<10000x128xf32, #tpu.memory_space<hbm>> -> memref<10000x128xf32, #tpu.memory_space<hbm>>
      tpu.enqueue_indirect_dma source(%dma_start3A_88 : memref<10000x128xf32, #tpu.memory_space<hbm>>) target(%arg13 : memref<128x128xf32, #tpu.memory_space<vmem>>) offsets(%arg9 : memref<128xi32, #tpu.memory_space<vmem>>) semaphore(%arg19 : memref<!tpu.dma_semaphore, #tpu.memory_space<semaphore_mem>>)
      %dma_wait3A_89 = arith.constant 0 : i32
      %dma_wait3A_90 = arith.constant 0 : i32
      %dma_wait3A_91 = tpu.memref_slice %arg2[%dma_wait3A_89, %dma_wait3A_90] : memref<10000x128xf32, #tpu.memory_space<hbm>> -> memref<128x128xf32, #tpu.memory_space<hbm>>
      %dma_wait3A_92 = arith.constant 0 : i32
      %dma_wait3A_93 = arith.constant 0 : i32
      %dma_wait3A_94 = tpu.memref_slice %arg2[%dma_wait3A_92, %dma_wait3A_93] : memref<10000x128xf32, #tpu.memory_space<hbm>> -> memref<128x128xf32, #tpu.memory_space<hbm>>
      tpu.wait_dma2 semaphore(%arg18 : memref<!tpu.dma_semaphore, #tpu.memory_space<semaphore_mem>>) src(%dma_wait3A_94 : memref<128x128xf32, #tpu.memory_space<hbm>>) dst(%arg12 : memref<128x128xf32, #tpu.memory_space<vmem>>)
      %dma_wait3A_95 = arith.constant 0 : i32
      %dma_wait3A_96 = tpu.memref_slice %arg4[%dma_wait3A_95] : memref<327680xi32, #tpu.memory_space<hbm>> -> memref<128xi32, #tpu.memory_space<hbm>>
      %dma_wait3A_97 = arith.constant 0 : i32
      %dma_wait3A_98 = tpu.memref_slice %arg4[%dma_wait3A_97] : memref<327680xi32, #tpu.memory_space<hbm>> -> memref<128xi32, #tpu.memory_space<hbm>>
      tpu.wait_dma2 semaphore(%arg16 : memref<!tpu.dma_semaphore, #tpu.memory_space<semaphore_mem>>) src(%dma_wait3A_98 : memref<128xi32, #tpu.memory_space<hbm>>) dst(%arg10 : memref<128xi32, #tpu.memory_space<vmem>>)
      "tpu.region"() ({
        %run_scoped3A = tpu.sem_alloc : memref<!tpu.dma_semaphore, #tpu.memory_space<semaphore_mem>>
        %dma_start3A_142 = arith.constant 0 : i32
        %dma_start3A_143 = arith.constant 0 : i32
        %dma_start3A_144 = tpu.memref_slice %arg7[%dma_start3A_142, %dma_start3A_143] : memref<10240x128xf32, #tpu.memory_space<vmem_shared>> -> memref<10240x128xf32, #tpu.memory_space<vmem_shared>>
        tpu.enqueue_indirect_dma source(%arg12 : memref<128x128xf32, #tpu.memory_space<vmem>>) target(%dma_start3A_144 : memref<10240x128xf32, #tpu.memory_space<vmem_shared>>) offsets(%arg10 : memref<128xi32, #tpu.memory_space<vmem>>) semaphore(%run_scoped3A : memref<!tpu.dma_semaphore, #tpu.memory_space<semaphore_mem>>) {add = true}
        %dma_wait3A_145 = arith.constant 0 : i32
        %dma_wait3A_146 = arith.constant 0 : i32
        %dma_wait3A_147 = tpu.memref_slice %arg7[%dma_wait3A_145, %dma_wait3A_146] : memref<10240x128xf32, #tpu.memory_space<vmem_shared>> -> memref<10240x128xf32, #tpu.memory_space<vmem_shared>>
        tpu.wait_indirect_dma semaphore(%run_scoped3A : memref<!tpu.dma_semaphore, #tpu.memory_space<semaphore_mem>>) src(%arg12 : memref<128x128xf32, #tpu.memory_space<vmem>>) dst(%dma_wait3A_147 : memref<10240x128xf32, #tpu.memory_space<vmem_shared>>)
        tpu.yield
      }) : () -> ()
      %add3A_99 = arith.constant 2 : i32
      %add3A_100 = arith.addi %mul3A_81, %add3A_99 : i32
      %mul3A_101 = arith.constant 10240 : i32
      %mul3A_102 = arith.muli %add3A, %mul3A_101 : i32
      %mul3A_103 = arith.constant 128 : i32
      %mul3A_104 = arith.muli %add3A_100, %mul3A_103 : i32
      %add3A_105 = arith.addi %mul3A_102, %mul3A_104 : i32
      %dma_start3A_106 = tpu.memref_slice %arg3[%add3A_105] : memref<327680xi32, #tpu.memory_space<hbm>> -> memref<128xi32, #tpu.memory_space<hbm>>
      %dma_start3A_107 = tpu.memref_slice %arg3[%add3A_105] : memref<327680xi32, #tpu.memory_space<hbm>> -> memref<128xi32, #tpu.memory_space<hbm>>
      tpu.enqueue_dma source(%dma_start3A_107 : memref<128xi32, #tpu.memory_space<hbm>>) target(%arg8 : memref<128xi32, #tpu.memory_space<vmem>>) target_semaphore(%arg14 : memref<!tpu.dma_semaphore, #tpu.memory_space<semaphore_mem>>)
      %dma_start3A_108 = tpu.memref_slice %arg4[%add3A_105] : memref<327680xi32, #tpu.memory_space<hbm>> -> memref<128xi32, #tpu.memory_space<hbm>>
      %dma_start3A_109 = tpu.memref_slice %arg4[%add3A_105] : memref<327680xi32, #tpu.memory_space<hbm>> -> memref<128xi32, #tpu.memory_space<hbm>>
      tpu.enqueue_dma source(%dma_start3A_109 : memref<128xi32, #tpu.memory_space<hbm>>) target(%arg10 : memref<128xi32, #tpu.memory_space<vmem>>) target_semaphore(%arg16 : memref<!tpu.dma_semaphore, #tpu.memory_space<semaphore_mem>>)
      %mul3A_110 = arith.constant 2 : i32
      %mul3A_111 = arith.muli %mul3A_110, %scan3A_79 : i32
      %add3A_112 = arith.constant 1 : i32
      %add3A_113 = arith.addi %mul3A_111, %add3A_112 : i32
      %dma_wait3A_114 = arith.constant 0 : i32
      %dma_wait3A_115 = tpu.memref_slice %arg3[%dma_wait3A_114] : memref<327680xi32, #tpu.memory_space<hbm>> -> memref<128xi32, #tpu.memory_space<hbm>>
      %dma_wait3A_116 = arith.constant 0 : i32
      %dma_wait3A_117 = tpu.memref_slice %arg3[%dma_wait3A_116] : memref<327680xi32, #tpu.memory_space<hbm>> -> memref<128xi32, #tpu.memory_space<hbm>>
      tpu.wait_dma2 semaphore(%arg14 : memref<!tpu.dma_semaphore, #tpu.memory_space<semaphore_mem>>) src(%dma_wait3A_117 : memref<128xi32, #tpu.memory_space<hbm>>) dst(%arg8 : memref<128xi32, #tpu.memory_space<vmem>>)
      %dma_start3A_118 = arith.constant 0 : i32
      %dma_start3A_119 = arith.constant 0 : i32
      %dma_start3A_120 = tpu.memref_slice %arg2[%dma_start3A_118, %dma_start3A_119] : memref<10000x128xf32, #tpu.memory_space<hbm>> -> memref<10000x128xf32, #tpu.memory_space<hbm>>
      tpu.enqueue_indirect_dma source(%dma_start3A_120 : memref<10000x128xf32, #tpu.memory_space<hbm>>) target(%arg12 : memref<128x128xf32, #tpu.memory_space<vmem>>) offsets(%arg8 : memref<128xi32, #tpu.memory_space<vmem>>) semaphore(%arg18 : memref<!tpu.dma_semaphore, #tpu.memory_space<semaphore_mem>>)
      %dma_wait3A_121 = arith.constant 0 : i32
      %dma_wait3A_122 = arith.constant 0 : i32
      %dma_wait3A_123 = tpu.memref_slice %arg2[%dma_wait3A_121, %dma_wait3A_122] : memref<10000x128xf32, #tpu.memory_space<hbm>> -> memref<128x128xf32, #tpu.memory_space<hbm>>
      %dma_wait3A_124 = arith.constant 0 : i32
      %dma_wait3A_125 = arith.constant 0 : i32
      %dma_wait3A_126 = tpu.memref_slice %arg2[%dma_wait3A_124, %dma_wait3A_125] : memref<10000x128xf32, #tpu.memory_space<hbm>> -> memref<128x128xf32, #tpu.memory_space<hbm>>
      tpu.wait_dma2 semaphore(%arg19 : memref<!tpu.dma_semaphore, #tpu.memory_space<semaphore_mem>>) src(%dma_wait3A_126 : memref<128x128xf32, #tpu.memory_space<hbm>>) dst(%arg13 : memref<128x128xf32, #tpu.memory_space<vmem>>)
      %dma_wait3A_127 = arith.constant 0 : i32
      %dma_wait3A_128 = tpu.memref_slice %arg4[%dma_wait3A_127] : memref<327680xi32, #tpu.memory_space<hbm>> -> memref<128xi32, #tpu.memory_space<hbm>>
      %dma_wait3A_129 = arith.constant 0 : i32
      %dma_wait3A_130 = tpu.memref_slice %arg4[%dma_wait3A_129] : memref<327680xi32, #tpu.memory_space<hbm>> -> memref<128xi32, #tpu.memory_space<hbm>>
      tpu.wait_dma2 semaphore(%arg17 : memref<!tpu.dma_semaphore, #tpu.memory_space<semaphore_mem>>) src(%dma_wait3A_130 : memref<128xi32, #tpu.memory_space<hbm>>) dst(%arg11 : memref<128xi32, #tpu.memory_space<vmem>>)
      "tpu.region"() ({
        %run_scoped3A = tpu.sem_alloc : memref<!tpu.dma_semaphore, #tpu.memory_space<semaphore_mem>>
        %dma_start3A_142 = arith.constant 0 : i32
        %dma_start3A_143 = arith.constant 0 : i32
        %dma_start3A_144 = tpu.memref_slice %arg7[%dma_start3A_142, %dma_start3A_143] : memref<10240x128xf32, #tpu.memory_space<vmem_shared>> -> memref<10240x128xf32, #tpu.memory_space<vmem_shared>>
        tpu.enqueue_indirect_dma source(%arg13 : memref<128x128xf32, #tpu.memory_space<vmem>>) target(%dma_start3A_144 : memref<10240x128xf32, #tpu.memory_space<vmem_shared>>) offsets(%arg11 : memref<128xi32, #tpu.memory_space<vmem>>) semaphore(%run_scoped3A : memref<!tpu.dma_semaphore, #tpu.memory_space<semaphore_mem>>) {add = true}
        %dma_wait3A_145 = arith.constant 0 : i32
        %dma_wait3A_146 = arith.constant 0 : i32
        %dma_wait3A_147 = tpu.memref_slice %arg7[%dma_wait3A_145, %dma_wait3A_146] : memref<10240x128xf32, #tpu.memory_space<vmem_shared>> -> memref<10240x128xf32, #tpu.memory_space<vmem_shared>>
        tpu.wait_indirect_dma semaphore(%run_scoped3A : memref<!tpu.dma_semaphore, #tpu.memory_space<semaphore_mem>>) src(%arg13 : memref<128x128xf32, #tpu.memory_space<vmem>>) dst(%dma_wait3A_147 : memref<10240x128xf32, #tpu.memory_space<vmem_shared>>)
        tpu.yield
      }) : () -> ()
      %add3A_131 = arith.constant 2 : i32
      %add3A_132 = arith.addi %add3A_113, %add3A_131 : i32
      %mul3A_133 = arith.constant 10240 : i32
      %mul3A_134 = arith.muli %add3A, %mul3A_133 : i32
      %mul3A_135 = arith.constant 128 : i32
      %mul3A_136 = arith.muli %add3A_132, %mul3A_135 : i32
      %add3A_137 = arith.addi %mul3A_134, %mul3A_136 : i32
      %dma_start3A_138 = tpu.memref_slice %arg3[%add3A_137] : memref<327680xi32, #tpu.memory_space<hbm>> -> memref<128xi32, #tpu.memory_space<hbm>>
      %dma_start3A_139 = tpu.memref_slice %arg3[%add3A_137] : memref<327680xi32, #tpu.memory_space<hbm>> -> memref<128xi32, #tpu.memory_space<hbm>>
      tpu.enqueue_dma source(%dma_start3A_139 : memref<128xi32, #tpu.memory_space<hbm>>) target(%arg9 : memref<128xi32, #tpu.memory_space<vmem>>) target_semaphore(%arg15 : memref<!tpu.dma_semaphore, #tpu.memory_space<semaphore_mem>>)
      %dma_start3A_140 = tpu.memref_slice %arg4[%add3A_137] : memref<327680xi32, #tpu.memory_space<hbm>> -> memref<128xi32, #tpu.memory_space<hbm>>
      %dma_start3A_141 = tpu.memref_slice %arg4[%add3A_137] : memref<327680xi32, #tpu.memory_space<hbm>> -> memref<128xi32, #tpu.memory_space<hbm>>
      tpu.enqueue_dma source(%dma_start3A_141 : memref<128xi32, #tpu.memory_space<hbm>>) target(%arg11 : memref<128xi32, #tpu.memory_space<vmem>>) target_semaphore(%arg17 : memref<!tpu.dma_semaphore, #tpu.memory_space<semaphore_mem>>)
    }
    %scan3A_46 = arith.constant 39 : i32
    %dma_wait3A_47 = arith.constant 0 : i32
    %dma_wait3A_48 = tpu.memref_slice %arg3[%dma_wait3A_47] : memref<327680xi32, #tpu.memory_space<hbm>> -> memref<128xi32, #tpu.memory_space<hbm>>
    %dma_wait3A_49 = arith.constant 0 : i32
    %dma_wait3A_50 = tpu.memref_slice %arg3[%dma_wait3A_49] : memref<327680xi32, #tpu.memory_space<hbm>> -> memref<128xi32, #tpu.memory_space<hbm>>
    tpu.wait_dma2 semaphore(%arg15 : memref<!tpu.dma_semaphore, #tpu.memory_space<semaphore_mem>>) src(%dma_wait3A_50 : memref<128xi32, #tpu.memory_space<hbm>>) dst(%arg9 : memref<128xi32, #tpu.memory_space<vmem>>)
    %dma_start3A_51 = arith.constant 0 : i32
    %dma_start3A_52 = arith.constant 0 : i32
    %dma_start3A_53 = tpu.memref_slice %arg2[%dma_start3A_51, %dma_start3A_52] : memref<10000x128xf32, #tpu.memory_space<hbm>> -> memref<10000x128xf32, #tpu.memory_space<hbm>>
    tpu.enqueue_indirect_dma source(%dma_start3A_53 : memref<10000x128xf32, #tpu.memory_space<hbm>>) target(%arg13 : memref<128x128xf32, #tpu.memory_space<vmem>>) offsets(%arg9 : memref<128xi32, #tpu.memory_space<vmem>>) semaphore(%arg19 : memref<!tpu.dma_semaphore, #tpu.memory_space<semaphore_mem>>)
    %dma_wait3A_54 = arith.constant 0 : i32
    %dma_wait3A_55 = arith.constant 0 : i32
    %dma_wait3A_56 = tpu.memref_slice %arg2[%dma_wait3A_54, %dma_wait3A_55] : memref<10000x128xf32, #tpu.memory_space<hbm>> -> memref<128x128xf32, #tpu.memory_space<hbm>>
    %dma_wait3A_57 = arith.constant 0 : i32
    %dma_wait3A_58 = arith.constant 0 : i32
    %dma_wait3A_59 = tpu.memref_slice %arg2[%dma_wait3A_57, %dma_wait3A_58] : memref<10000x128xf32, #tpu.memory_space<hbm>> -> memref<128x128xf32, #tpu.memory_space<hbm>>
    tpu.wait_dma2 semaphore(%arg18 : memref<!tpu.dma_semaphore, #tpu.memory_space<semaphore_mem>>) src(%dma_wait3A_59 : memref<128x128xf32, #tpu.memory_space<hbm>>) dst(%arg12 : memref<128x128xf32, #tpu.memory_space<vmem>>)
    %dma_wait3A_60 = arith.constant 0 : i32
    %dma_wait3A_61 = tpu.memref_slice %arg4[%dma_wait3A_60] : memref<327680xi32, #tpu.memory_space<hbm>> -> memref<128xi32, #tpu.memory_space<hbm>>
    %dma_wait3A_62 = arith.constant 0 : i32
    %dma_wait3A_63 = tpu.memref_slice %arg4[%dma_wait3A_62] : memref<327680xi32, #tpu.memory_space<hbm>> -> memref<128xi32, #tpu.memory_space<hbm>>
    tpu.wait_dma2 semaphore(%arg16 : memref<!tpu.dma_semaphore, #tpu.memory_space<semaphore_mem>>) src(%dma_wait3A_63 : memref<128xi32, #tpu.memory_space<hbm>>) dst(%arg10 : memref<128xi32, #tpu.memory_space<vmem>>)
    "tpu.region"() ({
      %run_scoped3A = tpu.sem_alloc : memref<!tpu.dma_semaphore, #tpu.memory_space<semaphore_mem>>
      %dma_start3A_79 = arith.constant 0 : i32
      %dma_start3A_80 = arith.constant 0 : i32
      %dma_start3A_81 = tpu.memref_slice %arg7[%dma_start3A_79, %dma_start3A_80] : memref<10240x128xf32, #tpu.memory_space<vmem_shared>> -> memref<10240x128xf32, #tpu.memory_space<vmem_shared>>
      tpu.enqueue_indirect_dma source(%arg12 : memref<128x128xf32, #tpu.memory_space<vmem>>) target(%dma_start3A_81 : memref<10240x128xf32, #tpu.memory_space<vmem_shared>>) offsets(%arg10 : memref<128xi32, #tpu.memory_space<vmem>>) semaphore(%run_scoped3A : memref<!tpu.dma_semaphore, #tpu.memory_space<semaphore_mem>>) {add = true}
      %dma_wait3A_82 = arith.constant 0 : i32
      %dma_wait3A_83 = arith.constant 0 : i32
      %dma_wait3A_84 = tpu.memref_slice %arg7[%dma_wait3A_82, %dma_wait3A_83] : memref<10240x128xf32, #tpu.memory_space<vmem_shared>> -> memref<10240x128xf32, #tpu.memory_space<vmem_shared>>
      tpu.wait_indirect_dma semaphore(%run_scoped3A : memref<!tpu.dma_semaphore, #tpu.memory_space<semaphore_mem>>) src(%arg12 : memref<128x128xf32, #tpu.memory_space<vmem>>) dst(%dma_wait3A_84 : memref<10240x128xf32, #tpu.memory_space<vmem_shared>>)
      tpu.yield
    }) : () -> ()
    %dma_wait3A_64 = arith.constant 0 : i32
    %dma_wait3A_65 = arith.constant 0 : i32
    %dma_wait3A_66 = tpu.memref_slice %arg2[%dma_wait3A_64, %dma_wait3A_65] : memref<10000x128xf32, #tpu.memory_space<hbm>> -> memref<128x128xf32, #tpu.memory_space<hbm>>
    %dma_wait3A_67 = arith.constant 0 : i32
    %dma_wait3A_68 = arith.constant 0 : i32
    %dma_wait3A_69 = tpu.memref_slice %arg2[%dma_wait3A_67, %dma_wait3A_68] : memref<10000x128xf32, #tpu.memory_space<hbm>> -> memref<128x128xf32, #tpu.memory_space<hbm>>
    tpu.wait_dma2 semaphore(%arg19 : memref<!tpu.dma_semaphore, #tpu.memory_space<semaphore_mem>>) src(%dma_wait3A_69 : memref<128x128xf32, #tpu.memory_space<hbm>>) dst(%arg13 : memref<128x128xf32, #tpu.memory_space<vmem>>)
    %dma_wait3A_70 = arith.constant 0 : i32
    %dma_wait3A_71 = tpu.memref_slice %arg4[%dma_wait3A_70] : memref<327680xi32, #tpu.memory_space<hbm>> -> memref<128xi32, #tpu.memory_space<hbm>>
    %dma_wait3A_72 = arith.constant 0 : i32
    %dma_wait3A_73 = tpu.memref_slice %arg4[%dma_wait3A_72] : memref<327680xi32, #tpu.memory_space<hbm>> -> memref<128xi32, #tpu.memory_space<hbm>>
    tpu.wait_dma2 semaphore(%arg17 : memref<!tpu.dma_semaphore, #tpu.memory_space<semaphore_mem>>) src(%dma_wait3A_73 : memref<128xi32, #tpu.memory_space<hbm>>) dst(%arg11 : memref<128xi32, #tpu.memory_space<vmem>>)
    "tpu.region"() ({
      %run_scoped3A = tpu.sem_alloc : memref<!tpu.dma_semaphore, #tpu.memory_space<semaphore_mem>>
      %dma_start3A_79 = arith.constant 0 : i32
      %dma_start3A_80 = arith.constant 0 : i32
      %dma_start3A_81 = tpu.memref_slice %arg7[%dma_start3A_79, %dma_start3A_80] : memref<10240x128xf32, #tpu.memory_space<vmem_shared>> -> memref<10240x128xf32, #tpu.memory_space<vmem_shared>>
      tpu.enqueue_indirect_dma source(%arg13 : memref<128x128xf32, #tpu.memory_space<vmem>>) target(%dma_start3A_81 : memref<10240x128xf32, #tpu.memory_space<vmem_shared>>) offsets(%arg11 : memref<128xi32, #tpu.memory_space<vmem>>) semaphore(%run_scoped3A : memref<!tpu.dma_semaphore, #tpu.memory_space<semaphore_mem>>) {add = true}
      %dma_wait3A_82 = arith.constant 0 : i32
      %dma_wait3A_83 = arith.constant 0 : i32
      %dma_wait3A_84 = tpu.memref_slice %arg7[%dma_wait3A_82, %dma_wait3A_83] : memref<10240x128xf32, #tpu.memory_space<vmem_shared>> -> memref<10240x128xf32, #tpu.memory_space<vmem_shared>>
      tpu.wait_indirect_dma semaphore(%run_scoped3A : memref<!tpu.dma_semaphore, #tpu.memory_space<semaphore_mem>>) src(%arg13 : memref<128x128xf32, #tpu.memory_space<vmem>>) dst(%dma_wait3A_84 : memref<10240x128xf32, #tpu.memory_space<vmem_shared>>)
      tpu.yield
    }) : () -> ()
    %barrier3A_74 = arith.constant 0 : index
    tpu.barrier barrier_id(%barrier3A_74)
    %mul3A_75 = arith.constant 640 : i32
    %mul3A_76 = arith.muli %arg1, %mul3A_75 : i32
    %mul3A_77 = arith.constant 640 : i32
    %mul3A_78 = arith.muli %arg1, %mul3A_77 : i32
    "tpu.region"() ({
      %run_scoped3A = tpu.sem_alloc : memref<!tpu.dma_semaphore, #tpu.memory_space<semaphore_mem>>
      %dma_start3A_79 = arith.constant 0 : i32
      %dma_start3A_80 = tpu.memref_slice %arg6[%arg0, %mul3A_78, %dma_start3A_79] : memref<2x10240x128xf32, #tpu.memory_space<hbm>> -> memref<1x640x128xf32, #tpu.memory_space<hbm>>
      %dma_start3A_81 = tpu.memref_squeeze %dma_start3A_80 : memref<1x640x128xf32, #tpu.memory_space<hbm>> -> memref<640x128xf32, #tpu.memory_space<hbm>>
      %dma_start3A_82 = arith.constant 0 : i32
      %dma_start3A_83 = tpu.memref_slice %arg7[%mul3A_76, %dma_start3A_82] : memref<10240x128xf32, #tpu.memory_space<vmem_shared>> -> memref<640x128xf32, #tpu.memory_space<vmem_shared>>
      tpu.enqueue_dma source(%dma_start3A_83 : memref<640x128xf32, #tpu.memory_space<vmem_shared>>) target(%dma_start3A_81 : memref<640x128xf32, #tpu.memory_space<hbm>>) target_semaphore(%run_scoped3A : memref<!tpu.dma_semaphore, #tpu.memory_space<semaphore_mem>>)
      %dma_wait3A_84 = arith.constant 0 : i32
      %dma_wait3A_85 = tpu.memref_slice %arg6[%arg0, %mul3A_78, %dma_wait3A_84] : memref<2x10240x128xf32, #tpu.memory_space<hbm>> -> memref<1x640x128xf32, #tpu.memory_space<hbm>>
      %dma_wait3A_86 = tpu.memref_squeeze %dma_wait3A_85 : memref<1x640x128xf32, #tpu.memory_space<hbm>> -> memref<640x128xf32, #tpu.memory_space<hbm>>
      %dma_wait3A_87 = arith.constant 0 : i32
      %dma_wait3A_88 = tpu.memref_slice %arg7[%mul3A_76, %dma_wait3A_87] : memref<10240x128xf32, #tpu.memory_space<vmem_shared>> -> memref<640x128xf32, #tpu.memory_space<vmem_shared>>
      tpu.wait_dma2 semaphore(%run_scoped3A : memref<!tpu.dma_semaphore, #tpu.memory_space<semaphore_mem>>) src(%dma_wait3A_88 : memref<640x128xf32, #tpu.memory_space<vmem_shared>>) dst(%dma_wait3A_86 : memref<640x128xf32, #tpu.memory_space<hbm>>)
      tpu.yield
    }) : () -> ()
    return
  }
}

#map = affine_map<(d0, d1) -> (0, 0)>
#map1 = affine_map<(d0, d1) -> (0)>
#map2 = affine_map<(d0, d1) -> (0, 0, 0)>
module attributes {stable_mosaic.version = 14 : i64} {
  func.func @_sc_agg(%arg0: i32, %arg1: i32, %arg2: memref<10000x128xf32, #tpu.memory_space<hbm>>, %arg3: memref<327680xi32, #tpu.memory_space<hbm>>, %arg4: memref<327680xi32, #tpu.memory_space<hbm>>, %arg5: memref<128x128xf32, #tpu.memory_space<hbm>>, %arg6: memref<2x10240x128xf32, #tpu.memory_space<hbm>>, %arg7: memref<10240x128xf32, #tpu.memory_space<vmem_shared>>, %arg8: memref<128xi32, #tpu.memory_space<vmem>>, %arg9: memref<128xi32, #tpu.memory_space<vmem>>, %arg10: memref<128xi32, #tpu.memory_space<vmem>>, %arg11: memref<128xi32, #tpu.memory_space<vmem>>, %arg12: memref<128x128xf32, #tpu.memory_space<vmem>>, %arg13: memref<128x128xf32, #tpu.memory_space<vmem>>, %arg14: memref<!tpu.dma_semaphore, #tpu.memory_space<semaphore_mem>>, %arg15: memref<!tpu.dma_semaphore, #tpu.memory_space<semaphore_mem>>, %arg16: memref<!tpu.dma_semaphore, #tpu.memory_space<semaphore_mem>>, %arg17: memref<!tpu.dma_semaphore, #tpu.memory_space<semaphore_mem>>, %arg18: memref<!tpu.dma_semaphore, #tpu.memory_space<semaphore_mem>>, %arg19: memref<!tpu.dma_semaphore, #tpu.memory_space<semaphore_mem>>) attributes {dimension_semantics = [#tpu.dimension_semantics<core_parallel>, #tpu.dimension_semantics<subcore_parallel>], iteration_bounds = array<i64: 2, 16>, scalar_prefetch = 0 : i64, scratch_operands = 13 : i64, tpu.core_type = #tpu.core_type<sc_vector_subcore>, window_params = [{transform_indices = #map}, {transform_indices = #map1}, {transform_indices = #map1}, {transform_indices = #map}, {transform_indices = #map2}]} {
    %mul3A = arith.constant 16 : i32
    %mul3A_0 = arith.muli %arg0, %mul3A : i32
    %add3A = arith.addi %mul3A_0, %arg1 : i32
    %mul3A_1 = arith.constant 640 : i32
    %mul3A_2 = arith.muli %arg1, %mul3A_1 : i32
    %add3A_3 = arith.constant 0 : i32
    %add3A_4 = arith.addi %mul3A_2, %add3A_3 : i32
    "tpu.region"() ({
      %run_scoped3A = tpu.sem_alloc : memref<!tpu.dma_semaphore, #tpu.memory_space<semaphore_mem>>
      %dma_start3A_79 = arith.constant 0 : i32
      %dma_start3A_80 = tpu.memref_slice %arg7[%add3A_4, %dma_start3A_79] : memref<10240x128xf32, #tpu.memory_space<vmem_shared>> -> memref<128x128xf32, #tpu.memory_space<vmem_shared>>
      tpu.enqueue_dma source(%arg5 : memref<128x128xf32, #tpu.memory_space<hbm>>) target(%dma_start3A_80 : memref<128x128xf32, #tpu.memory_space<vmem_shared>>) target_semaphore(%run_scoped3A : memref<!tpu.dma_semaphore, #tpu.memory_space<semaphore_mem>>)
      %dma_wait3A_81 = arith.constant 0 : i32
      %dma_wait3A_82 = tpu.memref_slice %arg7[%add3A_4, %dma_wait3A_81] : memref<10240x128xf32, #tpu.memory_space<vmem_shared>> -> memref<128x128xf32, #tpu.memory_space<vmem_shared>>
      tpu.wait_dma2 semaphore(%run_scoped3A : memref<!tpu.dma_semaphore, #tpu.memory_space<semaphore_mem>>) src(%arg5 : memref<128x128xf32, #tpu.memory_space<hbm>>) dst(%dma_wait3A_82 : memref<128x128xf32, #tpu.memory_space<vmem_shared>>)
      tpu.yield
    }) : () -> ()
    %mul3A_5 = arith.constant 640 : i32
    %mul3A_6 = arith.muli %arg1, %mul3A_5 : i32
    %add3A_7 = arith.constant 128 : i32
    %add3A_8 = arith.addi %mul3A_6, %add3A_7 : i32
    "tpu.region"() ({
      %run_scoped3A = tpu.sem_alloc : memref<!tpu.dma_semaphore, #tpu.memory_space<semaphore_mem>>
      %dma_start3A_79 = arith.constant 0 : i32
      %dma_start3A_80 = tpu.memref_slice %arg7[%add3A_8, %dma_start3A_79] : memref<10240x128xf32, #tpu.memory_space<vmem_shared>> -> memref<128x128xf32, #tpu.memory_space<vmem_shared>>
      tpu.enqueue_dma source(%arg5 : memref<128x128xf32, #tpu.memory_space<hbm>>) target(%dma_start3A_80 : memref<128x128xf32, #tpu.memory_space<vmem_shared>>) target_semaphore(%run_scoped3A : memref<!tpu.dma_semaphore, #tpu.memory_space<semaphore_mem>>)
      %dma_wait3A_81 = arith.constant 0 : i32
      %dma_wait3A_82 = tpu.memref_slice %arg7[%add3A_8, %dma_wait3A_81] : memref<10240x128xf32, #tpu.memory_space<vmem_shared>> -> memref<128x128xf32, #tpu.memory_space<vmem_shared>>
      tpu.wait_dma2 semaphore(%run_scoped3A : memref<!tpu.dma_semaphore, #tpu.memory_space<semaphore_mem>>) src(%arg5 : memref<128x128xf32, #tpu.memory_space<hbm>>) dst(%dma_wait3A_82 : memref<128x128xf32, #tpu.memory_space<vmem_shared>>)
      tpu.yield
    }) : () -> ()
    %mul3A_9 = arith.constant 640 : i32
    %mul3A_10 = arith.muli %arg1, %mul3A_9 : i32
    %add3A_11 = arith.constant 256 : i32
    %add3A_12 = arith.addi %mul3A_10, %add3A_11 : i32
    "tpu.region"() ({
      %run_scoped3A = tpu.sem_alloc : memref<!tpu.dma_semaphore, #tpu.memory_space<semaphore_mem>>
      %dma_start3A_79 = arith.constant 0 : i32
      %dma_start3A_80 = tpu.memref_slice %arg7[%add3A_12, %dma_start3A_79] : memref<10240x128xf32, #tpu.memory_space<vmem_shared>> -> memref<128x128xf32, #tpu.memory_space<vmem_shared>>
      tpu.enqueue_dma source(%arg5 : memref<128x128xf32, #tpu.memory_space<hbm>>) target(%dma_start3A_80 : memref<128x128xf32, #tpu.memory_space<vmem_shared>>) target_semaphore(%run_scoped3A : memref<!tpu.dma_semaphore, #tpu.memory_space<semaphore_mem>>)
      %dma_wait3A_81 = arith.constant 0 : i32
      %dma_wait3A_82 = tpu.memref_slice %arg7[%add3A_12, %dma_wait3A_81] : memref<10240x128xf32, #tpu.memory_space<vmem_shared>> -> memref<128x128xf32, #tpu.memory_space<vmem_shared>>
      tpu.wait_dma2 semaphore(%run_scoped3A : memref<!tpu.dma_semaphore, #tpu.memory_space<semaphore_mem>>) src(%arg5 : memref<128x128xf32, #tpu.memory_space<hbm>>) dst(%dma_wait3A_82 : memref<128x128xf32, #tpu.memory_space<vmem_shared>>)
      tpu.yield
    }) : () -> ()
    %mul3A_13 = arith.constant 640 : i32
    %mul3A_14 = arith.muli %arg1, %mul3A_13 : i32
    %add3A_15 = arith.constant 384 : i32
    %add3A_16 = arith.addi %mul3A_14, %add3A_15 : i32
    "tpu.region"() ({
      %run_scoped3A = tpu.sem_alloc : memref<!tpu.dma_semaphore, #tpu.memory_space<semaphore_mem>>
      %dma_start3A_79 = arith.constant 0 : i32
      %dma_start3A_80 = tpu.memref_slice %arg7[%add3A_16, %dma_start3A_79] : memref<10240x128xf32, #tpu.memory_space<vmem_shared>> -> memref<128x128xf32, #tpu.memory_space<vmem_shared>>
      tpu.enqueue_dma source(%arg5 : memref<128x128xf32, #tpu.memory_space<hbm>>) target(%dma_start3A_80 : memref<128x128xf32, #tpu.memory_space<vmem_shared>>) target_semaphore(%run_scoped3A : memref<!tpu.dma_semaphore, #tpu.memory_space<semaphore_mem>>)
      %dma_wait3A_81 = arith.constant 0 : i32
      %dma_wait3A_82 = tpu.memref_slice %arg7[%add3A_16, %dma_wait3A_81] : memref<10240x128xf32, #tpu.memory_space<vmem_shared>> -> memref<128x128xf32, #tpu.memory_space<vmem_shared>>
      tpu.wait_dma2 semaphore(%run_scoped3A : memref<!tpu.dma_semaphore, #tpu.memory_space<semaphore_mem>>) src(%arg5 : memref<128x128xf32, #tpu.memory_space<hbm>>) dst(%dma_wait3A_82 : memref<128x128xf32, #tpu.memory_space<vmem_shared>>)
      tpu.yield
    }) : () -> ()
    %mul3A_17 = arith.constant 640 : i32
    %mul3A_18 = arith.muli %arg1, %mul3A_17 : i32
    %add3A_19 = arith.constant 512 : i32
    %add3A_20 = arith.addi %mul3A_18, %add3A_19 : i32
    "tpu.region"() ({
      %run_scoped3A = tpu.sem_alloc : memref<!tpu.dma_semaphore, #tpu.memory_space<semaphore_mem>>
      %dma_start3A_79 = arith.constant 0 : i32
      %dma_start3A_80 = tpu.memref_slice %arg7[%add3A_20, %dma_start3A_79] : memref<10240x128xf32, #tpu.memory_space<vmem_shared>> -> memref<128x128xf32, #tpu.memory_space<vmem_shared>>
      tpu.enqueue_dma source(%arg5 : memref<128x128xf32, #tpu.memory_space<hbm>>) target(%dma_start3A_80 : memref<128x128xf32, #tpu.memory_space<vmem_shared>>) target_semaphore(%run_scoped3A : memref<!tpu.dma_semaphore, #tpu.memory_space<semaphore_mem>>)
      %dma_wait3A_81 = arith.constant 0 : i32
      %dma_wait3A_82 = tpu.memref_slice %arg7[%add3A_20, %dma_wait3A_81] : memref<10240x128xf32, #tpu.memory_space<vmem_shared>> -> memref<128x128xf32, #tpu.memory_space<vmem_shared>>
      tpu.wait_dma2 semaphore(%run_scoped3A : memref<!tpu.dma_semaphore, #tpu.memory_space<semaphore_mem>>) src(%arg5 : memref<128x128xf32, #tpu.memory_space<hbm>>) dst(%dma_wait3A_82 : memref<128x128xf32, #tpu.memory_space<vmem_shared>>)
      tpu.yield
    }) : () -> ()
    %barrier3A = arith.constant 0 : index
    tpu.barrier barrier_id(%barrier3A)
    %mul3A_21 = arith.constant 10240 : i32
    %mul3A_22 = arith.muli %add3A, %mul3A_21 : i32
    %add3A_23 = arith.constant 0 : i32
    %add3A_24 = arith.addi %mul3A_22, %add3A_23 : i32
    %dma_start3A = tpu.memref_slice %arg3[%add3A_24] : memref<327680xi32, #tpu.memory_space<hbm>> -> memref<128xi32, #tpu.memory_space<hbm>>
    %dma_start3A_25 = tpu.memref_slice %arg3[%add3A_24] : memref<327680xi32, #tpu.memory_space<hbm>> -> memref<128xi32, #tpu.memory_space<hbm>>
    tpu.enqueue_dma source(%dma_start3A_25 : memref<128xi32, #tpu.memory_space<hbm>>) target(%arg8 : memref<128xi32, #tpu.memory_space<vmem>>) target_semaphore(%arg14 : memref<!tpu.dma_semaphore, #tpu.memory_space<semaphore_mem>>)
    %dma_start3A_26 = tpu.memref_slice %arg4[%add3A_24] : memref<327680xi32, #tpu.memory_space<hbm>> -> memref<128xi32, #tpu.memory_space<hbm>>
    %dma_start3A_27 = tpu.memref_slice %arg4[%add3A_24] : memref<327680xi32, #tpu.memory_space<hbm>> -> memref<128xi32, #tpu.memory_space<hbm>>
    tpu.enqueue_dma source(%dma_start3A_27 : memref<128xi32, #tpu.memory_space<hbm>>) target(%arg10 : memref<128xi32, #tpu.memory_space<vmem>>) target_semaphore(%arg16 : memref<!tpu.dma_semaphore, #tpu.memory_space<semaphore_mem>>)
    %mul3A_28 = arith.constant 10240 : i32
    %mul3A_29 = arith.muli %add3A, %mul3A_28 : i32
    %add3A_30 = arith.constant 128 : i32
    %add3A_31 = arith.addi %mul3A_29, %add3A_30 : i32
    %dma_start3A_32 = tpu.memref_slice %arg3[%add3A_31] : memref<327680xi32, #tpu.memory_space<hbm>> -> memref<128xi32, #tpu.memory_space<hbm>>
    %dma_start3A_33 = tpu.memref_slice %arg3[%add3A_31] : memref<327680xi32, #tpu.memory_space<hbm>> -> memref<128xi32, #tpu.memory_space<hbm>>
    tpu.enqueue_dma source(%dma_start3A_33 : memref<128xi32, #tpu.memory_space<hbm>>) target(%arg9 : memref<128xi32, #tpu.memory_space<vmem>>) target_semaphore(%arg15 : memref<!tpu.dma_semaphore, #tpu.memory_space<semaphore_mem>>)
    %dma_start3A_34 = tpu.memref_slice %arg4[%add3A_31] : memref<327680xi32, #tpu.memory_space<hbm>> -> memref<128xi32, #tpu.memory_space<hbm>>
    %dma_start3A_35 = tpu.memref_slice %arg4[%add3A_31] : memref<327680xi32, #tpu.memory_space<hbm>> -> memref<128xi32, #tpu.memory_space<hbm>>
    tpu.enqueue_dma source(%dma_start3A_35 : memref<128xi32, #tpu.memory_space<hbm>>) target(%arg11 : memref<128xi32, #tpu.memory_space<vmem>>) target_semaphore(%arg17 : memref<!tpu.dma_semaphore, #tpu.memory_space<semaphore_mem>>)
    %dma_wait3A = arith.constant 0 : i32
    %dma_wait3A_36 = tpu.memref_slice %arg3[%dma_wait3A] : memref<327680xi32, #tpu.memory_space<hbm>> -> memref<128xi32, #tpu.memory_space<hbm>>
    %dma_wait3A_37 = arith.constant 0 : i32
    %dma_wait3A_38 = tpu.memref_slice %arg3[%dma_wait3A_37] : memref<327680xi32, #tpu.memory_space<hbm>> -> memref<128xi32, #tpu.memory_space<hbm>>
    tpu.wait_dma2 semaphore(%arg14 : memref<!tpu.dma_semaphore, #tpu.memory_space<semaphore_mem>>) src(%dma_wait3A_38 : memref<128xi32, #tpu.memory_space<hbm>>) dst(%arg8 : memref<128xi32, #tpu.memory_space<vmem>>)
    %dma_start3A_39 = arith.constant 0 : i32
    %dma_start3A_40 = arith.constant 0 : i32
    %dma_start3A_41 = tpu.memref_slice %arg2[%dma_start3A_39, %dma_start3A_40] : memref<10000x128xf32, #tpu.memory_space<hbm>> -> memref<10000x128xf32, #tpu.memory_space<hbm>>
    tpu.enqueue_indirect_dma source(%dma_start3A_41 : memref<10000x128xf32, #tpu.memory_space<hbm>>) target(%arg12 : memref<128x128xf32, #tpu.memory_space<vmem>>) offsets(%arg8 : memref<128xi32, #tpu.memory_space<vmem>>) semaphore(%arg18 : memref<!tpu.dma_semaphore, #tpu.memory_space<semaphore_mem>>)
    %scan3A = arith.constant 0 : i32
    %scan3A_42 = arith.constant 0 : i32
    %scan3A_43 = arith.constant 39 : i32
    %scan3A_44 = arith.addi %scan3A_42, %scan3A_43 : i32
    %scan3A_45 = arith.constant 1 : i32
    scf.for %scan3A_79 = %scan3A_42 to %scan3A_44 step %scan3A_45  : i32 {
      %mul3A_80 = arith.constant 2 : i32
      %mul3A_81 = arith.muli %mul3A_80, %scan3A_79 : i32
      %dma_wait3A_82 = arith.constant 0 : i32
      %dma_wait3A_83 = tpu.memref_slice %arg3[%dma_wait3A_82] : memref<327680xi32, #tpu.memory_space<hbm>> -> memref<128xi32, #tpu.memory_space<hbm>>
      %dma_wait3A_84 = arith.constant 0 : i32
      %dma_wait3A_85 = tpu.memref_slice %arg3[%dma_wait3A_84] : memref<327680xi32, #tpu.memory_space<hbm>> -> memref<128xi32, #tpu.memory_space<hbm>>
      tpu.wait_dma2 semaphore(%arg15 : memref<!tpu.dma_semaphore, #tpu.memory_space<semaphore_mem>>) src(%dma_wait3A_85 : memref<128xi32, #tpu.memory_space<hbm>>) dst(%arg9 : memref<128xi32, #tpu.memory_space<vmem>>)
      %dma_start3A_86 = arith.constant 0 : i32
      %dma_start3A_87 = arith.constant 0 : i32
      %dma_start3A_88 = tpu.memref_slice %arg2[%dma_start3A_86, %dma_start3A_87] : memref<10000x128xf32, #tpu.memory_space<hbm>> -> memref<10000x128xf32, #tpu.memory_space<hbm>>
      tpu.enqueue_indirect_dma source(%dma_start3A_88 : memref<10000x128xf32, #tpu.memory_space<hbm>>) target(%arg13 : memref<128x128xf32, #tpu.memory_space<vmem>>) offsets(%arg9 : memref<128xi32, #tpu.memory_space<vmem>>) semaphore(%arg19 : memref<!tpu.dma_semaphore, #tpu.memory_space<semaphore_mem>>)
      %dma_wait3A_89 = arith.constant 0 : i32
      %dma_wait3A_90 = arith.constant 0 : i32
      %dma_wait3A_91 = tpu.memref_slice %arg2[%dma_wait3A_89, %dma_wait3A_90] : memref<10000x128xf32, #tpu.memory_space<hbm>> -> memref<128x128xf32, #tpu.memory_space<hbm>>
      %dma_wait3A_92 = arith.constant 0 : i32
      %dma_wait3A_93 = arith.constant 0 : i32
      %dma_wait3A_94 = tpu.memref_slice %arg2[%dma_wait3A_92, %dma_wait3A_93] : memref<10000x128xf32, #tpu.memory_space<hbm>> -> memref<128x128xf32, #tpu.memory_space<hbm>>
      tpu.wait_dma2 semaphore(%arg18 : memref<!tpu.dma_semaphore, #tpu.memory_space<semaphore_mem>>) src(%dma_wait3A_94 : memref<128x128xf32, #tpu.memory_space<hbm>>) dst(%arg12 : memref<128x128xf32, #tpu.memory_space<vmem>>)
      %dma_wait3A_95 = arith.constant 0 : i32
      %dma_wait3A_96 = tpu.memref_slice %arg4[%dma_wait3A_95] : memref<327680xi32, #tpu.memory_space<hbm>> -> memref<128xi32, #tpu.memory_space<hbm>>
      %dma_wait3A_97 = arith.constant 0 : i32
      %dma_wait3A_98 = tpu.memref_slice %arg4[%dma_wait3A_97] : memref<327680xi32, #tpu.memory_space<hbm>> -> memref<128xi32, #tpu.memory_space<hbm>>
      tpu.wait_dma2 semaphore(%arg16 : memref<!tpu.dma_semaphore, #tpu.memory_space<semaphore_mem>>) src(%dma_wait3A_98 : memref<128xi32, #tpu.memory_space<hbm>>) dst(%arg10 : memref<128xi32, #tpu.memory_space<vmem>>)
      "tpu.region"() ({
        %run_scoped3A = tpu.sem_alloc : memref<!tpu.dma_semaphore, #tpu.memory_space<semaphore_mem>>
        %dma_start3A_142 = arith.constant 0 : i32
        %dma_start3A_143 = arith.constant 0 : i32
        %dma_start3A_144 = tpu.memref_slice %arg7[%dma_start3A_142, %dma_start3A_143] : memref<10240x128xf32, #tpu.memory_space<vmem_shared>> -> memref<10240x128xf32, #tpu.memory_space<vmem_shared>>
        tpu.enqueue_indirect_dma source(%arg12 : memref<128x128xf32, #tpu.memory_space<vmem>>) target(%dma_start3A_144 : memref<10240x128xf32, #tpu.memory_space<vmem_shared>>) offsets(%arg10 : memref<128xi32, #tpu.memory_space<vmem>>) semaphore(%run_scoped3A : memref<!tpu.dma_semaphore, #tpu.memory_space<semaphore_mem>>) {add = true}
        %dma_wait3A_145 = arith.constant 0 : i32
        %dma_wait3A_146 = arith.constant 0 : i32
        %dma_wait3A_147 = tpu.memref_slice %arg7[%dma_wait3A_145, %dma_wait3A_146] : memref<10240x128xf32, #tpu.memory_space<vmem_shared>> -> memref<10240x128xf32, #tpu.memory_space<vmem_shared>>
        tpu.wait_indirect_dma semaphore(%run_scoped3A : memref<!tpu.dma_semaphore, #tpu.memory_space<semaphore_mem>>) src(%arg12 : memref<128x128xf32, #tpu.memory_space<vmem>>) dst(%dma_wait3A_147 : memref<10240x128xf32, #tpu.memory_space<vmem_shared>>)
        tpu.yield
      }) : () -> ()
      %add3A_99 = arith.constant 2 : i32
      %add3A_100 = arith.addi %mul3A_81, %add3A_99 : i32
      %mul3A_101 = arith.constant 10240 : i32
      %mul3A_102 = arith.muli %add3A, %mul3A_101 : i32
      %mul3A_103 = arith.constant 128 : i32
      %mul3A_104 = arith.muli %add3A_100, %mul3A_103 : i32
      %add3A_105 = arith.addi %mul3A_102, %mul3A_104 : i32
      %dma_start3A_106 = tpu.memref_slice %arg3[%add3A_105] : memref<327680xi32, #tpu.memory_space<hbm>> -> memref<128xi32, #tpu.memory_space<hbm>>
      %dma_start3A_107 = tpu.memref_slice %arg3[%add3A_105] : memref<327680xi32, #tpu.memory_space<hbm>> -> memref<128xi32, #tpu.memory_space<hbm>>
      tpu.enqueue_dma source(%dma_start3A_107 : memref<128xi32, #tpu.memory_space<hbm>>) target(%arg8 : memref<128xi32, #tpu.memory_space<vmem>>) target_semaphore(%arg14 : memref<!tpu.dma_semaphore, #tpu.memory_space<semaphore_mem>>)
      %dma_start3A_108 = tpu.memref_slice %arg4[%add3A_105] : memref<327680xi32, #tpu.memory_space<hbm>> -> memref<128xi32, #tpu.memory_space<hbm>>
      %dma_start3A_109 = tpu.memref_slice %arg4[%add3A_105] : memref<327680xi32, #tpu.memory_space<hbm>> -> memref<128xi32, #tpu.memory_space<hbm>>
      tpu.enqueue_dma source(%dma_start3A_109 : memref<128xi32, #tpu.memory_space<hbm>>) target(%arg10 : memref<128xi32, #tpu.memory_space<vmem>>) target_semaphore(%arg16 : memref<!tpu.dma_semaphore, #tpu.memory_space<semaphore_mem>>)
      %mul3A_110 = arith.constant 2 : i32
      %mul3A_111 = arith.muli %mul3A_110, %scan3A_79 : i32
      %add3A_112 = arith.constant 1 : i32
      %add3A_113 = arith.addi %mul3A_111, %add3A_112 : i32
      %dma_wait3A_114 = arith.constant 0 : i32
      %dma_wait3A_115 = tpu.memref_slice %arg3[%dma_wait3A_114] : memref<327680xi32, #tpu.memory_space<hbm>> -> memref<128xi32, #tpu.memory_space<hbm>>
      %dma_wait3A_116 = arith.constant 0 : i32
      %dma_wait3A_117 = tpu.memref_slice %arg3[%dma_wait3A_116] : memref<327680xi32, #tpu.memory_space<hbm>> -> memref<128xi32, #tpu.memory_space<hbm>>
      tpu.wait_dma2 semaphore(%arg14 : memref<!tpu.dma_semaphore, #tpu.memory_space<semaphore_mem>>) src(%dma_wait3A_117 : memref<128xi32, #tpu.memory_space<hbm>>) dst(%arg8 : memref<128xi32, #tpu.memory_space<vmem>>)
      %dma_start3A_118 = arith.constant 0 : i32
      %dma_start3A_119 = arith.constant 0 : i32
      %dma_start3A_120 = tpu.memref_slice %arg2[%dma_start3A_118, %dma_start3A_119] : memref<10000x128xf32, #tpu.memory_space<hbm>> -> memref<10000x128xf32, #tpu.memory_space<hbm>>
      tpu.enqueue_indirect_dma source(%dma_start3A_120 : memref<10000x128xf32, #tpu.memory_space<hbm>>) target(%arg12 : memref<128x128xf32, #tpu.memory_space<vmem>>) offsets(%arg8 : memref<128xi32, #tpu.memory_space<vmem>>) semaphore(%arg18 : memref<!tpu.dma_semaphore, #tpu.memory_space<semaphore_mem>>)
      %dma_wait3A_121 = arith.constant 0 : i32
      %dma_wait3A_122 = arith.constant 0 : i32
      %dma_wait3A_123 = tpu.memref_slice %arg2[%dma_wait3A_121, %dma_wait3A_122] : memref<10000x128xf32, #tpu.memory_space<hbm>> -> memref<128x128xf32, #tpu.memory_space<hbm>>
      %dma_wait3A_124 = arith.constant 0 : i32
      %dma_wait3A_125 = arith.constant 0 : i32
      %dma_wait3A_126 = tpu.memref_slice %arg2[%dma_wait3A_124, %dma_wait3A_125] : memref<10000x128xf32, #tpu.memory_space<hbm>> -> memref<128x128xf32, #tpu.memory_space<hbm>>
      tpu.wait_dma2 semaphore(%arg19 : memref<!tpu.dma_semaphore, #tpu.memory_space<semaphore_mem>>) src(%dma_wait3A_126 : memref<128x128xf32, #tpu.memory_space<hbm>>) dst(%arg13 : memref<128x128xf32, #tpu.memory_space<vmem>>)
      %dma_wait3A_127 = arith.constant 0 : i32
      %dma_wait3A_128 = tpu.memref_slice %arg4[%dma_wait3A_127] : memref<327680xi32, #tpu.memory_space<hbm>> -> memref<128xi32, #tpu.memory_space<hbm>>
      %dma_wait3A_129 = arith.constant 0 : i32
      %dma_wait3A_130 = tpu.memref_slice %arg4[%dma_wait3A_129] : memref<327680xi32, #tpu.memory_space<hbm>> -> memref<128xi32, #tpu.memory_space<hbm>>
      tpu.wait_dma2 semaphore(%arg17 : memref<!tpu.dma_semaphore, #tpu.memory_space<semaphore_mem>>) src(%dma_wait3A_130 : memref<128xi32, #tpu.memory_space<hbm>>) dst(%arg11 : memref<128xi32, #tpu.memory_space<vmem>>)
      "tpu.region"() ({
        %run_scoped3A = tpu.sem_alloc : memref<!tpu.dma_semaphore, #tpu.memory_space<semaphore_mem>>
        %dma_start3A_142 = arith.constant 0 : i32
        %dma_start3A_143 = arith.constant 0 : i32
        %dma_start3A_144 = tpu.memref_slice %arg7[%dma_start3A_142, %dma_start3A_143] : memref<10240x128xf32, #tpu.memory_space<vmem_shared>> -> memref<10240x128xf32, #tpu.memory_space<vmem_shared>>
        tpu.enqueue_indirect_dma source(%arg13 : memref<128x128xf32, #tpu.memory_space<vmem>>) target(%dma_start3A_144 : memref<10240x128xf32, #tpu.memory_space<vmem_shared>>) offsets(%arg11 : memref<128xi32, #tpu.memory_space<vmem>>) semaphore(%run_scoped3A : memref<!tpu.dma_semaphore, #tpu.memory_space<semaphore_mem>>) {add = true}
        %dma_wait3A_145 = arith.constant 0 : i32
        %dma_wait3A_146 = arith.constant 0 : i32
        %dma_wait3A_147 = tpu.memref_slice %arg7[%dma_wait3A_145, %dma_wait3A_146] : memref<10240x128xf32, #tpu.memory_space<vmem_shared>> -> memref<10240x128xf32, #tpu.memory_space<vmem_shared>>
        tpu.wait_indirect_dma semaphore(%run_scoped3A : memref<!tpu.dma_semaphore, #tpu.memory_space<semaphore_mem>>) src(%arg13 : memref<128x128xf32, #tpu.memory_space<vmem>>) dst(%dma_wait3A_147 : memref<10240x128xf32, #tpu.memory_space<vmem_shared>>)
        tpu.yield
      }) : () -> ()
      %add3A_131 = arith.constant 2 : i32
      %add3A_132 = arith.addi %add3A_113, %add3A_131 : i32
      %mul3A_133 = arith.constant 10240 : i32
      %mul3A_134 = arith.muli %add3A, %mul3A_133 : i32
      %mul3A_135 = arith.constant 128 : i32
      %mul3A_136 = arith.muli %add3A_132, %mul3A_135 : i32
      %add3A_137 = arith.addi %mul3A_134, %mul3A_136 : i32
      %dma_start3A_138 = tpu.memref_slice %arg3[%add3A_137] : memref<327680xi32, #tpu.memory_space<hbm>> -> memref<128xi32, #tpu.memory_space<hbm>>
      %dma_start3A_139 = tpu.memref_slice %arg3[%add3A_137] : memref<327680xi32, #tpu.memory_space<hbm>> -> memref<128xi32, #tpu.memory_space<hbm>>
      tpu.enqueue_dma source(%dma_start3A_139 : memref<128xi32, #tpu.memory_space<hbm>>) target(%arg9 : memref<128xi32, #tpu.memory_space<vmem>>) target_semaphore(%arg15 : memref<!tpu.dma_semaphore, #tpu.memory_space<semaphore_mem>>)
      %dma_start3A_140 = tpu.memref_slice %arg4[%add3A_137] : memref<327680xi32, #tpu.memory_space<hbm>> -> memref<128xi32, #tpu.memory_space<hbm>>
      %dma_start3A_141 = tpu.memref_slice %arg4[%add3A_137] : memref<327680xi32, #tpu.memory_space<hbm>> -> memref<128xi32, #tpu.memory_space<hbm>>
      tpu.enqueue_dma source(%dma_start3A_141 : memref<128xi32, #tpu.memory_space<hbm>>) target(%arg11 : memref<128xi32, #tpu.memory_space<vmem>>) target_semaphore(%arg17 : memref<!tpu.dma_semaphore, #tpu.memory_space<semaphore_mem>>)
    }
    %scan3A_46 = arith.constant 39 : i32
    %dma_wait3A_47 = arith.constant 0 : i32
    %dma_wait3A_48 = tpu.memref_slice %arg3[%dma_wait3A_47] : memref<327680xi32, #tpu.memory_space<hbm>> -> memref<128xi32, #tpu.memory_space<hbm>>
    %dma_wait3A_49 = arith.constant 0 : i32
    %dma_wait3A_50 = tpu.memref_slice %arg3[%dma_wait3A_49] : memref<327680xi32, #tpu.memory_space<hbm>> -> memref<128xi32, #tpu.memory_space<hbm>>
    tpu.wait_dma2 semaphore(%arg15 : memref<!tpu.dma_semaphore, #tpu.memory_space<semaphore_mem>>) src(%dma_wait3A_50 : memref<128xi32, #tpu.memory_space<hbm>>) dst(%arg9 : memref<128xi32, #tpu.memory_space<vmem>>)
    %dma_start3A_51 = arith.constant 0 : i32
    %dma_start3A_52 = arith.constant 0 : i32
    %dma_start3A_53 = tpu.memref_slice %arg2[%dma_start3A_51, %dma_start3A_52] : memref<10000x128xf32, #tpu.memory_space<hbm>> -> memref<10000x128xf32, #tpu.memory_space<hbm>>
    tpu.enqueue_indirect_dma source(%dma_start3A_53 : memref<10000x128xf32, #tpu.memory_space<hbm>>) target(%arg13 : memref<128x128xf32, #tpu.memory_space<vmem>>) offsets(%arg9 : memref<128xi32, #tpu.memory_space<vmem>>) semaphore(%arg19 : memref<!tpu.dma_semaphore, #tpu.memory_space<semaphore_mem>>)
    %dma_wait3A_54 = arith.constant 0 : i32
    %dma_wait3A_55 = arith.constant 0 : i32
    %dma_wait3A_56 = tpu.memref_slice %arg2[%dma_wait3A_54, %dma_wait3A_55] : memref<10000x128xf32, #tpu.memory_space<hbm>> -> memref<128x128xf32, #tpu.memory_space<hbm>>
    %dma_wait3A_57 = arith.constant 0 : i32
    %dma_wait3A_58 = arith.constant 0 : i32
    %dma_wait3A_59 = tpu.memref_slice %arg2[%dma_wait3A_57, %dma_wait3A_58] : memref<10000x128xf32, #tpu.memory_space<hbm>> -> memref<128x128xf32, #tpu.memory_space<hbm>>
    tpu.wait_dma2 semaphore(%arg18 : memref<!tpu.dma_semaphore, #tpu.memory_space<semaphore_mem>>) src(%dma_wait3A_59 : memref<128x128xf32, #tpu.memory_space<hbm>>) dst(%arg12 : memref<128x128xf32, #tpu.memory_space<vmem>>)
    %dma_wait3A_60 = arith.constant 0 : i32
    %dma_wait3A_61 = tpu.memref_slice %arg4[%dma_wait3A_60] : memref<327680xi32, #tpu.memory_space<hbm>> -> memref<128xi32, #tpu.memory_space<hbm>>
    %dma_wait3A_62 = arith.constant 0 : i32
    %dma_wait3A_63 = tpu.memref_slice %arg4[%dma_wait3A_62] : memref<327680xi32, #tpu.memory_space<hbm>> -> memref<128xi32, #tpu.memory_space<hbm>>
    tpu.wait_dma2 semaphore(%arg16 : memref<!tpu.dma_semaphore, #tpu.memory_space<semaphore_mem>>) src(%dma_wait3A_63 : memref<128xi32, #tpu.memory_space<hbm>>) dst(%arg10 : memref<128xi32, #tpu.memory_space<vmem>>)
    "tpu.region"() ({
      %run_scoped3A = tpu.sem_alloc : memref<!tpu.dma_semaphore, #tpu.memory_space<semaphore_mem>>
      %dma_start3A_79 = arith.constant 0 : i32
      %dma_start3A_80 = arith.constant 0 : i32
      %dma_start3A_81 = tpu.memref_slice %arg7[%dma_start3A_79, %dma_start3A_80] : memref<10240x128xf32, #tpu.memory_space<vmem_shared>> -> memref<10240x128xf32, #tpu.memory_space<vmem_shared>>
      tpu.enqueue_indirect_dma source(%arg12 : memref<128x128xf32, #tpu.memory_space<vmem>>) target(%dma_start3A_81 : memref<10240x128xf32, #tpu.memory_space<vmem_shared>>) offsets(%arg10 : memref<128xi32, #tpu.memory_space<vmem>>) semaphore(%run_scoped3A : memref<!tpu.dma_semaphore, #tpu.memory_space<semaphore_mem>>) {add = true}
      %dma_wait3A_82 = arith.constant 0 : i32
      %dma_wait3A_83 = arith.constant 0 : i32
      %dma_wait3A_84 = tpu.memref_slice %arg7[%dma_wait3A_82, %dma_wait3A_83] : memref<10240x128xf32, #tpu.memory_space<vmem_shared>> -> memref<10240x128xf32, #tpu.memory_space<vmem_shared>>
      tpu.wait_indirect_dma semaphore(%run_scoped3A : memref<!tpu.dma_semaphore, #tpu.memory_space<semaphore_mem>>) src(%arg12 : memref<128x128xf32, #tpu.memory_space<vmem>>) dst(%dma_wait3A_84 : memref<10240x128xf32, #tpu.memory_space<vmem_shared>>)
      tpu.yield
    }) : () -> ()
    %dma_wait3A_64 = arith.constant 0 : i32
    %dma_wait3A_65 = arith.constant 0 : i32
    %dma_wait3A_66 = tpu.memref_slice %arg2[%dma_wait3A_64, %dma_wait3A_65] : memref<10000x128xf32, #tpu.memory_space<hbm>> -> memref<128x128xf32, #tpu.memory_space<hbm>>
    %dma_wait3A_67 = arith.constant 0 : i32
    %dma_wait3A_68 = arith.constant 0 : i32
    %dma_wait3A_69 = tpu.memref_slice %arg2[%dma_wait3A_67, %dma_wait3A_68] : memref<10000x128xf32, #tpu.memory_space<hbm>> -> memref<128x128xf32, #tpu.memory_space<hbm>>
    tpu.wait_dma2 semaphore(%arg19 : memref<!tpu.dma_semaphore, #tpu.memory_space<semaphore_mem>>) src(%dma_wait3A_69 : memref<128x128xf32, #tpu.memory_space<hbm>>) dst(%arg13 : memref<128x128xf32, #tpu.memory_space<vmem>>)
    %dma_wait3A_70 = arith.constant 0 : i32
    %dma_wait3A_71 = tpu.memref_slice %arg4[%dma_wait3A_70] : memref<327680xi32, #tpu.memory_space<hbm>> -> memref<128xi32, #tpu.memory_space<hbm>>
    %dma_wait3A_72 = arith.constant 0 : i32
    %dma_wait3A_73 = tpu.memref_slice %arg4[%dma_wait3A_72] : memref<327680xi32, #tpu.memory_space<hbm>> -> memref<128xi32, #tpu.memory_space<hbm>>
    tpu.wait_dma2 semaphore(%arg17 : memref<!tpu.dma_semaphore, #tpu.memory_space<semaphore_mem>>) src(%dma_wait3A_73 : memref<128xi32, #tpu.memory_space<hbm>>) dst(%arg11 : memref<128xi32, #tpu.memory_space<vmem>>)
    "tpu.region"() ({
      %run_scoped3A = tpu.sem_alloc : memref<!tpu.dma_semaphore, #tpu.memory_space<semaphore_mem>>
      %dma_start3A_79 = arith.constant 0 : i32
      %dma_start3A_80 = arith.constant 0 : i32
      %dma_start3A_81 = tpu.memref_slice %arg7[%dma_start3A_79, %dma_start3A_80] : memref<10240x128xf32, #tpu.memory_space<vmem_shared>> -> memref<10240x128xf32, #tpu.memory_space<vmem_shared>>
      tpu.enqueue_indirect_dma source(%arg13 : memref<128x128xf32, #tpu.memory_space<vmem>>) target(%dma_start3A_81 : memref<10240x128xf32, #tpu.memory_space<vmem_shared>>) offsets(%arg11 : memref<128xi32, #tpu.memory_space<vmem>>) semaphore(%run_scoped3A : memref<!tpu.dma_semaphore, #tpu.memory_space<semaphore_mem>>) {add = true}
      %dma_wait3A_82 = arith.constant 0 : i32
      %dma_wait3A_83 = arith.constant 0 : i32
      %dma_wait3A_84 = tpu.memref_slice %arg7[%dma_wait3A_82, %dma_wait3A_83] : memref<10240x128xf32, #tpu.memory_space<vmem_shared>> -> memref<10240x128xf32, #tpu.memory_space<vmem_shared>>
      tpu.wait_indirect_dma semaphore(%run_scoped3A : memref<!tpu.dma_semaphore, #tpu.memory_space<semaphore_mem>>) src(%arg13 : memref<128x128xf32, #tpu.memory_space<vmem>>) dst(%dma_wait3A_84 : memref<10240x128xf32, #tpu.memory_space<vmem_shared>>)
      tpu.yield
    }) : () -> ()
    %barrier3A_74 = arith.constant 0 : index
    tpu.barrier barrier_id(%barrier3A_74)
    %mul3A_75 = arith.constant 640 : i32
    %mul3A_76 = arith.muli %arg1, %mul3A_75 : i32
    %mul3A_77 = arith.constant 640 : i32
    %mul3A_78 = arith.muli %arg1, %mul3A_77 : i32
    "tpu.region"() ({
      %run_scoped3A = tpu.sem_alloc : memref<!tpu.dma_semaphore, #tpu.memory_space<semaphore_mem>>
      %dma_start3A_79 = arith.constant 0 : i32
      %dma_start3A_80 = tpu.memref_slice %arg6[%arg0, %mul3A_78, %dma_start3A_79] : memref<2x10240x128xf32, #tpu.memory_space<hbm>> -> memref<1x640x128xf32, #tpu.memory_space<hbm>>
      %dma_start3A_81 = tpu.memref_squeeze %dma_start3A_80 : memref<1x640x128xf32, #tpu.memory_space<hbm>> -> memref<640x128xf32, #tpu.memory_space<hbm>>
      %dma_start3A_82 = arith.constant 0 : i32
      %dma_start3A_83 = tpu.memref_slice %arg7[%mul3A_76, %dma_start3A_82] : memref<10240x128xf32, #tpu.memory_space<vmem_shared>> -> memref<640x128xf32, #tpu.memory_space<vmem_shared>>
      tpu.enqueue_dma source(%dma_start3A_83 : memref<640x128xf32, #tpu.memory_space<vmem_shared>>) target(%dma_start3A_81 : memref<640x128xf32, #tpu.memory_space<hbm>>) target_semaphore(%run_scoped3A : memref<!tpu.dma_semaphore, #tpu.memory_space<semaphore_mem>>)
      %dma_wait3A_84 = arith.constant 0 : i32
      %dma_wait3A_85 = tpu.memref_slice %arg6[%arg0, %mul3A_78, %dma_wait3A_84] : memref<2x10240x128xf32, #tpu.memory_space<hbm>> -> memref<1x640x128xf32, #tpu.memory_space<hbm>>
      %dma_wait3A_86 = tpu.memref_squeeze %dma_wait3A_85 : memref<1x640x128xf32, #tpu.memory_space<hbm>> -> memref<640x128xf32, #tpu.memory_space<hbm>>
      %dma_wait3A_87 = arith.constant 0 : i32
      %dma_wait3A_88 = tpu.memref_slice %arg7[%mul3A_76, %dma_wait3A_87] : memref<10240x128xf32, #tpu.memory_space<vmem_shared>> -> memref<640x128xf32, #tpu.memory_space<vmem_shared>>
      tpu.wait_dma2 semaphore(%run_scoped3A : memref<!tpu.dma_semaphore, #tpu.memory_space<semaphore_mem>>) src(%dma_wait3A_88 : memref<640x128xf32, #tpu.memory_space<vmem_shared>>) dst(%dma_wait3A_86 : memref<640x128xf32, #tpu.memory_space<hbm>>)
      tpu.yield
    }) : () -> ()
    return
  }
}

#map = affine_map<(d0, d1) -> (0)>
#map1 = affine_map<(d0, d1) -> (0, 0)>
#map2 = affine_map<(d0, d1) -> (0, 0, 0)>
module attributes {stable_mosaic.version = 14 : i64} {
  func.func @_sc_counts(%arg0: i32, %arg1: i32, %arg2: memref<327680xi32, #tpu.memory_space<hbm>>, %arg3: memref<128x128xf32, #tpu.memory_space<hbm>>, %arg4: memref<128x128xf32, #tpu.memory_space<hbm>>, %arg5: memref<2x10240x128xf32, #tpu.memory_space<hbm>>, %arg6: memref<10240x128xf32, #tpu.memory_space<vmem_shared>>, %arg7: memref<128xi32, #tpu.memory_space<vmem>>, %arg8: memref<128xi32, #tpu.memory_space<vmem>>, %arg9: memref<128x128xf32, #tpu.memory_space<vmem>>, %arg10: memref<!tpu.dma_semaphore, #tpu.memory_space<semaphore_mem>>, %arg11: memref<!tpu.dma_semaphore, #tpu.memory_space<semaphore_mem>>) attributes {dimension_semantics = [#tpu.dimension_semantics<core_parallel>, #tpu.dimension_semantics<subcore_parallel>], iteration_bounds = array<i64: 2, 16>, scalar_prefetch = 0 : i64, scratch_operands = 6 : i64, tpu.core_type = #tpu.core_type<sc_vector_subcore>, window_params = [{transform_indices = #map}, {transform_indices = #map1}, {transform_indices = #map1}, {transform_indices = #map2}]} {
    %mul3A = arith.constant 16 : i32
    %mul3A_0 = arith.muli %arg0, %mul3A : i32
    %add3A = arith.addi %mul3A_0, %arg1 : i32
    %mul3A_1 = arith.constant 640 : i32
    %mul3A_2 = arith.muli %arg1, %mul3A_1 : i32
    %add3A_3 = arith.constant 0 : i32
    %add3A_4 = arith.addi %mul3A_2, %add3A_3 : i32
    "tpu.region"() ({
      %run_scoped3A = tpu.sem_alloc : memref<!tpu.dma_semaphore, #tpu.memory_space<semaphore_mem>>
      %dma_start3A_49 = arith.constant 0 : i32
      %dma_start3A_50 = tpu.memref_slice %arg6[%add3A_4, %dma_start3A_49] : memref<10240x128xf32, #tpu.memory_space<vmem_shared>> -> memref<128x128xf32, #tpu.memory_space<vmem_shared>>
      tpu.enqueue_dma source(%arg3 : memref<128x128xf32, #tpu.memory_space<hbm>>) target(%dma_start3A_50 : memref<128x128xf32, #tpu.memory_space<vmem_shared>>) target_semaphore(%run_scoped3A : memref<!tpu.dma_semaphore, #tpu.memory_space<semaphore_mem>>)
      %dma_wait3A_51 = arith.constant 0 : i32
      %dma_wait3A_52 = tpu.memref_slice %arg6[%add3A_4, %dma_wait3A_51] : memref<10240x128xf32, #tpu.memory_space<vmem_shared>> -> memref<128x128xf32, #tpu.memory_space<vmem_shared>>
      tpu.wait_dma2 semaphore(%run_scoped3A : memref<!tpu.dma_semaphore, #tpu.memory_space<semaphore_mem>>) src(%arg3 : memref<128x128xf32, #tpu.memory_space<hbm>>) dst(%dma_wait3A_52 : memref<128x128xf32, #tpu.memory_space<vmem_shared>>)
      tpu.yield
    }) : () -> ()
    %mul3A_5 = arith.constant 640 : i32
    %mul3A_6 = arith.muli %arg1, %mul3A_5 : i32
    %add3A_7 = arith.constant 128 : i32
    %add3A_8 = arith.addi %mul3A_6, %add3A_7 : i32
    "tpu.region"() ({
      %run_scoped3A = tpu.sem_alloc : memref<!tpu.dma_semaphore, #tpu.memory_space<semaphore_mem>>
      %dma_start3A_49 = arith.constant 0 : i32
      %dma_start3A_50 = tpu.memref_slice %arg6[%add3A_8, %dma_start3A_49] : memref<10240x128xf32, #tpu.memory_space<vmem_shared>> -> memref<128x128xf32, #tpu.memory_space<vmem_shared>>
      tpu.enqueue_dma source(%arg3 : memref<128x128xf32, #tpu.memory_space<hbm>>) target(%dma_start3A_50 : memref<128x128xf32, #tpu.memory_space<vmem_shared>>) target_semaphore(%run_scoped3A : memref<!tpu.dma_semaphore, #tpu.memory_space<semaphore_mem>>)
      %dma_wait3A_51 = arith.constant 0 : i32
      %dma_wait3A_52 = tpu.memref_slice %arg6[%add3A_8, %dma_wait3A_51] : memref<10240x128xf32, #tpu.memory_space<vmem_shared>> -> memref<128x128xf32, #tpu.memory_space<vmem_shared>>
      tpu.wait_dma2 semaphore(%run_scoped3A : memref<!tpu.dma_semaphore, #tpu.memory_space<semaphore_mem>>) src(%arg3 : memref<128x128xf32, #tpu.memory_space<hbm>>) dst(%dma_wait3A_52 : memref<128x128xf32, #tpu.memory_space<vmem_shared>>)
      tpu.yield
    }) : () -> ()
    %mul3A_9 = arith.constant 640 : i32
    %mul3A_10 = arith.muli %arg1, %mul3A_9 : i32
    %add3A_11 = arith.constant 256 : i32
    %add3A_12 = arith.addi %mul3A_10, %add3A_11 : i32
    "tpu.region"() ({
      %run_scoped3A = tpu.sem_alloc : memref<!tpu.dma_semaphore, #tpu.memory_space<semaphore_mem>>
      %dma_start3A_49 = arith.constant 0 : i32
      %dma_start3A_50 = tpu.memref_slice %arg6[%add3A_12, %dma_start3A_49] : memref<10240x128xf32, #tpu.memory_space<vmem_shared>> -> memref<128x128xf32, #tpu.memory_space<vmem_shared>>
      tpu.enqueue_dma source(%arg3 : memref<128x128xf32, #tpu.memory_space<hbm>>) target(%dma_start3A_50 : memref<128x128xf32, #tpu.memory_space<vmem_shared>>) target_semaphore(%run_scoped3A : memref<!tpu.dma_semaphore, #tpu.memory_space<semaphore_mem>>)
      %dma_wait3A_51 = arith.constant 0 : i32
      %dma_wait3A_52 = tpu.memref_slice %arg6[%add3A_12, %dma_wait3A_51] : memref<10240x128xf32, #tpu.memory_space<vmem_shared>> -> memref<128x128xf32, #tpu.memory_space<vmem_shared>>
      tpu.wait_dma2 semaphore(%run_scoped3A : memref<!tpu.dma_semaphore, #tpu.memory_space<semaphore_mem>>) src(%arg3 : memref<128x128xf32, #tpu.memory_space<hbm>>) dst(%dma_wait3A_52 : memref<128x128xf32, #tpu.memory_space<vmem_shared>>)
      tpu.yield
    }) : () -> ()
    %mul3A_13 = arith.constant 640 : i32
    %mul3A_14 = arith.muli %arg1, %mul3A_13 : i32
    %add3A_15 = arith.constant 384 : i32
    %add3A_16 = arith.addi %mul3A_14, %add3A_15 : i32
    "tpu.region"() ({
      %run_scoped3A = tpu.sem_alloc : memref<!tpu.dma_semaphore, #tpu.memory_space<semaphore_mem>>
      %dma_start3A_49 = arith.constant 0 : i32
      %dma_start3A_50 = tpu.memref_slice %arg6[%add3A_16, %dma_start3A_49] : memref<10240x128xf32, #tpu.memory_space<vmem_shared>> -> memref<128x128xf32, #tpu.memory_space<vmem_shared>>
      tpu.enqueue_dma source(%arg3 : memref<128x128xf32, #tpu.memory_space<hbm>>) target(%dma_start3A_50 : memref<128x128xf32, #tpu.memory_space<vmem_shared>>) target_semaphore(%run_scoped3A : memref<!tpu.dma_semaphore, #tpu.memory_space<semaphore_mem>>)
      %dma_wait3A_51 = arith.constant 0 : i32
      %dma_wait3A_52 = tpu.memref_slice %arg6[%add3A_16, %dma_wait3A_51] : memref<10240x128xf32, #tpu.memory_space<vmem_shared>> -> memref<128x128xf32, #tpu.memory_space<vmem_shared>>
      tpu.wait_dma2 semaphore(%run_scoped3A : memref<!tpu.dma_semaphore, #tpu.memory_space<semaphore_mem>>) src(%arg3 : memref<128x128xf32, #tpu.memory_space<hbm>>) dst(%dma_wait3A_52 : memref<128x128xf32, #tpu.memory_space<vmem_shared>>)
      tpu.yield
    }) : () -> ()
    %mul3A_17 = arith.constant 640 : i32
    %mul3A_18 = arith.muli %arg1, %mul3A_17 : i32
    %add3A_19 = arith.constant 512 : i32
    %add3A_20 = arith.addi %mul3A_18, %add3A_19 : i32
    "tpu.region"() ({
      %run_scoped3A = tpu.sem_alloc : memref<!tpu.dma_semaphore, #tpu.memory_space<semaphore_mem>>
      %dma_start3A_49 = arith.constant 0 : i32
      %dma_start3A_50 = tpu.memref_slice %arg6[%add3A_20, %dma_start3A_49] : memref<10240x128xf32, #tpu.memory_space<vmem_shared>> -> memref<128x128xf32, #tpu.memory_space<vmem_shared>>
      tpu.enqueue_dma source(%arg3 : memref<128x128xf32, #tpu.memory_space<hbm>>) target(%dma_start3A_50 : memref<128x128xf32, #tpu.memory_space<vmem_shared>>) target_semaphore(%run_scoped3A : memref<!tpu.dma_semaphore, #tpu.memory_space<semaphore_mem>>)
      %dma_wait3A_51 = arith.constant 0 : i32
      %dma_wait3A_52 = tpu.memref_slice %arg6[%add3A_20, %dma_wait3A_51] : memref<10240x128xf32, #tpu.memory_space<vmem_shared>> -> memref<128x128xf32, #tpu.memory_space<vmem_shared>>
      tpu.wait_dma2 semaphore(%run_scoped3A : memref<!tpu.dma_semaphore, #tpu.memory_space<semaphore_mem>>) src(%arg3 : memref<128x128xf32, #tpu.memory_space<hbm>>) dst(%dma_wait3A_52 : memref<128x128xf32, #tpu.memory_space<vmem_shared>>)
      tpu.yield
    }) : () -> ()
    "tpu.region"() ({
      %run_scoped3A = tpu.sem_alloc : memref<!tpu.dma_semaphore, #tpu.memory_space<semaphore_mem>>
      tpu.enqueue_dma source(%arg4 : memref<128x128xf32, #tpu.memory_space<hbm>>) target(%arg9 : memref<128x128xf32, #tpu.memory_space<vmem>>) target_semaphore(%run_scoped3A : memref<!tpu.dma_semaphore, #tpu.memory_space<semaphore_mem>>)
      tpu.wait_dma2 semaphore(%run_scoped3A : memref<!tpu.dma_semaphore, #tpu.memory_space<semaphore_mem>>) src(%arg4 : memref<128x128xf32, #tpu.memory_space<hbm>>) dst(%arg9 : memref<128x128xf32, #tpu.memory_space<vmem>>)
      tpu.yield
    }) : () -> ()
    %barrier3A = arith.constant 0 : index
    tpu.barrier barrier_id(%barrier3A)
    %mul3A_21 = arith.constant 10240 : i32
    %mul3A_22 = arith.muli %add3A, %mul3A_21 : i32
    %add3A_23 = arith.constant 0 : i32
    %add3A_24 = arith.addi %mul3A_22, %add3A_23 : i32
    %dma_start3A = tpu.memref_slice %arg2[%add3A_24] : memref<327680xi32, #tpu.memory_space<hbm>> -> memref<128xi32, #tpu.memory_space<hbm>>
    %dma_start3A_25 = tpu.memref_slice %arg2[%add3A_24] : memref<327680xi32, #tpu.memory_space<hbm>> -> memref<128xi32, #tpu.memory_space<hbm>>
    tpu.enqueue_dma source(%dma_start3A_25 : memref<128xi32, #tpu.memory_space<hbm>>) target(%arg7 : memref<128xi32, #tpu.memory_space<vmem>>) target_semaphore(%arg10 : memref<!tpu.dma_semaphore, #tpu.memory_space<semaphore_mem>>)
    %mul3A_26 = arith.constant 10240 : i32
    %mul3A_27 = arith.muli %add3A, %mul3A_26 : i32
    %add3A_28 = arith.constant 128 : i32
    %add3A_29 = arith.addi %mul3A_27, %add3A_28 : i32
    %dma_start3A_30 = tpu.memref_slice %arg2[%add3A_29] : memref<327680xi32, #tpu.memory_space<hbm>> -> memref<128xi32, #tpu.memory_space<hbm>>
    %dma_start3A_31 = tpu.memref_slice %arg2[%add3A_29] : memref<327680xi32, #tpu.memory_space<hbm>> -> memref<128xi32, #tpu.memory_space<hbm>>
    tpu.enqueue_dma source(%dma_start3A_31 : memref<128xi32, #tpu.memory_space<hbm>>) target(%arg8 : memref<128xi32, #tpu.memory_space<vmem>>) target_semaphore(%arg11 : memref<!tpu.dma_semaphore, #tpu.memory_space<semaphore_mem>>)
    %scan3A = arith.constant 0 : i32
    %scan3A_32 = arith.constant 0 : i32
    %scan3A_33 = arith.constant 39 : i32
    %scan3A_34 = arith.addi %scan3A_32, %scan3A_33 : i32
    %scan3A_35 = arith.constant 1 : i32
    scf.for %scan3A_49 = %scan3A_32 to %scan3A_34 step %scan3A_35  : i32 {
      %mul3A_50 = arith.constant 2 : i32
      %mul3A_51 = arith.muli %mul3A_50, %scan3A_49 : i32
      %dma_wait3A_52 = arith.constant 0 : i32
      %dma_wait3A_53 = tpu.memref_slice %arg2[%dma_wait3A_52] : memref<327680xi32, #tpu.memory_space<hbm>> -> memref<128xi32, #tpu.memory_space<hbm>>
      %dma_wait3A_54 = arith.constant 0 : i32
      %dma_wait3A_55 = tpu.memref_slice %arg2[%dma_wait3A_54] : memref<327680xi32, #tpu.memory_space<hbm>> -> memref<128xi32, #tpu.memory_space<hbm>>
      tpu.wait_dma2 semaphore(%arg10 : memref<!tpu.dma_semaphore, #tpu.memory_space<semaphore_mem>>) src(%dma_wait3A_55 : memref<128xi32, #tpu.memory_space<hbm>>) dst(%arg7 : memref<128xi32, #tpu.memory_space<vmem>>)
      "tpu.region"() ({
        %run_scoped3A = tpu.sem_alloc : memref<!tpu.dma_semaphore, #tpu.memory_space<semaphore_mem>>
        %dma_start3A_82 = arith.constant 0 : i32
        %dma_start3A_83 = arith.constant 0 : i32
        %dma_start3A_84 = tpu.memref_slice %arg6[%dma_start3A_82, %dma_start3A_83] : memref<10240x128xf32, #tpu.memory_space<vmem_shared>> -> memref<10240x128xf32, #tpu.memory_space<vmem_shared>>
        tpu.enqueue_indirect_dma source(%arg9 : memref<128x128xf32, #tpu.memory_space<vmem>>) target(%dma_start3A_84 : memref<10240x128xf32, #tpu.memory_space<vmem_shared>>) offsets(%arg7 : memref<128xi32, #tpu.memory_space<vmem>>) semaphore(%run_scoped3A : memref<!tpu.dma_semaphore, #tpu.memory_space<semaphore_mem>>) {add = true}
        %dma_wait3A_85 = arith.constant 0 : i32
        %dma_wait3A_86 = arith.constant 0 : i32
        %dma_wait3A_87 = tpu.memref_slice %arg6[%dma_wait3A_85, %dma_wait3A_86] : memref<10240x128xf32, #tpu.memory_space<vmem_shared>> -> memref<10240x128xf32, #tpu.memory_space<vmem_shared>>
        tpu.wait_indirect_dma semaphore(%run_scoped3A : memref<!tpu.dma_semaphore, #tpu.memory_space<semaphore_mem>>) src(%arg9 : memref<128x128xf32, #tpu.memory_space<vmem>>) dst(%dma_wait3A_87 : memref<10240x128xf32, #tpu.memory_space<vmem_shared>>)
        tpu.yield
      }) : () -> ()
      %add3A_56 = arith.constant 2 : i32
      %add3A_57 = arith.addi %mul3A_51, %add3A_56 : i32
      %mul3A_58 = arith.constant 10240 : i32
      %mul3A_59 = arith.muli %add3A, %mul3A_58 : i32
      %mul3A_60 = arith.constant 128 : i32
      %mul3A_61 = arith.muli %add3A_57, %mul3A_60 : i32
      %add3A_62 = arith.addi %mul3A_59, %mul3A_61 : i32
      %dma_start3A_63 = tpu.memref_slice %arg2[%add3A_62] : memref<327680xi32, #tpu.memory_space<hbm>> -> memref<128xi32, #tpu.memory_space<hbm>>
      %dma_start3A_64 = tpu.memref_slice %arg2[%add3A_62] : memref<327680xi32, #tpu.memory_space<hbm>> -> memref<128xi32, #tpu.memory_space<hbm>>
      tpu.enqueue_dma source(%dma_start3A_64 : memref<128xi32, #tpu.memory_space<hbm>>) target(%arg7 : memref<128xi32, #tpu.memory_space<vmem>>) target_semaphore(%arg10 : memref<!tpu.dma_semaphore, #tpu.memory_space<semaphore_mem>>)
      %mul3A_65 = arith.constant 2 : i32
      %mul3A_66 = arith.muli %mul3A_65, %scan3A_49 : i32
      %add3A_67 = arith.constant 1 : i32
      %add3A_68 = arith.addi %mul3A_66, %add3A_67 : i32
      %dma_wait3A_69 = arith.constant 0 : i32
      %dma_wait3A_70 = tpu.memref_slice %arg2[%dma_wait3A_69] : memref<327680xi32, #tpu.memory_space<hbm>> -> memref<128xi32, #tpu.memory_space<hbm>>
      %dma_wait3A_71 = arith.constant 0 : i32
      %dma_wait3A_72 = tpu.memref_slice %arg2[%dma_wait3A_71] : memref<327680xi32, #tpu.memory_space<hbm>> -> memref<128xi32, #tpu.memory_space<hbm>>
      tpu.wait_dma2 semaphore(%arg11 : memref<!tpu.dma_semaphore, #tpu.memory_space<semaphore_mem>>) src(%dma_wait3A_72 : memref<128xi32, #tpu.memory_space<hbm>>) dst(%arg8 : memref<128xi32, #tpu.memory_space<vmem>>)
      "tpu.region"() ({
        %run_scoped3A = tpu.sem_alloc : memref<!tpu.dma_semaphore, #tpu.memory_space<semaphore_mem>>
        %dma_start3A_82 = arith.constant 0 : i32
        %dma_start3A_83 = arith.constant 0 : i32
        %dma_start3A_84 = tpu.memref_slice %arg6[%dma_start3A_82, %dma_start3A_83] : memref<10240x128xf32, #tpu.memory_space<vmem_shared>> -> memref<10240x128xf32, #tpu.memory_space<vmem_shared>>
        tpu.enqueue_indirect_dma source(%arg9 : memref<128x128xf32, #tpu.memory_space<vmem>>) target(%dma_start3A_84 : memref<10240x128xf32, #tpu.memory_space<vmem_shared>>) offsets(%arg8 : memref<128xi32, #tpu.memory_space<vmem>>) semaphore(%run_scoped3A : memref<!tpu.dma_semaphore, #tpu.memory_space<semaphore_mem>>) {add = true}
        %dma_wait3A_85 = arith.constant 0 : i32
        %dma_wait3A_86 = arith.constant 0 : i32
        %dma_wait3A_87 = tpu.memref_slice %arg6[%dma_wait3A_85, %dma_wait3A_86] : memref<10240x128xf32, #tpu.memory_space<vmem_shared>> -> memref<10240x128xf32, #tpu.memory_space<vmem_shared>>
        tpu.wait_indirect_dma semaphore(%run_scoped3A : memref<!tpu.dma_semaphore, #tpu.memory_space<semaphore_mem>>) src(%arg9 : memref<128x128xf32, #tpu.memory_space<vmem>>) dst(%dma_wait3A_87 : memref<10240x128xf32, #tpu.memory_space<vmem_shared>>)
        tpu.yield
      }) : () -> ()
      %add3A_73 = arith.constant 2 : i32
      %add3A_74 = arith.addi %add3A_68, %add3A_73 : i32
      %mul3A_75 = arith.constant 10240 : i32
      %mul3A_76 = arith.muli %add3A, %mul3A_75 : i32
      %mul3A_77 = arith.constant 128 : i32
      %mul3A_78 = arith.muli %add3A_74, %mul3A_77 : i32
      %add3A_79 = arith.addi %mul3A_76, %mul3A_78 : i32
      %dma_start3A_80 = tpu.memref_slice %arg2[%add3A_79] : memref<327680xi32, #tpu.memory_space<hbm>> -> memref<128xi32, #tpu.memory_space<hbm>>
      %dma_start3A_81 = tpu.memref_slice %arg2[%add3A_79] : memref<327680xi32, #tpu.memory_space<hbm>> -> memref<128xi32, #tpu.memory_space<hbm>>
      tpu.enqueue_dma source(%dma_start3A_81 : memref<128xi32, #tpu.memory_space<hbm>>) target(%arg8 : memref<128xi32, #tpu.memory_space<vmem>>) target_semaphore(%arg11 : memref<!tpu.dma_semaphore, #tpu.memory_space<semaphore_mem>>)
    }
    %scan3A_36 = arith.constant 39 : i32
    %dma_wait3A = arith.constant 0 : i32
    %dma_wait3A_37 = tpu.memref_slice %arg2[%dma_wait3A] : memref<327680xi32, #tpu.memory_space<hbm>> -> memref<128xi32, #tpu.memory_space<hbm>>
    %dma_wait3A_38 = arith.constant 0 : i32
    %dma_wait3A_39 = tpu.memref_slice %arg2[%dma_wait3A_38] : memref<327680xi32, #tpu.memory_space<hbm>> -> memref<128xi32, #tpu.memory_space<hbm>>
    tpu.wait_dma2 semaphore(%arg10 : memref<!tpu.dma_semaphore, #tpu.memory_space<semaphore_mem>>) src(%dma_wait3A_39 : memref<128xi32, #tpu.memory_space<hbm>>) dst(%arg7 : memref<128xi32, #tpu.memory_space<vmem>>)
    "tpu.region"() ({
      %run_scoped3A = tpu.sem_alloc : memref<!tpu.dma_semaphore, #tpu.memory_space<semaphore_mem>>
      %dma_start3A_49 = arith.constant 0 : i32
      %dma_start3A_50 = arith.constant 0 : i32
      %dma_start3A_51 = tpu.memref_slice %arg6[%dma_start3A_49, %dma_start3A_50] : memref<10240x128xf32, #tpu.memory_space<vmem_shared>> -> memref<10240x128xf32, #tpu.memory_space<vmem_shared>>
      tpu.enqueue_indirect_dma source(%arg9 : memref<128x128xf32, #tpu.memory_space<vmem>>) target(%dma_start3A_51 : memref<10240x128xf32, #tpu.memory_space<vmem_shared>>) offsets(%arg7 : memref<128xi32, #tpu.memory_space<vmem>>) semaphore(%run_scoped3A : memref<!tpu.dma_semaphore, #tpu.memory_space<semaphore_mem>>) {add = true}
      %dma_wait3A_52 = arith.constant 0 : i32
      %dma_wait3A_53 = arith.constant 0 : i32
      %dma_wait3A_54 = tpu.memref_slice %arg6[%dma_wait3A_52, %dma_wait3A_53] : memref<10240x128xf32, #tpu.memory_space<vmem_shared>> -> memref<10240x128xf32, #tpu.memory_space<vmem_shared>>
      tpu.wait_indirect_dma semaphore(%run_scoped3A : memref<!tpu.dma_semaphore, #tpu.memory_space<semaphore_mem>>) src(%arg9 : memref<128x128xf32, #tpu.memory_space<vmem>>) dst(%dma_wait3A_54 : memref<10240x128xf32, #tpu.memory_space<vmem_shared>>)
      tpu.yield
    }) : () -> ()
    %dma_wait3A_40 = arith.constant 0 : i32
    %dma_wait3A_41 = tpu.memref_slice %arg2[%dma_wait3A_40] : memref<327680xi32, #tpu.memory_space<hbm>> -> memref<128xi32, #tpu.memory_space<hbm>>
    %dma_wait3A_42 = arith.constant 0 : i32
    %dma_wait3A_43 = tpu.memref_slice %arg2[%dma_wait3A_42] : memref<327680xi32, #tpu.memory_space<hbm>> -> memref<128xi32, #tpu.memory_space<hbm>>
    tpu.wait_dma2 semaphore(%arg11 : memref<!tpu.dma_semaphore, #tpu.memory_space<semaphore_mem>>) src(%dma_wait3A_43 : memref<128xi32, #tpu.memory_space<hbm>>) dst(%arg8 : memref<128xi32, #tpu.memory_space<vmem>>)
    "tpu.region"() ({
      %run_scoped3A = tpu.sem_alloc : memref<!tpu.dma_semaphore, #tpu.memory_space<semaphore_mem>>
      %dma_start3A_49 = arith.constant 0 : i32
      %dma_start3A_50 = arith.constant 0 : i32
      %dma_start3A_51 = tpu.memref_slice %arg6[%dma_start3A_49, %dma_start3A_50] : memref<10240x128xf32, #tpu.memory_space<vmem_shared>> -> memref<10240x128xf32, #tpu.memory_space<vmem_shared>>
      tpu.enqueue_indirect_dma source(%arg9 : memref<128x128xf32, #tpu.memory_space<vmem>>) target(%dma_start3A_51 : memref<10240x128xf32, #tpu.memory_space<vmem_shared>>) offsets(%arg8 : memref<128xi32, #tpu.memory_space<vmem>>) semaphore(%run_scoped3A : memref<!tpu.dma_semaphore, #tpu.memory_space<semaphore_mem>>) {add = true}
      %dma_wait3A_52 = arith.constant 0 : i32
      %dma_wait3A_53 = arith.constant 0 : i32
      %dma_wait3A_54 = tpu.memref_slice %arg6[%dma_wait3A_52, %dma_wait3A_53] : memref<10240x128xf32, #tpu.memory_space<vmem_shared>> -> memref<10240x128xf32, #tpu.memory_space<vmem_shared>>
      tpu.wait_indirect_dma semaphore(%run_scoped3A : memref<!tpu.dma_semaphore, #tpu.memory_space<semaphore_mem>>) src(%arg9 : memref<128x128xf32, #tpu.memory_space<vmem>>) dst(%dma_wait3A_54 : memref<10240x128xf32, #tpu.memory_space<vmem_shared>>)
      tpu.yield
    }) : () -> ()
    %barrier3A_44 = arith.constant 0 : index
    tpu.barrier barrier_id(%barrier3A_44)
    %mul3A_45 = arith.constant 640 : i32
    %mul3A_46 = arith.muli %arg1, %mul3A_45 : i32
    %mul3A_47 = arith.constant 640 : i32
    %mul3A_48 = arith.muli %arg1, %mul3A_47 : i32
    "tpu.region"() ({
      %run_scoped3A = tpu.sem_alloc : memref<!tpu.dma_semaphore, #tpu.memory_space<semaphore_mem>>
      %dma_start3A_49 = arith.constant 0 : i32
      %dma_start3A_50 = tpu.memref_slice %arg5[%arg0, %mul3A_48, %dma_start3A_49] : memref<2x10240x128xf32, #tpu.memory_space<hbm>> -> memref<1x640x128xf32, #tpu.memory_space<hbm>>
      %dma_start3A_51 = tpu.memref_squeeze %dma_start3A_50 : memref<1x640x128xf32, #tpu.memory_space<hbm>> -> memref<640x128xf32, #tpu.memory_space<hbm>>
      %dma_start3A_52 = arith.constant 0 : i32
      %dma_start3A_53 = tpu.memref_slice %arg6[%mul3A_46, %dma_start3A_52] : memref<10240x128xf32, #tpu.memory_space<vmem_shared>> -> memref<640x128xf32, #tpu.memory_space<vmem_shared>>
      tpu.enqueue_dma source(%dma_start3A_53 : memref<640x128xf32, #tpu.memory_space<vmem_shared>>) target(%dma_start3A_51 : memref<640x128xf32, #tpu.memory_space<hbm>>) target_semaphore(%run_scoped3A : memref<!tpu.dma_semaphore, #tpu.memory_space<semaphore_mem>>)
      %dma_wait3A_54 = arith.constant 0 : i32
      %dma_wait3A_55 = tpu.memref_slice %arg5[%arg0, %mul3A_48, %dma_wait3A_54] : memref<2x10240x128xf32, #tpu.memory_space<hbm>> -> memref<1x640x128xf32, #tpu.memory_space<hbm>>
      %dma_wait3A_56 = tpu.memref_squeeze %dma_wait3A_55 : memref<1x640x128xf32, #tpu.memory_space<hbm>> -> memref<640x128xf32, #tpu.memory_space<hbm>>
      %dma_wait3A_57 = arith.constant 0 : i32
      %dma_wait3A_58 = tpu.memref_slice %arg6[%mul3A_46, %dma_wait3A_57] : memref<10240x128xf32, #tpu.memory_space<vmem_shared>> -> memref<640x128xf32, #tpu.memory_space<vmem_shared>>
      tpu.wait_dma2 semaphore(%run_scoped3A : memref<!tpu.dma_semaphore, #tpu.memory_space<semaphore_mem>>) src(%dma_wait3A_58 : memref<640x128xf32, #tpu.memory_space<vmem_shared>>) dst(%dma_wait3A_56 : memref<640x128xf32, #tpu.memory_space<hbm>>)
      tpu.yield
    }) : () -> ()
    return
  }
}

module attributes {stable_mosaic.version = 14 : i64} {
  func.func @_tc_layer_body(%arg0: i32, %arg1: memref<2x1000x128xf32, #tpu.memory_space<vmem>>, %arg2: memref<2x1000x128xf32, #tpu.memory_space<vmem>>, %arg3: memref<1000x128xf32, #tpu.memory_space<vmem>>, %arg4: memref<128x128xf32, #tpu.memory_space<vmem>>, %arg5: memref<1x128xf32, #tpu.memory_space<vmem>>, %arg6: memref<128x128xf32, #tpu.memory_space<vmem>>, %arg7: memref<1000x128xf32, #tpu.memory_space<vmem>>) attributes {dimension_semantics = [#tpu.dimension_semantics<arbitrary>], iteration_bounds = array<i64: 10>, scalar_prefetch = 0 : i64, scratch_operands = 0 : i64, tpu.core_type = #tpu.core_type<tc>, window_params = [{transform_indices = @transform_0, window_bounds = array<i64: 2, 1000, 128>}, {transform_indices = @transform_1, window_bounds = array<i64: 2, 1000, 128>}, {transform_indices = @transform_2, window_bounds = array<i64: 1000, 128>}, {pipeline_mode = #tpu.pipeline_mode<synchronous>, transform_indices = @transform_3, window_bounds = array<i64: 128, 128>}, {pipeline_mode = #tpu.pipeline_mode<synchronous>, transform_indices = @transform_4, window_bounds = array<i64: 1, 128>}, {pipeline_mode = #tpu.pipeline_mode<synchronous>, transform_indices = @transform_5, window_bounds = array<i64: 128, 128>}, {transform_indices = @transform_6, window_bounds = array<i64: 1000, 128>}]} {
    %get3A = arith.constant 0 : index
    %get3A_0 = arith.constant 0 : index
    %get3A_1 = arith.constant 0 : index
    %get3A_2 = vector.load %arg1[%get3A, %get3A_0, %get3A_1] : memref<2x1000x128xf32, #tpu.memory_space<vmem>>, vector<1x1000x128xf32>
    %get3A_3 = vector.shape_cast %get3A_2 : vector<1x1000x128xf32> to vector<1000x128xf32>
    %get3A_4 = arith.constant 1 : index
    %get3A_5 = arith.constant 0 : index
    %get3A_6 = arith.constant 0 : index
    %get3A_7 = vector.load %arg1[%get3A_4, %get3A_5, %get3A_6] : memref<2x1000x128xf32, #tpu.memory_space<vmem>>, vector<1x1000x128xf32>
    %get3A_8 = vector.shape_cast %get3A_7 : vector<1x1000x128xf32> to vector<1000x128xf32>
    %add3A = arith.addf %get3A_3, %get3A_8 : vector<1000x128xf32>
    %get3A_9 = arith.constant 0 : index
    %get3A_10 = arith.constant 0 : index
    %get3A_11 = arith.constant 0 : index
    %get3A_12 = vector.load %arg2[%get3A_9, %get3A_10, %get3A_11] : memref<2x1000x128xf32, #tpu.memory_space<vmem>>, vector<1x1000x1xf32>
    %get3A_13 = vector.shape_cast %get3A_12 : vector<1x1000x1xf32> to vector<1000x1xf32>
    %get3A_14 = arith.constant 1 : index
    %get3A_15 = arith.constant 0 : index
    %get3A_16 = arith.constant 0 : index
    %get3A_17 = vector.load %arg2[%get3A_14, %get3A_15, %get3A_16] : memref<2x1000x128xf32, #tpu.memory_space<vmem>>, vector<1x1000x1xf32>
    %get3A_18 = vector.shape_cast %get3A_17 : vector<1x1000x1xf32> to vector<1000x1xf32>
    %add3A_19 = arith.addf %get3A_13, %get3A_18 : vector<1000x1xf32>
    %max3A = arith.constant 1.000000e+00 : f32
    %max3A_20 = vector.broadcast %max3A : f32 to vector<1000x1xf32>
    %max3A_21 = arith.maximumf %add3A_19, %max3A_20 : vector<1000x1xf32>
    %div3A = vector.broadcast %max3A_21 : vector<1000x1xf32> to vector<1000x128xf32>
    %div3A_22 = arith.divf %add3A, %div3A : vector<1000x128xf32>
    %get3A_23 = arith.constant 0 : index
    %get3A_24 = arith.constant 0 : index
    %get3A_25 = vector.load %arg4[%get3A_23, %get3A_24] : memref<128x128xf32, #tpu.memory_space<vmem>>, vector<128x128xf32>
    %dot_general3A = arith.constant dense<0.000000e+00> : vector<1000x128xf32>
    %dot_general3A_26 = tpu.matmul %div3A_22, %get3A_25, %dot_general3A {dimension_numbers = #tpu.dot_dimension_numbers<[1], [0], [0], [1], [0, 0, 1, 1], [], []>, transpose_lhs_hint = false} : vector<1000x128xf32>, vector<128x128xf32>, vector<1000x128xf32> -> vector<1000x128xf32>
    %get3A_27 = arith.constant 0 : index
    %get3A_28 = arith.constant 0 : index
    %get3A_29 = vector.load %arg5[%get3A_27, %get3A_28] : memref<1x128xf32, #tpu.memory_space<vmem>>, vector<1x128xf32>
    %add3A_30 = vector.broadcast %get3A_29 : vector<1x128xf32> to vector<1000x128xf32>
    %add3A_31 = arith.addf %dot_general3A_26, %add3A_30 : vector<1000x128xf32>
    %get3A_32 = arith.constant 0 : index
    %get3A_33 = arith.constant 0 : index
    %get3A_34 = vector.load %arg3[%get3A_32, %get3A_33] : memref<1000x128xf32, #tpu.memory_space<vmem>>, vector<1000x128xf32>
    %get3A_35 = arith.constant 0 : index
    %get3A_36 = arith.constant 0 : index
    %get3A_37 = vector.load %arg6[%get3A_35, %get3A_36] : memref<128x128xf32, #tpu.memory_space<vmem>>, vector<128x128xf32>
    %dot_general3A_38 = arith.constant dense<0.000000e+00> : vector<1000x128xf32>
    %dot_general3A_39 = tpu.matmul %get3A_34, %get3A_37, %dot_general3A_38 {dimension_numbers = #tpu.dot_dimension_numbers<[1], [0], [0], [1], [0, 0, 1, 1], [], []>, transpose_lhs_hint = false} : vector<1000x128xf32>, vector<128x128xf32>, vector<1000x128xf32> -> vector<1000x128xf32>
    %add3A_40 = arith.addf %add3A_31, %dot_general3A_39 : vector<1000x128xf32>
    %max3A_41 = arith.constant 0.000000e+00 : f32
    %max3A_42 = vector.broadcast %max3A_41 : f32 to vector<1000x128xf32>
    %max3A_43 = arith.maximumf %add3A_40, %max3A_42 : vector<1000x128xf32>
    %swap3A = arith.constant 0 : index
    %swap3A_44 = arith.constant 0 : index
    %swap3A_45 = vector.load %arg7[%swap3A, %swap3A_44] : memref<1000x128xf32, #tpu.memory_space<vmem>>, vector<1000x128xf32>
    tpu.vector_store %arg7[%swap3A, %swap3A_44], %max3A_43 {strides = array<i32>} : memref<1000x128xf32, #tpu.memory_space<vmem>>, vector<1000x128xf32>,
    return
  }
  func.func @transform_0(%arg0: i32) -> (i32, i32, i32) {
    %c0_i32 = arith.constant 0 : i32
    %c0_i32_0 = arith.constant 0 : i32
    %c0_i32_1 = arith.constant 0 : i32
    return %c0_i32, %arg0, %c0_i32_0 : i32, i32, i32
  }
  func.func @transform_1(%arg0: i32) -> (i32, i32, i32) {
    %c0_i32 = arith.constant 0 : i32
    %c0_i32_0 = arith.constant 0 : i32
    %c0_i32_1 = arith.constant 0 : i32
    return %c0_i32, %arg0, %c0_i32_0 : i32, i32, i32
  }
  func.func @transform_2(%arg0: i32) -> (i32, i32) {
    %c0_i32 = arith.constant 0 : i32
    %c0_i32_0 = arith.constant 0 : i32
    return %arg0, %c0_i32 : i32, i32
  }
  func.func @transform_3(%arg0: i32) -> (i32, i32) {
    %c0_i32 = arith.constant 0 : i32
    %c0_i32_0 = arith.constant 0 : i32
    %c0_i32_1 = arith.constant 0 : i32
    return %c0_i32, %c0_i32_0 : i32, i32
  }
  func.func @transform_4(%arg0: i32) -> (i32, i32) {
    %c0_i32 = arith.constant 0 : i32
    %c0_i32_0 = arith.constant 0 : i32
    %c0_i32_1 = arith.constant 0 : i32
    return %c0_i32, %c0_i32_0 : i32, i32
  }
  func.func @transform_5(%arg0: i32) -> (i32, i32) {
    %c0_i32 = arith.constant 0 : i32
    %c0_i32_0 = arith.constant 0 : i32
    %c0_i32_1 = arith.constant 0 : i32
    return %c0_i32, %c0_i32_0 : i32, i32
  }
  func.func @transform_6(%arg0: i32) -> (i32, i32) {
    %c0_i32 = arith.constant 0 : i32
    %c0_i32_0 = arith.constant 0 : i32
    return %arg0, %c0_i32 : i32, i32
  }
}

module attributes {stable_mosaic.version = 14 : i64} {
  func.func @_tc_final_body(%arg0: i32, %arg1: memref<2x1000x128xf32, #tpu.memory_space<vmem>>, %arg2: memref<2x1000x128xf32, #tpu.memory_space<vmem>>, %arg3: memref<1000x128xf32, #tpu.memory_space<vmem>>, %arg4: memref<128x128xf32, #tpu.memory_space<vmem>>, %arg5: memref<1x128xf32, #tpu.memory_space<vmem>>, %arg6: memref<128x128xf32, #tpu.memory_space<vmem>>, %arg7: memref<128x128xf32, #tpu.memory_space<vmem>>, %arg8: memref<1x128xf32, #tpu.memory_space<vmem>>, %arg9: memref<128x1xf32, #tpu.memory_space<vmem>>, %arg10: memref<1x1xf32, #tpu.memory_space<vmem>>, %arg11: memref<1000x1xf32, #tpu.memory_space<vmem>>) attributes {dimension_semantics = [#tpu.dimension_semantics<arbitrary>], iteration_bounds = array<i64: 10>, scalar_prefetch = 0 : i64, scratch_operands = 0 : i64, tpu.core_type = #tpu.core_type<tc>, window_params = [{transform_indices = @transform_0, window_bounds = array<i64: 2, 1000, 128>}, {transform_indices = @transform_1, window_bounds = array<i64: 2, 1000, 128>}, {transform_indices = @transform_2, window_bounds = array<i64: 1000, 128>}, {pipeline_mode = #tpu.pipeline_mode<synchronous>, transform_indices = @transform_3, window_bounds = array<i64: 128, 128>}, {pipeline_mode = #tpu.pipeline_mode<synchronous>, transform_indices = @transform_4, window_bounds = array<i64: 1, 128>}, {pipeline_mode = #tpu.pipeline_mode<synchronous>, transform_indices = @transform_5, window_bounds = array<i64: 128, 128>}, {pipeline_mode = #tpu.pipeline_mode<synchronous>, transform_indices = @transform_6, window_bounds = array<i64: 128, 128>}, {pipeline_mode = #tpu.pipeline_mode<synchronous>, transform_indices = @transform_7, window_bounds = array<i64: 1, 128>}, {pipeline_mode = #tpu.pipeline_mode<synchronous>, transform_indices = @transform_8, window_bounds = array<i64: 128, 1>}, {pipeline_mode = #tpu.pipeline_mode<synchronous>, transform_indices = @transform_9, window_bounds = array<i64: 1, 1>}, {transform_indices = @transform_10, window_bounds = array<i64: 1000, 1>}]} {
    %get3A = arith.constant 0 : index
    %get3A_0 = arith.constant 0 : index
    %get3A_1 = arith.constant 0 : index
    %get3A_2 = vector.load %arg1[%get3A, %get3A_0, %get3A_1] : memref<2x1000x128xf32, #tpu.memory_space<vmem>>, vector<1x1000x128xf32>
    %get3A_3 = vector.shape_cast %get3A_2 : vector<1x1000x128xf32> to vector<1000x128xf32>
    %get3A_4 = arith.constant 1 : index
    %get3A_5 = arith.constant 0 : index
    %get3A_6 = arith.constant 0 : index
    %get3A_7 = vector.load %arg1[%get3A_4, %get3A_5, %get3A_6] : memref<2x1000x128xf32, #tpu.memory_space<vmem>>, vector<1x1000x128xf32>
    %get3A_8 = vector.shape_cast %get3A_7 : vector<1x1000x128xf32> to vector<1000x128xf32>
    %add3A = arith.addf %get3A_3, %get3A_8 : vector<1000x128xf32>
    %get3A_9 = arith.constant 0 : index
    %get3A_10 = arith.constant 0 : index
    %get3A_11 = arith.constant 0 : index
    %get3A_12 = vector.load %arg2[%get3A_9, %get3A_10, %get3A_11] : memref<2x1000x128xf32, #tpu.memory_space<vmem>>, vector<1x1000x1xf32>
    %get3A_13 = vector.shape_cast %get3A_12 : vector<1x1000x1xf32> to vector<1000x1xf32>
    %get3A_14 = arith.constant 1 : index
    %get3A_15 = arith.constant 0 : index
    %get3A_16 = arith.constant 0 : index
    %get3A_17 = vector.load %arg2[%get3A_14, %get3A_15, %get3A_16] : memref<2x1000x128xf32, #tpu.memory_space<vmem>>, vector<1x1000x1xf32>
    %get3A_18 = vector.shape_cast %get3A_17 : vector<1x1000x1xf32> to vector<1000x1xf32>
    %add3A_19 = arith.addf %get3A_13, %get3A_18 : vector<1000x1xf32>
    %max3A = arith.constant 1.000000e+00 : f32
    %max3A_20 = vector.broadcast %max3A : f32 to vector<1000x1xf32>
    %max3A_21 = arith.maximumf %add3A_19, %max3A_20 : vector<1000x1xf32>
    %div3A = vector.broadcast %max3A_21 : vector<1000x1xf32> to vector<1000x128xf32>
    %div3A_22 = arith.divf %add3A, %div3A : vector<1000x128xf32>
    %get3A_23 = arith.constant 0 : index
    %get3A_24 = arith.constant 0 : index
    %get3A_25 = vector.load %arg4[%get3A_23, %get3A_24] : memref<128x128xf32, #tpu.memory_space<vmem>>, vector<128x128xf32>
    %dot_general3A = arith.constant dense<0.000000e+00> : vector<1000x128xf32>
    %dot_general3A_26 = tpu.matmul %div3A_22, %get3A_25, %dot_general3A {dimension_numbers = #tpu.dot_dimension_numbers<[1], [0], [0], [1], [0, 0, 1, 1], [], []>, transpose_lhs_hint = false} : vector<1000x128xf32>, vector<128x128xf32>, vector<1000x128xf32> -> vector<1000x128xf32>
    %get3A_27 = arith.constant 0 : index
    %get3A_28 = arith.constant 0 : index
    %get3A_29 = vector.load %arg5[%get3A_27, %get3A_28] : memref<1x128xf32, #tpu.memory_space<vmem>>, vector<1x128xf32>
    %add3A_30 = vector.broadcast %get3A_29 : vector<1x128xf32> to vector<1000x128xf32>
    %add3A_31 = arith.addf %dot_general3A_26, %add3A_30 : vector<1000x128xf32>
    %get3A_32 = arith.constant 0 : index
    %get3A_33 = arith.constant 0 : index
    %get3A_34 = vector.load %arg3[%get3A_32, %get3A_33] : memref<1000x128xf32, #tpu.memory_space<vmem>>, vector<1000x128xf32>
    %get3A_35 = arith.constant 0 : index
    %get3A_36 = arith.constant 0 : index
    %get3A_37 = vector.load %arg6[%get3A_35, %get3A_36] : memref<128x128xf32, #tpu.memory_space<vmem>>, vector<128x128xf32>
    %dot_general3A_38 = arith.constant dense<0.000000e+00> : vector<1000x128xf32>
    %dot_general3A_39 = tpu.matmul %get3A_34, %get3A_37, %dot_general3A_38 {dimension_numbers = #tpu.dot_dimension_numbers<[1], [0], [0], [1], [0, 0, 1, 1], [], []>, transpose_lhs_hint = false} : vector<1000x128xf32>, vector<128x128xf32>, vector<1000x128xf32> -> vector<1000x128xf32>
    %add3A_40 = arith.addf %add3A_31, %dot_general3A_39 : vector<1000x128xf32>
    %get3A_41 = arith.constant 0 : index
    %get3A_42 = arith.constant 0 : index
    %get3A_43 = vector.load %arg7[%get3A_41, %get3A_42] : memref<128x128xf32, #tpu.memory_space<vmem>>, vector<128x128xf32>
    %dot_general3A_44 = arith.constant dense<0.000000e+00> : vector<1000x128xf32>
    %dot_general3A_45 = tpu.matmul %add3A_40, %get3A_43, %dot_general3A_44 {dimension_numbers = #tpu.dot_dimension_numbers<[1], [0], [0], [1], [0, 0, 1, 1], [], []>, transpose_lhs_hint = false} : vector<1000x128xf32>, vector<128x128xf32>, vector<1000x128xf32> -> vector<1000x128xf32>
    %get3A_46 = arith.constant 0 : index
    %get3A_47 = arith.constant 0 : index
    %get3A_48 = vector.load %arg8[%get3A_46, %get3A_47] : memref<1x128xf32, #tpu.memory_space<vmem>>, vector<1x128xf32>
    %add3A_49 = vector.broadcast %get3A_48 : vector<1x128xf32> to vector<1000x128xf32>
    %add3A_50 = arith.addf %dot_general3A_45, %add3A_49 : vector<1000x128xf32>
    %max3A_51 = arith.constant 0.000000e+00 : f32
    %max3A_52 = vector.broadcast %max3A_51 : f32 to vector<1000x128xf32>
    %max3A_53 = arith.maximumf %add3A_50, %max3A_52 : vector<1000x128xf32>
    %get3A_54 = arith.constant 0 : index
    %get3A_55 = arith.constant 0 : index
    %get3A_56 = vector.load %arg9[%get3A_54, %get3A_55] : memref<128x1xf32, #tpu.memory_space<vmem>>, vector<128x1xf32>
    %dot_general3A_57 = arith.constant dense<0.000000e+00> : vector<1000x1xf32>
    %dot_general3A_58 = tpu.matmul %max3A_53, %get3A_56, %dot_general3A_57 {dimension_numbers = #tpu.dot_dimension_numbers<[1], [0], [0], [1], [0, 0, 1, 1], [], []>, transpose_lhs_hint = false} : vector<1000x128xf32>, vector<128x1xf32>, vector<1000x1xf32> -> vector<1000x1xf32>
    %get3A_59 = arith.constant 0 : index
    %get3A_60 = arith.constant 0 : index
    %get3A_61 = vector.load %arg10[%get3A_59, %get3A_60] : memref<1x1xf32, #tpu.memory_space<vmem>>, vector<1x1xf32>
    %add3A_62 = vector.broadcast %get3A_61 : vector<1x1xf32> to vector<1000x1xf32>
    %add3A_63 = arith.addf %dot_general3A_58, %add3A_62 : vector<1000x1xf32>
    %neg3A = arith.constant 0.000000e+00 : f32
    %neg3A_64 = vector.broadcast %neg3A : f32 to vector<1000x1xf32>
    %neg3A_65 = arith.subf %neg3A_64, %add3A_63 : vector<1000x1xf32>
    %exp3A = math.exp %neg3A_65 : vector<1000x1xf32>
    %add3A_66 = arith.constant 1.000000e+00 : f32
    %add3A_67 = vector.broadcast %add3A_66 : f32 to vector<1000x1xf32>
    %add3A_68 = arith.addf %add3A_67, %exp3A : vector<1000x1xf32>
    %div3A_69 = arith.constant 1.000000e+00 : f32
    %div3A_70 = vector.broadcast %div3A_69 : f32 to vector<1000x1xf32>
    %div3A_71 = arith.divf %div3A_70, %add3A_68 : vector<1000x1xf32>
    %swap3A = arith.constant 0 : index
    %swap3A_72 = arith.constant 0 : index
    %swap3A_73 = vector.load %arg11[%swap3A, %swap3A_72] : memref<1000x1xf32, #tpu.memory_space<vmem>>, vector<1000x1xf32>
    tpu.vector_store %arg11[%swap3A, %swap3A_72], %div3A_71 {strides = array<i32>} : memref<1000x1xf32, #tpu.memory_space<vmem>>, vector<1000x1xf32>,
    return
  }
  func.func @transform_0(%arg0: i32) -> (i32, i32, i32) {
    %c0_i32 = arith.constant 0 : i32
    %c0_i32_0 = arith.constant 0 : i32
    %c0_i32_1 = arith.constant 0 : i32
    return %c0_i32, %arg0, %c0_i32_0 : i32, i32, i32
  }
  func.func @transform_1(%arg0: i32) -> (i32, i32, i32) {
    %c0_i32 = arith.constant 0 : i32
    %c0_i32_0 = arith.constant 0 : i32
    %c0_i32_1 = arith.constant 0 : i32
    return %c0_i32, %arg0, %c0_i32_0 : i32, i32, i32
  }
  func.func @transform_2(%arg0: i32) -> (i32, i32) {
    %c0_i32 = arith.constant 0 : i32
    %c0_i32_0 = arith.constant 0 : i32
    return %arg0, %c0_i32 : i32, i32
  }
  func.func @transform_3(%arg0: i32) -> (i32, i32) {
    %c0_i32 = arith.constant 0 : i32
    %c0_i32_0 = arith.constant 0 : i32
    %c0_i32_1 = arith.constant 0 : i32
    return %c0_i32, %c0_i32_0 : i32, i32
  }
  func.func @transform_4(%arg0: i32) -> (i32, i32) {
    %c0_i32 = arith.constant 0 : i32
    %c0_i32_0 = arith.constant 0 : i32
    %c0_i32_1 = arith.constant 0 : i32
    return %c0_i32, %c0_i32_0 : i32, i32
  }
  func.func @transform_5(%arg0: i32) -> (i32, i32) {
    %c0_i32 = arith.constant 0 : i32
    %c0_i32_0 = arith.constant 0 : i32
    %c0_i32_1 = arith.constant 0 : i32
    return %c0_i32, %c0_i32_0 : i32, i32
  }
  func.func @transform_6(%arg0: i32) -> (i32, i32) {
    %c0_i32 = arith.constant 0 : i32
    %c0_i32_0 = arith.constant 0 : i32
    %c0_i32_1 = arith.constant 0 : i32
    return %c0_i32, %c0_i32_0 : i32, i32
  }
  func.func @transform_7(%arg0: i32) -> (i32, i32) {
    %c0_i32 = arith.constant 0 : i32
    %c0_i32_0 = arith.constant 0 : i32
    %c0_i32_1 = arith.constant 0 : i32
    return %c0_i32, %c0_i32_0 : i32, i32
  }
  func.func @transform_8(%arg0: i32) -> (i32, i32) {
    %c0_i32 = arith.constant 0 : i32
    %c0_i32_0 = arith.constant 0 : i32
    %c0_i32_1 = arith.constant 0 : i32
    return %c0_i32, %c0_i32_0 : i32, i32
  }
  func.func @transform_9(%arg0: i32) -> (i32, i32) {
    %c0_i32 = arith.constant 0 : i32
    %c0_i32_0 = arith.constant 0 : i32
    %c0_i32_1 = arith.constant 0 : i32
    return %c0_i32, %c0_i32_0 : i32, i32
  }
  func.func @transform_10(%arg0: i32) -> (i32, i32) {
    %c0_i32 = arith.constant 0 : i32
    %c0_i32_0 = arith.constant 0 : i32
    return %arg0, %c0_i32 : i32, i32
  }
}

</mosaic_0001>

<sc_bundles>
// kernel: kernel.12.cloned.1.call-start
scs
__scs_entry_jumppad:
0x0: {  	(pc) =	sbr.rel $0x88, $3  }
0x1: {  	(tag) =	ssettag $0x0;
	lr =	simm.s32 $0x1  }
0x2: {  	[smem:$0x3F92] =	sst lr;
	_ =	strace $0xD0000000  }
0x3: {  	_ = 	snop  }
0x4: {  	_ = 	snop  }
0x5: {  	_ = 	snop  }
0x6: {  	_ = 	snop  }
0x7: {  	_ = 	snop  }
__scs_overlays_trampoline_lowered:
0x8: {  	[smem:$0x3FA1] =	sst s0  }
0x9: {  	[smem:$0x3FA2] =	sst s1  }
0xa: {  	[smem:$0x3FA3] =	sst s2  }
0xb: {  	[smem:$0x3FA4] =	sst s3  }
0xc: {  	[smem:$0x3FA5] =	sst s4  }
0xd: {  	[smem:$0x3FA6] =	sst s5  }
0xe: {  	[smem:$0x3FA7] =	sst s6  }
0xf: {  	[smem:$0x3FA8] =	sst s7  }
0x10: {  	[smem:$0x3FA9] =	sst s8  }
0x11: {  	[smem:$0x3FAA] =	sst s9;
	s0 =	simm.s32 @!p0 $0x0  }
0x12: {  	s1 =	sld [smem:$0x3F90];
	s0 =	simm.s32 @p0 $0x1  }
0x13: {  	[smem:$0x3FAB] =	sst s0;
	s0 =	simm.s32 @!p1 $0x0  }
0x14: {  	s2 =	sld [smem:$0x3F8F];
	s0 =	simm.s32 @p1 $0x1  }
0x15: {  	[smem:$0x3FAC] =	sst s0;
	s0 =	simm.s32 @!p2 $0x0  }
0x16: {  	s3 =	sld [smem:$0x3FDB];
	s0 =	simm.s32 @p2 $0x1  }
0x17: {  	s4 =	simm.s32 $0x1BF5;
	[smem:$0x3FAE] =	sst s0  }
0x18: {  	s0 =	sld [smem:$0x3F91];
	_ =	swait.ge [sflag:s4], $0x0  }
0x19: {  	s7 =	sld [smem:$0x3F92]  }
0x1a: {  	s8 =	sadd.s32 $0xFFFFE003, lr  }
0x1b: {  	s9 =	sadd.s32 $0xFFFFFEF7, lr;
	s5 =	simm.s32 $0xFFFFFFFF;
	p2 =	slt.u32 s8, $0xFFFFF086  }
0x1c: {  	p1 =	slt.u32 s9, $0xF7A;
	s5 =	simm.s32 @!p2 $0x0  }
0x1d: {  	s5 =	simm.s32 @p1 $0x1;
	p0 =	seq.s32 s7, s2  }
0x1e: {  	s7 =	smul.u32 @!p0 $0xF7A, s2;
	p2 =	seq.s32 @!p0 s5, $0x0  }
0x1f: {  	s9 =	smul.u32 $0xF7A, s1;
	s8 =	simm.s32 @!p0 $0x1BF5;
	p2 =	por !p2, p0  }
0x20: {  	[sflag:s8] =	ssyncset.s32 @!p0 $0xFFFFF086;
	s6 =	sadd.s32 @!p0 s3, s7;
	s7 =	simm.s32 @!p0 $0x108  }
0x21: {  	s3 =	sadd.s32 s3, s9;
	s6 =	sadd.s32 @!p0 $0x88, s6;
	s7 =	simm.s32 @p2 $0x1082  }
0x22: {  	[simem:s7], [sflag:s8] =	dma.local @!p0 [hbm:s6], $0xF7A  }
0x23: {  	s9 =	sor.u32 $0xD0000000, s2;
	s6 =	simm.s32 $0x108;
	_ =	swait.ge @!p0 [sflag:s8], $0x0  }
0x24: {  	s3 =	sadd.s32 $0x88, s3;
	s6 =	simm.s32 @!p1 $0x1082;
	[sflag:s4] =	ssyncset.s32 $0xFFFFF086  }
0x25: {  	[simem:s6], [sflag:s4] =	dma.local [hbm:s3], $0xF7A  }
0x26: {  	[smem:$0x3F92] =	sst s1;
	(tag) =	ssettag s2;
	_ =	strace s9  }
0x27: {  	s1 =	sld [smem:$0x3FA2]  }
0x28: {  	s2 =	sld [smem:$0x3FA3]  }
0x29: {  	s4 =	sld [smem:$0x3FA5]  }
0x2a: {  	p0 =	seq.s32 s5, $0x0;
	s5 =	sld [smem:$0x3FA6]  }
0x2b: {  	s6 =	sld [smem:$0x3FA7]  }
0x2c: {  	s7 =	sld [smem:$0x3FA8]  }
0x2d: {  	s3 =	simm.s32 $0x108;
	s8 =	sld [smem:$0x3FA9]  }
0x2e: {  	s3 =	simm.s32 @!p0 $0x1082;
	s9 =	sld [smem:$0x3FAA]  }
0x2f: {  	lr =	sadd.s32 s0, s3;
	s0 =	sld [smem:$0x3FA1]  }
0x30: {  	s3 =	sld [smem:$0x3FA4]  }
0x31: {  	[smem:$0x3FAD] =	sst s10  }
0x32: {  	s10 =	sld [smem:$0x3FAB];
	_ =	sdelay $0x3  }
0x33: {  	p0 =	seq.s32 s10, $0x1;
	s10 =	sld [smem:$0x3FAD];
	_ =	sdelay $0x3  }
0x34: {  	[smem:$0x3FAD] =	sst s10  }
0x35: {  	s10 =	sld [smem:$0x3FAC];
	_ =	sdelay $0x3  }
0x36: {  	p1 =	seq.s32 s10, $0x1;
	s10 =	sld [smem:$0x3FAD];
	_ =	sdelay $0x3  }
0x37: {  	[smem:$0x3FAD] =	sst s10  }
0x38: {  	s10 =	sld [smem:$0x3FAE]  }
0x39: {  	_ = 	snop;
	(pc) =	sbr.ind lr, $3  }
0x3a: {  	_ = 	snop  }
0x3b: {  	_ = 	snop  }
0x3c: {  	p2 =	seq.s32 s10, $0x1;
	s10 =	sld [smem:$0x3FAD]  }
0x3d: {  	_ =	shalt  }
0x3e: {  	_ =	shalt  }
0x3f: {  	_ =	shalt  }
0x40: {  	_ =	shalt  }
0x41: {  	_ =	shalt  }
0x42: {  	_ =	shalt  }
0x43: {  	_ =	shalt  }
0x44: {  	_ =	shalt  }
0x45: {  	_ =	shalt  }
0x46: {  	_ =	shalt  }
0x47: {  	_ =	shalt  }
0x48: {  	_ =	shalt  }
0x49: {  	_ =	shalt  }
0x4a: {  	_ =	shalt  }
0x4b: {  	_ =	shalt  }
0x4c: {  	_ =	shalt  }
0x4d: {  	_ =	shalt  }
0x4e: {  	_ =	shalt  }
0x4f: {  	_ =	shalt  }
0x50: {  	_ =	shalt  }
0x51: {  	_ =	shalt  }
0x52: {  	_ =	shalt  }
0x53: {  	_ =	shalt  }
0x54: {  	_ =	shalt  }
0x55: {  	_ =	shalt  }
0x56: {  	_ =	shalt  }
0x57: {  	_ =	shalt  }
0x58: {  	_ =	shalt  }
0x59: {  	_ =	shalt  }
0x5a: {  	_ =	shalt  }
0x5b: {  	_ =	shalt  }
0x5c: {  	_ =	shalt  }
0x5d: {  	_ =	shalt  }
0x5e: {  	_ =	shalt  }
0x5f: {  	_ =	shalt  }
0x60: {  	_ =	shalt  }
0x61: {  	_ =	shalt  }
0x62: {  	_ =	shalt  }
0x63: {  	_ =	shalt  }
0x64: {  	_ =	shalt  }
0x65: {  	_ =	shalt  }
0x66: {  	_ =	shalt  }
0x67: {  	_ =	shalt  }
0x68: {  	_ =	shalt  }
0x69: {  	_ =	shalt  }
0x6a: {  	_ =	shalt  }
0x6b: {  	_ =	shalt  }
0x6c: {  	_ =	shalt  }
0x6d: {  	_ =	shalt  }
0x6e: {  	_ =	shalt  }
0x6f: {  	_ =	shalt  }
0x70: {  	_ =	shalt  }
0x71: {  	_ =	shalt  }
0x72: {  	_ =	shalt  }
0x73: {  	_ =	shalt  }
0x74: {  	_ =	shalt  }
0x75: {  	_ =	shalt  }
0x76: {  	_ =	shalt  }
0x77: {  	_ =	shalt  }
0x78: {  	_ =	shalt  }
0x79: {  	_ =	shalt  }
0x7a: {  	_ =	shalt  }
0x7b: {  	_ =	shalt  }
0x7c: {  	_ =	shalt  }
0x7d: {  	_ =	shalt  }
0x7e: {  	_ =	shalt  }
0x7f: {  	_ =	shalt  }
0x80: {  	_ =	shalt  }
0x81: {  	_ =	shalt  }
0x82: {  	_ =	shalt  }
0x83: {  	_ =	shalt  }
0x84: {  	_ =	shalt  }
0x85: {  	_ =	shalt  }
0x86: {  	_ =	shalt  }
0x87: {  	_ =	shalt  }
.Lfunc_end0:
.L_simem_size_0:
called_computation.1_lowered:
.L_overlay_start_0:
0x88: {  	s2 =	sld [smem:$0x3FD9]  }
0x89: {  	s3 =	sld [smem:$0x3FFE];
	_ =	sdelay $0x1  }
0x8a: {  	s1 =	srdreg.scid  }
0x8b: {  	s0 =	sand.u32 $0x1, s1  }
0x8c: {  	s17 =	sshll.u32 s0, $0xA;
	s2 =	sadd.s32 s3, s2  }
0x8d: {  	s2 =	sadd.s32 s2, s17  }
0x8e: {  	[smem:$0x3FB9] =	sst s2  }
0x8f: {  	_ = 	snop  }
0x90: {  	s2 =	sld [smem:$0x3FC9];
	(tm) =	ssettm $0x1  }
0x91: {  	s18 =	sld [smem:$0x3FFB];
	_ =	sdelay $0x3  }
0x92: {  	_ =	strace s18  }
0x93: {  	s3 =	sld [smem:$0x3FFC];
	_ =	sdelay $0x3  }
0x94: {  	_ =	strace s3  }
0x95: {  	s3 =	sld [smem:$0x3FFD];
	_ =	sdelay $0x3  }
0x96: {  	_ =	strace s3  }
0x97: {  	_ =	strace $0x8FFFFFFF  }
0x98: {  	s19 =	sld [smem:$0x3FDB];
	_ =	sdelay $0x1  }
0x99: {  	s4 =	simm.s32 $_scs_section_size  }
0x9a: {  	s5 =	simm.s32 $_size__tile_overlayer_lowered;
	s6 =	simm.s32 $_tile_overlayer_lowered  }
0x9b: {  	s22 =	simm.s32 $0x1BFF;
	s21 =	sshll.u32 s6, $0x1;
	s3 =	sadd.s32 s4, s19  }
0x9c: {  	s7 =	simm.s32 $0x0;
	s20 =	sshll.u32 s5, $0x1;
	s5 =	sadd.s32 s21, s3  }
0x9d: {  	[timem:s7], [sflag:s22] =	dma.local [hbm:s5], s20  }
0x9e: {  	_ =	swait.ge [sflag:s22], s20  }
0x9f: {  	s4 =	ssub.s32 $0x0, s20;
	[sflag:s22] =	ssyncset.done $0x0  }
0xa0: {  	[sflag:s22] =	ssyncadd.s32 s4;
	_ =	sdelay $0x1  }
0xa1: {  	s23 =	simm.s32 $0x1B8B  }
0xa2: {  	_ =	swait.ge [sflag:s23], $0x1  }
0xa3: {  	[sflag:s23] =	ssyncset.done $0x0  }
0xa4: {  	s25 =	simm.s32 $0x1B8E;
	s24 =	sld [smem:$0x3FFE];
	[sflag:s23] =	ssyncadd.s32 $0xFFFFFFFF  }
0xa5: {  	s26 =	simm.s32 $execute0_lowered;
	[smem:$0x3FD2] =	sst s25  }
0xa6: {  	s5 =	sshll.u32 s26, $0x1;
	_ =	strace $0x80000046;
	[dreg:$0x1] =	wrdreg $0xFFFFFFFF  }
0xa7: {  	s28 =	simm.s32 $_size_execute0_lowered;
	s3 =	sadd.s32 s3, s5;
	[dreg:$0x0] =	wrdreg $0x0  }
0xa8: {  	s5 =	sshll.u32 s28, $0x1;
	[dreg:$0x2] =	wrdreg s3  }
0xa9: {  	[dreg:$0x3] =	wrdreg s5  }
0xaa: {  	[dreg:$0x4] =	wrdreg $0xC0  }
0xab: {  	_ =	task [dreg:s7], $0x5FFFF  }
0xac: {  	[dreg:$0x1] =	wrdreg $0xFFFFFFFF  }
0xad: {  	[dreg:$0x0] =	wrdreg $0x60  }
0xae: {  	[dreg:$0x2] =	wrdreg s2  }
0xaf: {  	[dreg:$0x3] =	wrdreg s24  }
0xb0: {  	[dreg:$0x4] =	wrdreg $0x0  }
0xb1: {  	[dreg:$0x5] =	wrdreg $0xA  }
0xb2: {  	_ =	task.clear_ibuf [dreg:s7], $0x6FFFF;
	_ =	strace $0x90000046  }
0xb3: {  	s29 =	simm.s32 $0xA;
	_ =	strace $0x80000048  }
0xb4: {  	_ =	swait.ge [sflag:s29], $0x1  }
0xb5: {  	[sflag:s29] =	ssyncadd.s32 $0xFFFFFFFF  }
0xb6: {  	_ =	strace $0x90000048  }
0xb7: {  	_ =	sfence  }
0xb8: {  	s30 =	sld [smem:$0x0];
	_ =	sdelay $0x2  }
0xb9: {  	s31 =	sshll.u32 s1, $0xD;
	s1 =	sshrl.u32 s1, $0x2  }
0xba: {  	s3 =	sand.u32 $0x4000, s31;
	s1 =	sadd.s32 s1, s30  }
0xbb: {  	s0 =	sor.u32 s3, s0;
	s1 =	sshll.u32 s1, $0x11  }
0xbc: {  	s0 =	sor.u32 s1, s0  }
0xbd: {  	s0 =	sadd.s32 $0x8F2B, s0  }
0xbe: {  	[sflag:s0] =	ssyncadd.remote.s32 $0x1  }
0xbf: {  	_ =	sfence.sel $0xFFFF  }
0xc0: {  	[dreg:$0x0] =	wrdreg $0xFFFFFFFF;
	(pc) =	sbr.abs _section_cstart, $3  }
0xc1: {  	[dreg:$0x1] =	wrdreg $0xFFFFFFFF  }
0xc2: {  	_ =	task.clear_ibuf [dreg:s7], $0x2FFFF;
	_ =	strace $0x9FFFFFFF  }
0xc3: {  	(tm) =	ssettm $0x7FFFFFFF  }
tec
execute0_lowered:
.L_overlay_start_1:
0x0: {  	(tag) =	ssettag $0x1  }
0x1: {  	s1 =	rddreg [dreg:$0x0]  }
0x2: {  	s0 =	rddreg [dreg:$0x1]  }
0x3: {  	s2 =	rddreg [dreg:$0x2]  }
0x4: {  	s3 =	srdreg.scid;
	s4 =	simm.s32 $0x0;
	s14 =	stileid.u32  }
0x5: {  	s28 =	simm.s32 $0x1;
	s29 =	simm.s32 $0x80;
	s30 =	simm.s32 $0x14200  }
0x6: {  	s31 =	simm.s32 $0x2;
	s3 =	sand.u32 $0x1, s3;
	[smem:$0x7FF] =	sst s4  }
0x7: {  	s7 =	smul.u32 $0x14000, s14;
	s8 =	sadd.s32 $0xD600, s0;
	s9 =	sadd.s32 $0x3600, s0  }
0x8: {  	s5 =	sadd.s32 $0x17600, s0;
	s11 =	smul.u32 $0x50000, s14;
	s25 =	sshll.u32 s14, $0x6  }
0x9: {  	s6 =	smul.u32 $0x140000, s3;
	_ =	strace $0x80000047;
	s17 =	ssub.s32 $0x2, s3  }
0xa: {  	s22 =	sshll.u32 s3, $0x4;
	s3 =	smul.u32 $0x28000, s3;
	s10 =	sshrl.u32 s17, $0x1  }
0xb: {  	s23 =	sor.u32 s14, s22;
	s24 =	sshrl.u32 s11, $0x2;
	s14 =	smul.u32 $0x2800, s14  }
0xc: {  	s11 =	simm.s32 $0x0;
	s6 =	sadd.s32 s7, s6;
	s18 =	ssub.s32 s17, s10  }
0xd: {  	s15 =	sadd.s32 s24, s2;
	s7 =	sor.u32 $0x1C07, s25;
	s10 =	smul.u32 $0x2800, s23  }
0xe: {  	s6 =	sshrl.u32 s6, $0x3;
	s26 =	sadd.s32 $0x4000, s15;
	s12 =	sadd.s32 $0x8000, s15  }
0xf: {  	s13 =	sadd.s32 $0xC000, s15;
	[dreg:$0x4] =	wrdreg s15;
	s22 =	sadd.s32 $0x10000, s15  }
0x10: {  	s3 =	sadd.s32 s14, s3;
	s0 =	sadd.s32 s6, s0;
	s10 =	sshrl.u32 s10, $0x3  }
0x11: {  	s24 =	sor.u32 $0x180, s3;
	s6 =	smax.u32 s18, $0x1;
	s3 =	sor.u32 $0x100, s3  }
0x12: {  	s18 =	simm.s32 $0x7;
	s26 =	sshrl.u32 s26, $0x3;
	s22 =	sshrl.u32 s22, $0x3  }
0x13: {  	s19 =	sadd.s32 s8, s10;
	s20 =	sor.u32 $0x10, s10;
	[dreg:$0xa] =	wrdreg s6  }
0x14: {  	s10 =	sadd.s32 s9, s10;
	s0 =	sadd.s32 $0x17E00, s0;
	[dreg:$0xb] =	wrdreg s26  }
0x15: {  	s25 =	sshrl.u32 s3, $0x3;
	s26 =	simm.s32 $0x14180;
	[dreg:$0x5] =	wrdreg s19  }
0x16: {  	s3 =	simm.s32 $0x5;
	[dreg:$0x6] =	wrdreg s10;
	s21 =	sadd.s32 s8, s20  }
0x17: {  	s23 =	sadd.s32 s9, s20;
	[dreg:$0x9] =	wrdreg s0;
	s0 =	sshrl.u32 s24, $0x3  }
0x18: {  	s16 =	sadd.s32 s25, s9;
	s17 =	sadd.s32 s25, s8;
	s20 =	sshrl.u32 s12, $0x3  }
0x19: {  	s24 =	simm.s32 $0x14100;
	s25 =	simm.s32 $0x14080;
	[dreg:$0x7] =	wrdreg s21  }
0x1a: {  	s10 =	simm.s32 $0x4;
	[dreg:$0x8] =	wrdreg s23;
	s14 =	sadd.s32 s0, s9  }
0x1b: {  	s15 =	sadd.s32 s0, s8;
	s21 =	sshrl.u32 s13, $0x3;
	s23 =	simm.s32 $0x14000  }
0x1c: {  	s0 =	simm.s32 $0x18200;
	s8 =	simm.s32 $0x3;
	s9 =	simm.s32 $0x6  }
.LBB2_1:
0x1d: {  	s6 =	rddreg [dreg:$0x4]  }
0x1e: {  	s12 =	sshrl.u32 s6, $0x3  }
0x1f: {  	[spmem:s12], [sflag:s7] =	dma.local [hbm:s5], $0x800  }
0x20: {  	_ =	swait.ge [sflag:s18], $0x800  }
0x21: {  	[sflag:s18] =	ssyncset.done $0x0  }
0x22: {  	s13 =	rddreg [dreg:$0xb];
	[sflag:s18] =	ssyncadd.s32 $0xFFFFF800  }
0x23: {  	[spmem:s13], [sflag:s7] =	dma.local [hbm:s5], $0x800  }
0x24: {  	_ =	swait.ge [sflag:s18], $0x800  }
0x25: {  	[sflag:s18] =	ssyncset.done $0x0  }
0x26: {  	[sflag:s18] =	ssyncadd.s32 $0xFFFFF800  }
0x27: {  	[spmem:s20], [sflag:s7] =	dma.local [hbm:s5], $0x800  }
0x28: {  	_ =	swait.ge [sflag:s18], $0x800  }
0x29: {  	[sflag:s18] =	ssyncset.done $0x0  }
0x2a: {  	[sflag:s18] =	ssyncadd.s32 $0xFFFFF800  }
0x2b: {  	[spmem:s21], [sflag:s7] =	dma.local [hbm:s5], $0x800  }
0x2c: {  	_ =	swait.ge [sflag:s18], $0x800  }
0x2d: {  	[sflag:s18] =	ssyncset.done $0x0  }
0x2e: {  	[sflag:s18] =	ssyncadd.s32 $0xFFFFF800  }
0x2f: {  	[spmem:s22], [sflag:s7] =	dma.local [hbm:s5], $0x800  }
0x30: {  	_ =	swait.ge [sflag:s18], $0x800  }
0x31: {  	[sflag:s18] =	ssyncset.done $0x0  }
0x32: {  	[sflag:s18] =	ssyncadd.s32 $0xFFFFF800  }
0x33: {  	[bflag:$0x0] =	sbarrier.arrive $0xFFFF  }
0x34: {  	s19 =	rddreg [dreg:$0x5]  }
0x35: {  	[tilespmem:s23], [sflag:$0x1] =	stream.linear.gather [hbm4b:s19+s4], $0x80, $0x38;
	[tilespmem:$0x1C200] =	vst v63  }
0x36: {  	s13 =	rddreg [dreg:$0x6]  }
0x37: {  	[tilespmem:s24], [sflag:$0x3] =	stream.linear.gather [hbm4b:s13+s4], $0x80, $0x38;
	[tilespmem:$0x1C200] =	vst v63  }
0x38: {  	s19 =	rddreg [dreg:$0x7]  }
0x39: {  	[tilespmem:s25], [sflag:$0x2] =	stream.linear.gather [hbm4b:s19+s4], $0x80, $0x38;
	[tilespmem:$0x1C200] =	vst v63  }
0x3a: {  	s13 =	rddreg [dreg:$0x8]  }
0x3b: {  	[tilespmem:s26], [sflag:$0x4] =	stream.linear.gather [hbm4b:s13+s4], $0x80, $0x38;
	[tilespmem:$0x1C200] =	vst v63  }
0x3c: {  	_ =	swait.ge [sflag:s28], $0x80  }
0x3d: {  	[sflag:s28] =	ssyncset.done $0x0  }
0x3e: {  	[sflag:s28] =	ssyncadd.s32 $0xFFFFFF80  }
0x3f: {  	[tilespmem:s30], [sflag:$0x5] =	stream.indirect.gather [hbm4b:s1+s29], $0x80, s23, s29, $0xb8;
	[tilespmem:$0x1C200] =	vst v63  }
0x40: {  	_ =	swait.ge [sflag:s31], $0x80  }
0x41: {  	[sflag:s31] =	ssyncset.done $0x0  }
0x42: {  	[sflag:s31] =	ssyncadd.s32 $0xFFFFFF80  }
0x43: {  	[tilespmem:s0], [sflag:$0x6] =	stream.indirect.gather [hbm4b:s1+s29], $0x80, s25, s29, $0xb8;
	[tilespmem:$0x1C200] =	vst v63  }
0x44: {  	_ =	swait.ge [sflag:s3], $0x4000  }
0x45: {  	[sflag:s3] =	ssyncset.done $0x0  }
0x46: {  	[sflag:s3] =	ssyncadd.s32 $0xFFFFC000  }
0x47: {  	_ =	swait.ge [sflag:s8], $0x80  }
0x48: {  	[sflag:s8] =	ssyncset.done $0x0  }
0x49: {  	[sflag:s8] =	ssyncadd.s32 $0xFFFFFF80  }
0x4a: {  	[spmem:s2] =	stream.indirect.scatter.add.f32 [tilespmem:s30], [sflag:$0x7], $0x80, s24, s29, $0xb8;
	[tilespmem:$0x1C200] =	vst v63  }
0x4b: {  	_ =	swait.ge [sflag:s18], $0x4000  }
0x4c: {  	[sflag:s18] =	ssyncset.done $0x0  }
0x4d: {  	s19 =	sadd.s32 $0x0, s17;
	[sflag:s18] =	ssyncadd.s32 $0xFFFFC000  }
0x4e: {  	[tilespmem:s23], [sflag:$0x1] =	stream.linear.gather [hbm4b:s19+s4], $0x80, $0x38;
	[tilespmem:$0x1C200] =	vst v63  }
0x4f: {  	s13 =	sadd.s32 $0x0, s16  }
0x50: {  	[tilespmem:s24], [sflag:$0x3] =	stream.linear.gather [hbm4b:s13+s4], $0x80, $0x38;
	[tilespmem:$0x1C200] =	vst v63  }
0x51: {  	_ =	swait.ge [sflag:s28], $0x80  }
0x52: {  	[sflag:s28] =	ssyncset.done $0x0  }
0x53: {  	[sflag:s28] =	ssyncadd.s32 $0xFFFFFF80  }
0x54: {  	[tilespmem:s30], [sflag:$0x5] =	stream.indirect.gather [hbm4b:s1+s29], $0x80, s23, s29, $0xb8;
	[tilespmem:$0x1C200] =	vst v63  }
0x55: {  	_ =	swait.ge [sflag:s9], $0x4000  }
0x56: {  	[sflag:s9] =	ssyncset.done $0x0  }
0x57: {  	[sflag:s9] =	ssyncadd.s32 $0xFFFFC000  }
0x58: {  	_ =	swait.ge [sflag:s10], $0x80  }
0x59: {  	[sflag:s10] =	ssyncset.done $0x0  }
0x5a: {  	[sflag:s10] =	ssyncadd.s32 $0xFFFFFF80  }
0x5b: {  	[spmem:s2] =	stream.indirect.scatter.add.f32 [tilespmem:s0], [sflag:$0x7], $0x80, s26, s29, $0xb8;
	[tilespmem:$0x1C200] =	vst v63  }
0x5c: {  	_ =	swait.ge [sflag:s18], $0x4000  }
0x5d: {  	s6 =	sadd.s32 $0x0, s14;
	[sflag:s18] =	ssyncset.done $0x0  }
0x5e: {  	s19 =	sadd.s32 $0x0, s15;
	s13 =	simm.s32 $0x20;
	[sflag:s18] =	ssyncadd.s32 $0xFFFFC000  }
0x5f: {  	[tilespmem:s25], [sflag:$0x2] =	stream.linear.gather [hbm4b:s19+s4], $0x80, $0x38;
	[tilespmem:$0x1C200] =	vst v63  }
.LBB2_2:
0x60: {  	[tilespmem:s26], [sflag:$0x4] =	stream.linear.gather [hbm4b:s6+s4], $0x80, $0x38;
	[tilespmem:$0x1C200] =	vst v63  }
0x61: {  	s6 =	smov.u32 s13  }
0x62: {  	p0 =	sne.s32 s13, $0x4C0;
	s13 =	sadd.s32 $0x20, s13;
	_ =	swait.ge [sflag:s31], $0x80  }
0x63: {  	[sflag:s31] =	ssyncset.done $0x0  }
0x64: {  	[sflag:s31] =	ssyncadd.s32 $0xFFFFFF80  }
0x65: {  	[tilespmem:s0], [sflag:$0x6] =	stream.indirect.gather [hbm4b:s1+s29], $0x80, s25, s29, $0xb8;
	[tilespmem:$0x1C200] =	vst v63  }
0x66: {  	_ =	swait.ge [sflag:s3], $0x4000  }
0x67: {  	[sflag:s3] =	ssyncset.done $0x0  }
0x68: {  	[sflag:s3] =	ssyncadd.s32 $0xFFFFC000  }
0x69: {  	_ =	swait.ge [sflag:s8], $0x80  }
0x6a: {  	[sflag:s8] =	ssyncset.done $0x0  }
0x6b: {  	[sflag:s8] =	ssyncadd.s32 $0xFFFFFF80  }
0x6c: {  	[spmem:s2] =	stream.indirect.scatter.add.f32 [tilespmem:s30], [sflag:$0x7], $0x80, s24, s29, $0xb8;
	[tilespmem:$0x1C200] =	vst v63  }
0x6d: {  	_ =	swait.ge [sflag:s18], $0x4000  }
0x6e: {  	[sflag:s18] =	ssyncset.done $0x0  }
0x6f: {  	s19 =	sadd.s32 s6, s17;
	[sflag:s18] =	ssyncadd.s32 $0xFFFFC000  }
0x70: {  	[tilespmem:s23], [sflag:$0x1] =	stream.linear.gather [hbm4b:s19+s4], $0x80, $0x38;
	[tilespmem:$0x1C200] =	vst v63  }
0x71: {  	s19 =	sadd.s32 s6, s16  }
0x72: {  	[tilespmem:s24], [sflag:$0x3] =	stream.linear.gather [hbm4b:s19+s4], $0x80, $0x38;
	[tilespmem:$0x1C200] =	vst v63  }
0x73: {  	_ =	swait.ge [sflag:s28], $0x80  }
0x74: {  	[sflag:s28] =	ssyncset.done $0x0  }
0x75: {  	[sflag:s28] =	ssyncadd.s32 $0xFFFFFF80  }
0x76: {  	[tilespmem:s30], [sflag:$0x5] =	stream.indirect.gather [hbm4b:s1+s29], $0x80, s23, s29, $0xb8;
	[tilespmem:$0x1C200] =	vst v63  }
0x77: {  	_ =	swait.ge [sflag:s9], $0x4000  }
0x78: {  	[sflag:s9] =	ssyncset.done $0x0  }
0x79: {  	[sflag:s9] =	ssyncadd.s32 $0xFFFFC000  }
0x7a: {  	_ =	swait.ge [sflag:s10], $0x80  }
0x7b: {  	[sflag:s10] =	ssyncset.done $0x0  }
0x7c: {  	[sflag:s10] =	ssyncadd.s32 $0xFFFFFF80  }
0x7d: {  	[spmem:s2] =	stream.indirect.scatter.add.f32 [tilespmem:s0], [sflag:$0x7], $0x80, s26, s29, $0xb8;
	[tilespmem:$0x1C200] =	vst v63  }
.Ltmp0:
0x7e: {  	_ =	swait.ge [sflag:s18], $0x4000;
	(pc) =	sbr.rel @p0 .LBB2_2-.Ltmp0, $4  }
0x7f: {  	[sflag:s18] =	ssyncset.done $0x0  }
0x80: {  	s19 =	sadd.s32 s6, s15;
	[sflag:s18] =	ssyncadd.s32 $0xFFFFC000  }
0x81: {  	[tilespmem:s25], [sflag:$0x2] =	stream.linear.gather [hbm4b:s19+s4], $0x80, $0x38;
	[tilespmem:$0x1C200] =	vst v63  }
0x82: {  	s6 =	sadd.s32 s6, s14  }
0x83: {  	[tilespmem:s26], [sflag:$0x4] =	stream.linear.gather [hbm4b:s6+s4], $0x80, $0x38;
	[tilespmem:$0x1C200] =	vst v63  }
0x84: {  	_ =	swait.ge [sflag:s31], $0x80  }
0x85: {  	[sflag:s31] =	ssyncset.done $0x0  }
0x86: {  	[sflag:s31] =	ssyncadd.s32 $0xFFFFFF80  }
0x87: {  	[tilespmem:s0], [sflag:$0x6] =	stream.indirect.gather [hbm4b:s1+s29], $0x80, s25, s29, $0xb8;
	[tilespmem:$0x1C200] =	vst v63  }
0x88: {  	_ =	swait.ge [sflag:s3], $0x4000  }
0x89: {  	[sflag:s3] =	ssyncset.done $0x0  }
0x8a: {  	[sflag:s3] =	ssyncadd.s32 $0xFFFFC000  }
0x8b: {  	_ =	swait.ge [sflag:s8], $0x80  }
0x8c: {  	[sflag:s8] =	ssyncset.done $0x0  }
0x8d: {  	[sflag:s8] =	ssyncadd.s32 $0xFFFFFF80  }
0x8e: {  	[spmem:s2] =	stream.indirect.scatter.add.f32 [tilespmem:s30], [sflag:$0x7], $0x80, s24, s29, $0xb8;
	[tilespmem:$0x1C200] =	vst v63  }
0x8f: {  	_ =	swait.ge [sflag:s18], $0x4000  }
0x90: {  	[sflag:s18] =	ssyncset.done $0x0  }
0x91: {  	[sflag:s18] =	ssyncadd.s32 $0xFFFFC000  }
0x92: {  	_ =	swait.ge [sflag:s9], $0x4000  }
0x93: {  	[sflag:s9] =	ssyncset.done $0x0  }
0x94: {  	[sflag:s9] =	ssyncadd.s32 $0xFFFFC000  }
0x95: {  	_ =	swait.ge [sflag:s10], $0x80  }
0x96: {  	[sflag:s10] =	ssyncset.done $0x0  }
0x97: {  	[sflag:s10] =	ssyncadd.s32 $0xFFFFFF80  }
0x98: {  	[spmem:s2] =	stream.indirect.scatter.add.f32 [tilespmem:s0], [sflag:$0x7], $0x80, s26, s29, $0xb8;
	[tilespmem:$0x1C200] =	vst v63  }
0x99: {  	_ =	swait.ge [sflag:s18], $0x4000  }
0x9a: {  	[sflag:s18] =	ssyncset.done $0x0  }
0x9b: {  	[sflag:s18] =	ssyncadd.s32 $0xFFFFC000  }
0x9c: {  	[bflag:$0x0] =	sbarrier.arrive $0xFFFF  }
0x9d: {  	s13 =	rddreg [dreg:$0x9]  }
0x9e: {  	[hbm:s13], [sflag:s7] =	dma.local [spmem:s12], $0x2800  }
0x9f: {  	_ =	swait.ge [sflag:s18], $0x2800  }
0xa0: {  	s11 =	sadd.s32 $0x1, s11;
	s19 =	rddreg [dreg:$0xa]  }
0xa1: {  	p0 =	sne.s32 s11, s19  }
.Ltmp1:
0xa2: {  	_ = 	snop;
	(pc) =	sbr.rel @p0 .LBB2_1-.Ltmp1, $3  }
0xa3: {  	_ =	sdelay $0x1  }
0xa4: {  	[sflag:s18] =	ssyncset.done $0x0  }
0xa5: {  	[sflag:s18] =	ssyncadd.s32 $0xFFFFD800  }
0xa6: {  	_ =	sfence.sel $0x180000  }
0xa7: {  	[bflag:$0x0] =	sbarrier.arrive $0xFFFF  }
0xa8: {  	_ =	strace $0x90000047  }
0xa9: {  	s0 =	stileid.u32;
	[bflag:$0x2] =	sbarrier.arrive $0xFFFF  }
0xaa: {  	p0 =	sne.s32 s0, $0x0;
	s0 =	rddreg [dreg:$0x3]  }
0xab: {  	s0 =	sadd.s32 @!p0 $0x100000, s0  }
0xac: {  	[sflag:s0] =	ssyncadd.tile.s32 @!p0 $0x1;
	_ =	shalt  }
.Lfunc_end2:
_tile_overlayer_lowered:
.L_overlay_start_2:
0xad: {  	(tag) =	ssettag $0x2  }
0xae: {  	s0 =	rddreg [dreg:$0x0];
	s2 =	stileid.u32  }
0xaf: {  	s1 =	rddreg [dreg:$0x1];
	p0 =	sne.s32 s2, $0x0  }
0xb0: {  	s3 =	rddreg [dreg:$0x2];
	[bflag:$0x3] =	sbarrier.arrive $0xFFFF;
	s2 =	simm.s32 @!p0 $0x1C07  }
0xb1: {  	[timem:s3], [sflag:s2] =	dma.local @!p0 [hbm:s0], s1  }
0xb2: {  	s0 =	simm.s32 @!p0 $0x7  }
0xb3: {  	_ =	swait.ge @!p0 [sflag:s0], s1  }
0xb4: {  	s1 =	ssub.s32 @!p0 $0x0, s1;
	[sflag:s0] =	ssyncset.done @!p0 $0x0  }
0xb5: {  	[sflag:s0] =	ssyncadd.s32 @!p0 s1  }
0xb6: {  	[bflag:$0x3] =	sbarrier.arrive $0xFFFF  }
0xb7: {  	_ =	shalt  }

// kernel: kernel.15.cloned.1.call-start
scs
__scs_entry_jumppad:
0x0: {  	(pc) =	sbr.rel $0x88, $3  }
0x1: {  	(tag) =	ssettag $0x0;
	lr =	simm.s32 $0x1  }
0x2: {  	[smem:$0x3F92] =	sst lr;
	_ =	strace $0xD0000000  }
0x3: {  	_ = 	snop  }
0x4: {  	_ = 	snop  }
0x5: {  	_ = 	snop  }
0x6: {  	_ = 	snop  }
0x7: {  	_ = 	snop  }
__scs_overlays_trampoline_lowered:
0x8: {  	[smem:$0x3FA1] =	sst s0  }
0x9: {  	[smem:$0x3FA2] =	sst s1  }
0xa: {  	[smem:$0x3FA3] =	sst s2  }
0xb: {  	[smem:$0x3FA4] =	sst s3  }
0xc: {  	[smem:$0x3FA5] =	sst s4  }
0xd: {  	[smem:$0x3FA6] =	sst s5  }
0xe: {  	[smem:$0x3FA7] =	sst s6  }
0xf: {  	[smem:$0x3FA8] =	sst s7  }
0x10: {  	[smem:$0x3FA9] =	sst s8  }
0x11: {  	[smem:$0x3FAA] =	sst s9;
	s0 =	simm.s32 @!p0 $0x0  }
0x12: {  	s1 =	sld [smem:$0x3F90];
	s0 =	simm.s32 @p0 $0x1  }
0x13: {  	[smem:$0x3FAB] =	sst s0;
	s0 =	simm.s32 @!p1 $0x0  }
0x14: {  	s2 =	sld [smem:$0x3F8F];
	s0 =	simm.s32 @p1 $0x1  }
0x15: {  	[smem:$0x3FAC] =	sst s0;
	s0 =	simm.s32 @!p2 $0x0  }
0x16: {  	s3 =	sld [smem:$0x3FDB];
	s0 =	simm.s32 @p2 $0x1  }
0x17: {  	s4 =	simm.s32 $0x1BF5;
	[smem:$0x3FAE] =	sst s0  }
0x18: {  	s0 =	sld [smem:$0x3F91];
	_ =	swait.ge [sflag:s4], $0x0  }
0x19: {  	s7 =	sld [smem:$0x3F92]  }
0x1a: {  	s8 =	sadd.s32 $0xFFFFE003, lr  }
0x1b: {  	s9 =	sadd.s32 $0xFFFFFEF7, lr;
	s5 =	simm.s32 $0xFFFFFFFF;
	p2 =	slt.u32 s8, $0xFFFFF086  }
0x1c: {  	p1 =	slt.u32 s9, $0xF7A;
	s5 =	simm.s32 @!p2 $0x0  }
0x1d: {  	s5 =	simm.s32 @p1 $0x1;
	p0 =	seq.s32 s7, s2  }
0x1e: {  	s7 =	smul.u32 @!p0 $0xF7A, s2;
	p2 =	seq.s32 @!p0 s5, $0x0  }
0x1f: {  	s9 =	smul.u32 $0xF7A, s1;
	s8 =	simm.s32 @!p0 $0x1BF5;
	p2 =	por !p2, p0  }
0x20: {  	[sflag:s8] =	ssyncset.s32 @!p0 $0xFFFFF086;
	s6 =	sadd.s32 @!p0 s3, s7;
	s7 =	simm.s32 @!p0 $0x108  }
0x21: {  	s3 =	sadd.s32 s3, s9;
	s6 =	sadd.s32 @!p0 $0x88, s6;
	s7 =	simm.s32 @p2 $0x1082  }
0x22: {  	[simem:s7], [sflag:s8] =	dma.local @!p0 [hbm:s6], $0xF7A  }
0x23: {  	s9 =	sor.u32 $0xD0000000, s2;
	s6 =	simm.s32 $0x108;
	_ =	swait.ge @!p0 [sflag:s8], $0x0  }
0x24: {  	s3 =	sadd.s32 $0x88, s3;
	s6 =	simm.s32 @!p1 $0x1082;
	[sflag:s4] =	ssyncset.s32 $0xFFFFF086  }
0x25: {  	[simem:s6], [sflag:s4] =	dma.local [hbm:s3], $0xF7A  }
0x26: {  	[smem:$0x3F92] =	sst s1;
	(tag) =	ssettag s2;
	_ =	strace s9  }
0x27: {  	s1 =	sld [smem:$0x3FA2]  }
0x28: {  	s2 =	sld [smem:$0x3FA3]  }
0x29: {  	s4 =	sld [smem:$0x3FA5]  }
0x2a: {  	p0 =	seq.s32 s5, $0x0;
	s5 =	sld [smem:$0x3FA6]  }
0x2b: {  	s6 =	sld [smem:$0x3FA7]  }
0x2c: {  	s7 =	sld [smem:$0x3FA8]  }
0x2d: {  	s3 =	simm.s32 $0x108;
	s8 =	sld [smem:$0x3FA9]  }
0x2e: {  	s3 =	simm.s32 @!p0 $0x1082;
	s9 =	sld [smem:$0x3FAA]  }
0x2f: {  	lr =	sadd.s32 s0, s3;
	s0 =	sld [smem:$0x3FA1]  }
0x30: {  	s3 =	sld [smem:$0x3FA4]  }
0x31: {  	[smem:$0x3FAD] =	sst s10  }
0x32: {  	s10 =	sld [smem:$0x3FAB];
	_ =	sdelay $0x3  }
0x33: {  	p0 =	seq.s32 s10, $0x1;
	s10 =	sld [smem:$0x3FAD];
	_ =	sdelay $0x3  }
0x34: {  	[smem:$0x3FAD] =	sst s10  }
0x35: {  	s10 =	sld [smem:$0x3FAC];
	_ =	sdelay $0x3  }
0x36: {  	p1 =	seq.s32 s10, $0x1;
	s10 =	sld [smem:$0x3FAD];
	_ =	sdelay $0x3  }
0x37: {  	[smem:$0x3FAD] =	sst s10  }
0x38: {  	s10 =	sld [smem:$0x3FAE]  }
0x39: {  	_ = 	snop;
	(pc) =	sbr.ind lr, $3  }
0x3a: {  	_ = 	snop  }
0x3b: {  	_ = 	snop  }
0x3c: {  	p2 =	seq.s32 s10, $0x1;
	s10 =	sld [smem:$0x3FAD]  }
0x3d: {  	_ =	shalt  }
0x3e: {  	_ =	shalt  }
0x3f: {  	_ =	shalt  }
0x40: {  	_ =	shalt  }
0x41: {  	_ =	shalt  }
0x42: {  	_ =	shalt  }
0x43: {  	_ =	shalt  }
0x44: {  	_ =	shalt  }
0x45: {  	_ =	shalt  }
0x46: {  	_ =	shalt  }
0x47: {  	_ =	shalt  }
0x48: {  	_ =	shalt  }
0x49: {  	_ =	shalt  }
0x4a: {  	_ =	shalt  }
0x4b: {  	_ =	shalt  }
0x4c: {  	_ =	shalt  }
0x4d: {  	_ =	shalt  }
0x4e: {  	_ =	shalt  }
0x4f: {  	_ =	shalt  }
0x50: {  	_ =	shalt  }
0x51: {  	_ =	shalt  }
0x52: {  	_ =	shalt  }
0x53: {  	_ =	shalt  }
0x54: {  	_ =	shalt  }
0x55: {  	_ =	shalt  }
0x56: {  	_ =	shalt  }
0x57: {  	_ =	shalt  }
0x58: {  	_ =	shalt  }
0x59: {  	_ =	shalt  }
0x5a: {  	_ =	shalt  }
0x5b: {  	_ =	shalt  }
0x5c: {  	_ =	shalt  }
0x5d: {  	_ =	shalt  }
0x5e: {  	_ =	shalt  }
0x5f: {  	_ =	shalt  }
0x60: {  	_ =	shalt  }
0x61: {  	_ =	shalt  }
0x62: {  	_ =	shalt  }
0x63: {  	_ =	shalt  }
0x64: {  	_ =	shalt  }
0x65: {  	_ =	shalt  }
0x66: {  	_ =	shalt  }
0x67: {  	_ =	shalt  }
0x68: {  	_ =	shalt  }
0x69: {  	_ =	shalt  }
0x6a: {  	_ =	shalt  }
0x6b: {  	_ =	shalt  }
0x6c: {  	_ =	shalt  }
0x6d: {  	_ =	shalt  }
0x6e: {  	_ =	shalt  }
0x6f: {  	_ =	shalt  }
0x70: {  	_ =	shalt  }
0x71: {  	_ =	shalt  }
0x72: {  	_ =	shalt  }
0x73: {  	_ =	shalt  }
0x74: {  	_ =	shalt  }
0x75: {  	_ =	shalt  }
0x76: {  	_ =	shalt  }
0x77: {  	_ =	shalt  }
0x78: {  	_ =	shalt  }
0x79: {  	_ =	shalt  }
0x7a: {  	_ =	shalt  }
0x7b: {  	_ =	shalt  }
0x7c: {  	_ =	shalt  }
0x7d: {  	_ =	shalt  }
0x7e: {  	_ =	shalt  }
0x7f: {  	_ =	shalt  }
0x80: {  	_ =	shalt  }
0x81: {  	_ =	shalt  }
0x82: {  	_ =	shalt  }
0x83: {  	_ =	shalt  }
0x84: {  	_ =	shalt  }
0x85: {  	_ =	shalt  }
0x86: {  	_ =	shalt  }
0x87: {  	_ =	shalt  }
.Lfunc_end0:
.L_simem_size_0:
called_computation.2_lowered:
.L_overlay_start_0:
0x88: {  	s2 =	sld [smem:$0x3FD9]  }
0x89: {  	s3 =	sld [smem:$0x3FFE];
	_ =	sdelay $0x1  }
0x8a: {  	s1 =	srdreg.scid  }
0x8b: {  	s0 =	sand.u32 $0x1, s1  }
0x8c: {  	s16 =	sshll.u32 s0, $0xA;
	s2 =	sadd.s32 s3, s2  }
0x8d: {  	s2 =	sadd.s32 s2, s16  }
0x8e: {  	[smem:$0x3FB9] =	sst s2  }
0x8f: {  	_ = 	snop  }
0x90: {  	(tm) =	ssettm $0x1  }
0x91: {  	s17 =	sld [smem:$0x3FFB];
	_ =	sdelay $0x3  }
0x92: {  	_ =	strace s17  }
0x93: {  	s2 =	sld [smem:$0x3FFC];
	_ =	sdelay $0x3  }
0x94: {  	_ =	strace s2  }
0x95: {  	s2 =	sld [smem:$0x3FFD];
	_ =	sdelay $0x3  }
0x96: {  	_ =	strace s2  }
0x97: {  	_ =	strace $0x8FFFFFFF  }
0x98: {  	s18 =	sld [smem:$0x3FDB];
	_ =	sdelay $0x1  }
0x99: {  	s19 =	simm.s32 $_scs_section_size  }
0x9a: {  	s4 =	simm.s32 $_size__tile_overlayer_lowered;
	s5 =	simm.s32 $_tile_overlayer_lowered  }
0x9b: {  	s22 =	simm.s32 $0x1BFF;
	s21 =	sshll.u32 s5, $0x1;
	s2 =	sadd.s32 s19, s18  }
0x9c: {  	s6 =	simm.s32 $0x0;
	s20 =	sshll.u32 s4, $0x1;
	s4 =	sadd.s32 s21, s2  }
0x9d: {  	[timem:s6], [sflag:s22] =	dma.local [hbm:s4], s20  }
0x9e: {  	_ =	swait.ge [sflag:s22], s20  }
0x9f: {  	s3 =	ssub.s32 $0x0, s20;
	[sflag:s22] =	ssyncset.done $0x0  }
0xa0: {  	[sflag:s22] =	ssyncadd.s32 s3;
	_ =	sdelay $0x1  }
0xa1: {  	s23 =	simm.s32 $0x1B8B  }
0xa2: {  	_ =	swait.ge [sflag:s23], $0x1  }
0xa3: {  	[sflag:s23] =	ssyncset.done $0x0  }
0xa4: {  	s25 =	simm.s32 $0x1B8E;
	s24 =	sld [smem:$0x3FFE];
	[sflag:s23] =	ssyncadd.s32 $0xFFFFFFFF  }
0xa5: {  	s26 =	simm.s32 $execute0_lowered;
	[smem:$0x3FD2] =	sst s25  }
0xa6: {  	s4 =	sshll.u32 s26, $0x1;
	_ =	strace $0x8000004C;
	[dreg:$0x1] =	wrdreg $0xFFFFFFFF  }
0xa7: {  	s28 =	simm.s32 $_size_execute0_lowered;
	s2 =	sadd.s32 s2, s4;
	[dreg:$0x0] =	wrdreg $0x0  }
0xa8: {  	s4 =	sshll.u32 s28, $0x1;
	[dreg:$0x2] =	wrdreg s2  }
0xa9: {  	[dreg:$0x3] =	wrdreg s4  }
0xaa: {  	[dreg:$0x4] =	wrdreg $0xC0  }
0xab: {  	_ =	task [dreg:s6], $0x5FFFF  }
0xac: {  	[dreg:$0x1] =	wrdreg $0xFFFFFFFF  }
0xad: {  	[dreg:$0x0] =	wrdreg $0x60  }
0xae: {  	[dreg:$0x2] =	wrdreg s24  }
0xaf: {  	[dreg:$0x3] =	wrdreg $0x0  }
0xb0: {  	[dreg:$0x4] =	wrdreg $0x9  }
0xb1: {  	_ =	task.clear_ibuf [dreg:s6], $0x5FFFF;
	_ =	strace $0x9000004C  }
0xb2: {  	s29 =	simm.s32 $0x9;
	_ =	strace $0x8000004E  }
0xb3: {  	_ =	swait.ge [sflag:s29], $0x1  }
0xb4: {  	[sflag:s29] =	ssyncadd.s32 $0xFFFFFFFF  }
0xb5: {  	_ =	strace $0x9000004E  }
0xb6: {  	_ =	sfence  }
0xb7: {  	s30 =	sld [smem:$0x0];
	_ =	sdelay $0x2  }
0xb8: {  	s31 =	sshll.u32 s1, $0xD;
	s1 =	sshrl.u32 s1, $0x2  }
0xb9: {  	s3 =	sand.u32 $0x4000, s31;
	s1 =	sadd.s32 s1, s30  }
0xba: {  	s0 =	sor.u32 s3, s0;
	s1 =	sshll.u32 s1, $0x11  }
0xbb: {  	s0 =	sor.u32 s1, s0  }
0xbc: {  	s0 =	sadd.s32 $0x8F2B, s0  }
0xbd: {  	[sflag:s0] =	ssyncadd.remote.s32 $0x1  }
0xbe: {  	_ =	sfence.sel $0xFFFF  }
0xbf: {  	[dreg:$0x0] =	wrdreg $0xFFFFFFFF;
	(pc) =	sbr.abs _section_cstart, $3  }
0xc0: {  	[dreg:$0x1] =	wrdreg $0xFFFFFFFF  }
0xc1: {  	_ =	task.clear_ibuf [dreg:s6], $0x2FFFF;
	_ =	strace $0x9FFFFFFF  }
0xc2: {  	(tm) =	ssettm $0x7FFFFFFF  }
0xc3: {  	_ =	shalt  }
tec
execute0_lowered:
.L_overlay_start_1:
0x0: {  	(tag) =	ssettag $0x1  }
0x1: {  	s0 =	rddreg [dreg:$0x0]  }
0x2: {  	s1 =	rddreg [dreg:$0x1];
	s3 =	simm.s32 $0x0  }
0x3: {  	s2 =	srdreg.scid;
	s14 =	stileid.u32;
	s28 =	simm.s32 $0x1  }
0x4: {  	s29 =	simm.s32 $0x80;
	s30 =	simm.s32 $0x14200;
	s31 =	simm.s32 $0x2  }
0x5: {  	[smem:$0x7FF] =	sst s3;
	s2 =	sand.u32 $0x1, s2;
	s7 =	smul.u32 $0x14000, s14  }
0x6: {  	s4 =	sadd.s32 $0x17E00, s0;
	s8 =	sadd.s32 $0xD600, s0;
	s9 =	sadd.s32 $0x3600, s0  }
0x7: {  	s5 =	sadd.s32 $0x17600, s0;
	s11 =	smul.u32 $0x50000, s14;
	s25 =	sshll.u32 s14, $0x6  }
0x8: {  	s6 =	smul.u32 $0x140000, s2;
	_ =	strace $0x8000004D;
	s17 =	ssub.s32 $0x2, s2  }
0x9: {  	s22 =	sshll.u32 s2, $0x4;
	s2 =	smul.u32 $0x28000, s2;
	s10 =	sshrl.u32 s17, $0x1  }
0xa: {  	s23 =	sor.u32 s14, s22;
	s24 =	sshrl.u32 s11, $0x2;
	s14 =	smul.u32 $0x2800, s14  }
0xb: {  	s11 =	simm.s32 $0x0;
	s6 =	sadd.s32 s7, s6;
	s18 =	ssub.s32 s17, s10  }
0xc: {  	s15 =	sadd.s32 s24, s1;
	s7 =	sor.u32 $0x1C07, s25;
	s10 =	smul.u32 $0x2800, s23  }
0xd: {  	s6 =	sshrl.u32 s6, $0x3;
	s26 =	sadd.s32 $0x4000, s15;
	s12 =	sadd.s32 $0x8000, s15  }
0xe: {  	s13 =	sadd.s32 $0xC000, s15;
	[dreg:$0x3] =	wrdreg s15;
	s22 =	sadd.s32 $0x10000, s15  }
0xf: {  	s2 =	sadd.s32 s14, s2;
	s0 =	sadd.s32 s6, s0;
	s10 =	sshrl.u32 s10, $0x3  }
0x10: {  	s24 =	sor.u32 $0x180, s2;
	s6 =	smax.u32 s18, $0x1;
	s2 =	sor.u32 $0x100, s2  }
0x11: {  	s18 =	simm.s32 $0x7;
	s26 =	sshrl.u32 s26, $0x3;
	s22 =	sshrl.u32 s22, $0x3  }
0x12: {  	s19 =	sadd.s32 s8, s10;
	s20 =	sor.u32 $0x10, s10;
	[dreg:$0x9] =	wrdreg s6  }
0x13: {  	s10 =	sadd.s32 s9, s10;
	s0 =	sadd.s32 $0xB8600, s0;
	[dreg:$0xa] =	wrdreg s26  }
0x14: {  	s25 =	sshrl.u32 s2, $0x3;
	s26 =	simm.s32 $0x14180;
	[dreg:$0x4] =	wrdreg s19  }
0x15: {  	s2 =	simm.s32 $0x5;
	[dreg:$0x5] =	wrdreg s10;
	s21 =	sadd.s32 s8, s20  }
0x16: {  	s23 =	sadd.s32 s9, s20;
	[dreg:$0x8] =	wrdreg s0;
	s0 =	sshrl.u32 s24, $0x3  }
0x17: {  	s16 =	sadd.s32 s25, s9;
	s17 =	sadd.s32 s25, s8;
	s20 =	sshrl.u32 s12, $0x3  }
0x18: {  	s24 =	simm.s32 $0x14100;
	s25 =	simm.s32 $0x14080;
	[dreg:$0x6] =	wrdreg s21  }
0x19: {  	s10 =	simm.s32 $0x4;
	[dreg:$0x7] =	wrdreg s23;
	s14 =	sadd.s32 s0, s9  }
0x1a: {  	s15 =	sadd.s32 s0, s8;
	s21 =	sshrl.u32 s13, $0x3;
	s23 =	simm.s32 $0x14000  }
0x1b: {  	s0 =	simm.s32 $0x18200;
	s8 =	simm.s32 $0x3;
	s9 =	simm.s32 $0x6  }
.LBB2_1:
0x1c: {  	s6 =	rddreg [dreg:$0x3]  }
0x1d: {  	s12 =	sshrl.u32 s6, $0x3  }
0x1e: {  	[spmem:s12], [sflag:s7] =	dma.local [hbm:s5], $0x800  }
0x1f: {  	_ =	swait.ge [sflag:s18], $0x800  }
0x20: {  	[sflag:s18] =	ssyncset.done $0x0  }
0x21: {  	s13 =	rddreg [dreg:$0xa];
	[sflag:s18] =	ssyncadd.s32 $0xFFFFF800  }
0x22: {  	[spmem:s13], [sflag:s7] =	dma.local [hbm:s5], $0x800  }
0x23: {  	_ =	swait.ge [sflag:s18], $0x800  }
0x24: {  	[sflag:s18] =	ssyncset.done $0x0  }
0x25: {  	[sflag:s18] =	ssyncadd.s32 $0xFFFFF800  }
0x26: {  	[spmem:s20], [sflag:s7] =	dma.local [hbm:s5], $0x800  }
0x27: {  	_ =	swait.ge [sflag:s18], $0x800  }
0x28: {  	[sflag:s18] =	ssyncset.done $0x0  }
0x29: {  	[sflag:s18] =	ssyncadd.s32 $0xFFFFF800  }
0x2a: {  	[spmem:s21], [sflag:s7] =	dma.local [hbm:s5], $0x800  }
0x2b: {  	_ =	swait.ge [sflag:s18], $0x800  }
0x2c: {  	[sflag:s18] =	ssyncset.done $0x0  }
0x2d: {  	[sflag:s18] =	ssyncadd.s32 $0xFFFFF800  }
0x2e: {  	[spmem:s22], [sflag:s7] =	dma.local [hbm:s5], $0x800  }
0x2f: {  	_ =	swait.ge [sflag:s18], $0x800  }
0x30: {  	[sflag:s18] =	ssyncset.done $0x0  }
0x31: {  	[sflag:s18] =	ssyncadd.s32 $0xFFFFF800  }
0x32: {  	[bflag:$0x0] =	sbarrier.arrive $0xFFFF  }
0x33: {  	s19 =	rddreg [dreg:$0x4]  }
0x34: {  	[tilespmem:s23], [sflag:$0x1] =	stream.linear.gather [hbm4b:s19+s3], $0x80, $0x38;
	[tilespmem:$0x1C200] =	vst v63  }
0x35: {  	s13 =	rddreg [dreg:$0x5]  }
0x36: {  	[tilespmem:s24], [sflag:$0x3] =	stream.linear.gather [hbm4b:s13+s3], $0x80, $0x38;
	[tilespmem:$0x1C200] =	vst v63  }
0x37: {  	s19 =	rddreg [dreg:$0x6]  }
0x38: {  	[tilespmem:s25], [sflag:$0x2] =	stream.linear.gather [hbm4b:s19+s3], $0x80, $0x38;
	[tilespmem:$0x1C200] =	vst v63  }
0x39: {  	s13 =	rddreg [dreg:$0x7]  }
0x3a: {  	[tilespmem:s26], [sflag:$0x4] =	stream.linear.gather [hbm4b:s13+s3], $0x80, $0x38;
	[tilespmem:$0x1C200] =	vst v63  }
0x3b: {  	_ =	swait.ge [sflag:s28], $0x80  }
0x3c: {  	[sflag:s28] =	ssyncset.done $0x0  }
0x3d: {  	[sflag:s28] =	ssyncadd.s32 $0xFFFFFF80  }
0x3e: {  	[tilespmem:s30], [sflag:$0x5] =	stream.indirect.gather [hbm4b:s4+s29], $0x80, s23, s29, $0xb8;
	[tilespmem:$0x1C200] =	vst v63  }
0x3f: {  	_ =	swait.ge [sflag:s31], $0x80  }
0x40: {  	[sflag:s31] =	ssyncset.done $0x0  }
0x41: {  	[sflag:s31] =	ssyncadd.s32 $0xFFFFFF80  }
0x42: {  	[tilespmem:s0], [sflag:$0x6] =	stream.indirect.gather [hbm4b:s4+s29], $0x80, s25, s29, $0xb8;
	[tilespmem:$0x1C200] =	vst v63  }
0x43: {  	_ =	swait.ge [sflag:s2], $0x4000  }
0x44: {  	[sflag:s2] =	ssyncset.done $0x0  }
0x45: {  	[sflag:s2] =	ssyncadd.s32 $0xFFFFC000  }
0x46: {  	_ =	swait.ge [sflag:s8], $0x80  }
0x47: {  	[sflag:s8] =	ssyncset.done $0x0  }
0x48: {  	[sflag:s8] =	ssyncadd.s32 $0xFFFFFF80  }
0x49: {  	[spmem:s1] =	stream.indirect.scatter.add.f32 [tilespmem:s30], [sflag:$0x7], $0x80, s24, s29, $0xb8;
	[tilespmem:$0x1C200] =	vst v63  }
0x4a: {  	_ =	swait.ge [sflag:s18], $0x4000  }
0x4b: {  	[sflag:s18] =	ssyncset.done $0x0  }
0x4c: {  	s19 =	sadd.s32 $0x0, s17;
	[sflag:s18] =	ssyncadd.s32 $0xFFFFC000  }
0x4d: {  	[tilespmem:s23], [sflag:$0x1] =	stream.linear.gather [hbm4b:s19+s3], $0x80, $0x38;
	[tilespmem:$0x1C200] =	vst v63  }
0x4e: {  	s13 =	sadd.s32 $0x0, s16  }
0x4f: {  	[tilespmem:s24], [sflag:$0x3] =	stream.linear.gather [hbm4b:s13+s3], $0x80, $0x38;
	[tilespmem:$0x1C200] =	vst v63  }
0x50: {  	_ =	swait.ge [sflag:s28], $0x80  }
0x51: {  	[sflag:s28] =	ssyncset.done $0x0  }
0x52: {  	[sflag:s28] =	ssyncadd.s32 $0xFFFFFF80  }
0x53: {  	[tilespmem:s30], [sflag:$0x5] =	stream.indirect.gather [hbm4b:s4+s29], $0x80, s23, s29, $0xb8;
	[tilespmem:$0x1C200] =	vst v63  }
0x54: {  	_ =	swait.ge [sflag:s9], $0x4000  }
0x55: {  	[sflag:s9] =	ssyncset.done $0x0  }
0x56: {  	[sflag:s9] =	ssyncadd.s32 $0xFFFFC000  }
0x57: {  	_ =	swait.ge [sflag:s10], $0x80  }
0x58: {  	[sflag:s10] =	ssyncset.done $0x0  }
0x59: {  	[sflag:s10] =	ssyncadd.s32 $0xFFFFFF80  }
0x5a: {  	[spmem:s1] =	stream.indirect.scatter.add.f32 [tilespmem:s0], [sflag:$0x7], $0x80, s26, s29, $0xb8;
	[tilespmem:$0x1C200] =	vst v63  }
0x5b: {  	_ =	swait.ge [sflag:s18], $0x4000  }
0x5c: {  	s6 =	sadd.s32 $0x0, s14;
	[sflag:s18] =	ssyncset.done $0x0  }
0x5d: {  	s19 =	sadd.s32 $0x0, s15;
	s13 =	simm.s32 $0x20;
	[sflag:s18] =	ssyncadd.s32 $0xFFFFC000  }
0x5e: {  	[tilespmem:s25], [sflag:$0x2] =	stream.linear.gather [hbm4b:s19+s3], $0x80, $0x38;
	[tilespmem:$0x1C200] =	vst v63  }
.LBB2_2:
0x5f: {  	[tilespmem:s26], [sflag:$0x4] =	stream.linear.gather [hbm4b:s6+s3], $0x80, $0x38;
	[tilespmem:$0x1C200] =	vst v63  }
0x60: {  	s6 =	smov.u32 s13  }
0x61: {  	p0 =	sne.s32 s13, $0x4C0;
	s13 =	sadd.s32 $0x20, s13;
	_ =	swait.ge [sflag:s31], $0x80  }
0x62: {  	[sflag:s31] =	ssyncset.done $0x0  }
0x63: {  	[sflag:s31] =	ssyncadd.s32 $0xFFFFFF80  }
0x64: {  	[tilespmem:s0], [sflag:$0x6] =	stream.indirect.gather [hbm4b:s4+s29], $0x80, s25, s29, $0xb8;
	[tilespmem:$0x1C200] =	vst v63  }
0x65: {  	_ =	swait.ge [sflag:s2], $0x4000  }
0x66: {  	[sflag:s2] =	ssyncset.done $0x0  }
0x67: {  	[sflag:s2] =	ssyncadd.s32 $0xFFFFC000  }
0x68: {  	_ =	swait.ge [sflag:s8], $0x80  }
0x69: {  	[sflag:s8] =	ssyncset.done $0x0  }
0x6a: {  	[sflag:s8] =	ssyncadd.s32 $0xFFFFFF80  }
0x6b: {  	[spmem:s1] =	stream.indirect.scatter.add.f32 [tilespmem:s30], [sflag:$0x7], $0x80, s24, s29, $0xb8;
	[tilespmem:$0x1C200] =	vst v63  }
0x6c: {  	_ =	swait.ge [sflag:s18], $0x4000  }
0x6d: {  	[sflag:s18] =	ssyncset.done $0x0  }
0x6e: {  	s19 =	sadd.s32 s6, s17;
	[sflag:s18] =	ssyncadd.s32 $0xFFFFC000  }
0x6f: {  	[tilespmem:s23], [sflag:$0x1] =	stream.linear.gather [hbm4b:s19+s3], $0x80, $0x38;
	[tilespmem:$0x1C200] =	vst v63  }
0x70: {  	s19 =	sadd.s32 s6, s16  }
0x71: {  	[tilespmem:s24], [sflag:$0x3] =	stream.linear.gather [hbm4b:s19+s3], $0x80, $0x38;
	[tilespmem:$0x1C200] =	vst v63  }
0x72: {  	_ =	swait.ge [sflag:s28], $0x80  }
0x73: {  	[sflag:s28] =	ssyncset.done $0x0  }
0x74: {  	[sflag:s28] =	ssyncadd.s32 $0xFFFFFF80  }
0x75: {  	[tilespmem:s30], [sflag:$0x5] =	stream.indirect.gather [hbm4b:s4+s29], $0x80, s23, s29, $0xb8;
	[tilespmem:$0x1C200] =	vst v63  }
0x76: {  	_ =	swait.ge [sflag:s9], $0x4000  }
0x77: {  	[sflag:s9] =	ssyncset.done $0x0  }
0x78: {  	[sflag:s9] =	ssyncadd.s32 $0xFFFFC000  }
0x79: {  	_ =	swait.ge [sflag:s10], $0x80  }
0x7a: {  	[sflag:s10] =	ssyncset.done $0x0  }
0x7b: {  	[sflag:s10] =	ssyncadd.s32 $0xFFFFFF80  }
0x7c: {  	[spmem:s1] =	stream.indirect.scatter.add.f32 [tilespmem:s0], [sflag:$0x7], $0x80, s26, s29, $0xb8;
	[tilespmem:$0x1C200] =	vst v63  }
.Ltmp0:
0x7d: {  	_ =	swait.ge [sflag:s18], $0x4000;
	(pc) =	sbr.rel @p0 .LBB2_2-.Ltmp0, $4  }
0x7e: {  	[sflag:s18] =	ssyncset.done $0x0  }
0x7f: {  	s19 =	sadd.s32 s6, s15;
	[sflag:s18] =	ssyncadd.s32 $0xFFFFC000  }
0x80: {  	[tilespmem:s25], [sflag:$0x2] =	stream.linear.gather [hbm4b:s19+s3], $0x80, $0x38;
	[tilespmem:$0x1C200] =	vst v63  }
0x81: {  	s6 =	sadd.s32 s6, s14  }
0x82: {  	[tilespmem:s26], [sflag:$0x4] =	stream.linear.gather [hbm4b:s6+s3], $0x80, $0x38;
	[tilespmem:$0x1C200] =	vst v63  }
0x83: {  	_ =	swait.ge [sflag:s31], $0x80  }
0x84: {  	[sflag:s31] =	ssyncset.done $0x0  }
0x85: {  	[sflag:s31] =	ssyncadd.s32 $0xFFFFFF80  }
0x86: {  	[tilespmem:s0], [sflag:$0x6] =	stream.indirect.gather [hbm4b:s4+s29], $0x80, s25, s29, $0xb8;
	[tilespmem:$0x1C200] =	vst v63  }
0x87: {  	_ =	swait.ge [sflag:s2], $0x4000  }
0x88: {  	[sflag:s2] =	ssyncset.done $0x0  }
0x89: {  	[sflag:s2] =	ssyncadd.s32 $0xFFFFC000  }
0x8a: {  	_ =	swait.ge [sflag:s8], $0x80  }
0x8b: {  	[sflag:s8] =	ssyncset.done $0x0  }
0x8c: {  	[sflag:s8] =	ssyncadd.s32 $0xFFFFFF80  }
0x8d: {  	[spmem:s1] =	stream.indirect.scatter.add.f32 [tilespmem:s30], [sflag:$0x7], $0x80, s24, s29, $0xb8;
	[tilespmem:$0x1C200] =	vst v63  }
0x8e: {  	_ =	swait.ge [sflag:s18], $0x4000  }
0x8f: {  	[sflag:s18] =	ssyncset.done $0x0  }
0x90: {  	[sflag:s18] =	ssyncadd.s32 $0xFFFFC000  }
0x91: {  	_ =	swait.ge [sflag:s9], $0x4000  }
0x92: {  	[sflag:s9] =	ssyncset.done $0x0  }
0x93: {  	[sflag:s9] =	ssyncadd.s32 $0xFFFFC000  }
0x94: {  	_ =	swait.ge [sflag:s10], $0x80  }
0x95: {  	[sflag:s10] =	ssyncset.done $0x0  }
0x96: {  	[sflag:s10] =	ssyncadd.s32 $0xFFFFFF80  }
0x97: {  	[spmem:s1] =	stream.indirect.scatter.add.f32 [tilespmem:s0], [sflag:$0x7], $0x80, s26, s29, $0xb8;
	[tilespmem:$0x1C200] =	vst v63  }
0x98: {  	_ =	swait.ge [sflag:s18], $0x4000  }
0x99: {  	[sflag:s18] =	ssyncset.done $0x0  }
0x9a: {  	[sflag:s18] =	ssyncadd.s32 $0xFFFFC000  }
0x9b: {  	[bflag:$0x0] =	sbarrier.arrive $0xFFFF  }
0x9c: {  	s13 =	rddreg [dreg:$0x8]  }
0x9d: {  	[hbm:s13], [sflag:s7] =	dma.local [spmem:s12], $0x2800  }
0x9e: {  	_ =	swait.ge [sflag:s18], $0x2800  }
0x9f: {  	s11 =	sadd.s32 $0x1, s11;
	s19 =	rddreg [dreg:$0x9]  }
0xa0: {  	p0 =	sne.s32 s11, s19  }
.Ltmp1:
0xa1: {  	_ = 	snop;
	(pc) =	sbr.rel @p0 .LBB2_1-.Ltmp1, $3  }
0xa2: {  	_ =	sdelay $0x1  }
0xa3: {  	[sflag:s18] =	ssyncset.done $0x0  }
0xa4: {  	[sflag:s18] =	ssyncadd.s32 $0xFFFFD800  }
0xa5: {  	_ =	sfence.sel $0x180000  }
0xa6: {  	[bflag:$0x0] =	sbarrier.arrive $0xFFFF  }
0xa7: {  	_ =	strace $0x9000004D  }
0xa8: {  	s0 =	stileid.u32;
	[bflag:$0x2] =	sbarrier.arrive $0xFFFF  }
0xa9: {  	p0 =	sne.s32 s0, $0x0;
	s0 =	rddreg [dreg:$0x2]  }
0xaa: {  	s0 =	sadd.s32 @!p0 $0x100000, s0  }
0xab: {  	[sflag:s0] =	ssyncadd.tile.s32 @!p0 $0x1;
	_ =	shalt  }
.Lfunc_end2:
_tile_overlayer_lowered:
.L_overlay_start_2:
0xac: {  	(tag) =	ssettag $0x2  }
0xad: {  	s0 =	rddreg [dreg:$0x0];
	s2 =	stileid.u32  }
0xae: {  	s1 =	rddreg [dreg:$0x1];
	p0 =	sne.s32 s2, $0x0  }
0xaf: {  	s3 =	rddreg [dreg:$0x2];
	[bflag:$0x3] =	sbarrier.arrive $0xFFFF;
	s2 =	simm.s32 @!p0 $0x1C07  }
0xb0: {  	[timem:s3], [sflag:s2] =	dma.local @!p0 [hbm:s0], s1  }
0xb1: {  	s0 =	simm.s32 @!p0 $0x7  }
0xb2: {  	_ =	swait.ge @!p0 [sflag:s0], s1  }
0xb3: {  	s1 =	ssub.s32 @!p0 $0x0, s1;
	[sflag:s0] =	ssyncset.done @!p0 $0x0  }
0xb4: {  	[sflag:s0] =	ssyncadd.s32 @!p0 s1  }
0xb5: {  	[bflag:$0x3] =	sbarrier.arrive $0xFFFF  }
0xb6: {  	_ =	shalt  }

// kernel: kernel.18.cloned.1.call-start
scs
__scs_entry_jumppad:
0x0: {  	(pc) =	sbr.rel $0x88, $3  }
0x1: {  	(tag) =	ssettag $0x0;
	lr =	simm.s32 $0x1  }
0x2: {  	[smem:$0x3F92] =	sst lr;
	_ =	strace $0xD0000000  }
0x3: {  	_ = 	snop  }
0x4: {  	_ = 	snop  }
0x5: {  	_ = 	snop  }
0x6: {  	_ = 	snop  }
0x7: {  	_ = 	snop  }
__scs_overlays_trampoline_lowered:
0x8: {  	[smem:$0x3FA1] =	sst s0  }
0x9: {  	[smem:$0x3FA2] =	sst s1  }
0xa: {  	[smem:$0x3FA3] =	sst s2  }
0xb: {  	[smem:$0x3FA4] =	sst s3  }
0xc: {  	[smem:$0x3FA5] =	sst s4  }
0xd: {  	[smem:$0x3FA6] =	sst s5  }
0xe: {  	[smem:$0x3FA7] =	sst s6  }
0xf: {  	[smem:$0x3FA8] =	sst s7  }
0x10: {  	[smem:$0x3FA9] =	sst s8  }
0x11: {  	[smem:$0x3FAA] =	sst s9;
	s0 =	simm.s32 @!p0 $0x0  }
0x12: {  	s1 =	sld [smem:$0x3F90];
	s0 =	simm.s32 @p0 $0x1  }
0x13: {  	[smem:$0x3FAB] =	sst s0;
	s0 =	simm.s32 @!p1 $0x0  }
0x14: {  	s2 =	sld [smem:$0x3F8F];
	s0 =	simm.s32 @p1 $0x1  }
0x15: {  	[smem:$0x3FAC] =	sst s0;
	s0 =	simm.s32 @!p2 $0x0  }
0x16: {  	s3 =	sld [smem:$0x3FDB];
	s0 =	simm.s32 @p2 $0x1  }
0x17: {  	s4 =	simm.s32 $0x1BF5;
	[smem:$0x3FAE] =	sst s0  }
0x18: {  	s0 =	sld [smem:$0x3F91];
	_ =	swait.ge [sflag:s4], $0x0  }
0x19: {  	s7 =	sld [smem:$0x3F92]  }
0x1a: {  	s8 =	sadd.s32 $0xFFFFE003, lr  }
0x1b: {  	s9 =	sadd.s32 $0xFFFFFEF7, lr;
	s5 =	simm.s32 $0xFFFFFFFF;
	p2 =	slt.u32 s8, $0xFFFFF086  }
0x1c: {  	p1 =	slt.u32 s9, $0xF7A;
	s5 =	simm.s32 @!p2 $0x0  }
0x1d: {  	s5 =	simm.s32 @p1 $0x1;
	p0 =	seq.s32 s7, s2  }
0x1e: {  	s7 =	smul.u32 @!p0 $0xF7A, s2;
	p2 =	seq.s32 @!p0 s5, $0x0  }
0x1f: {  	s9 =	smul.u32 $0xF7A, s1;
	s8 =	simm.s32 @!p0 $0x1BF5;
	p2 =	por !p2, p0  }
0x20: {  	[sflag:s8] =	ssyncset.s32 @!p0 $0xFFFFF086;
	s6 =	sadd.s32 @!p0 s3, s7;
	s7 =	simm.s32 @!p0 $0x108  }
0x21: {  	s3 =	sadd.s32 s3, s9;
	s6 =	sadd.s32 @!p0 $0x88, s6;
	s7 =	simm.s32 @p2 $0x1082  }
0x22: {  	[simem:s7], [sflag:s8] =	dma.local @!p0 [hbm:s6], $0xF7A  }
0x23: {  	s9 =	sor.u32 $0xD0000000, s2;
	s6 =	simm.s32 $0x108;
	_ =	swait.ge @!p0 [sflag:s8], $0x0  }
0x24: {  	s3 =	sadd.s32 $0x88, s3;
	s6 =	simm.s32 @!p1 $0x1082;
	[sflag:s4] =	ssyncset.s32 $0xFFFFF086  }
0x25: {  	[simem:s6], [sflag:s4] =	dma.local [hbm:s3], $0xF7A  }
0x26: {  	[smem:$0x3F92] =	sst s1;
	(tag) =	ssettag s2;
	_ =	strace s9  }
0x27: {  	s1 =	sld [smem:$0x3FA2]  }
0x28: {  	s2 =	sld [smem:$0x3FA3]  }
0x29: {  	s4 =	sld [smem:$0x3FA5]  }
0x2a: {  	p0 =	seq.s32 s5, $0x0;
	s5 =	sld [smem:$0x3FA6]  }
0x2b: {  	s6 =	sld [smem:$0x3FA7]  }
0x2c: {  	s7 =	sld [smem:$0x3FA8]  }
0x2d: {  	s3 =	simm.s32 $0x108;
	s8 =	sld [smem:$0x3FA9]  }
0x2e: {  	s3 =	simm.s32 @!p0 $0x1082;
	s9 =	sld [smem:$0x3FAA]  }
0x2f: {  	lr =	sadd.s32 s0, s3;
	s0 =	sld [smem:$0x3FA1]  }
0x30: {  	s3 =	sld [smem:$0x3FA4]  }
0x31: {  	[smem:$0x3FAD] =	sst s10  }
0x32: {  	s10 =	sld [smem:$0x3FAB];
	_ =	sdelay $0x3  }
0x33: {  	p0 =	seq.s32 s10, $0x1;
	s10 =	sld [smem:$0x3FAD];
	_ =	sdelay $0x3  }
0x34: {  	[smem:$0x3FAD] =	sst s10  }
0x35: {  	s10 =	sld [smem:$0x3FAC];
	_ =	sdelay $0x3  }
0x36: {  	p1 =	seq.s32 s10, $0x1;
	s10 =	sld [smem:$0x3FAD];
	_ =	sdelay $0x3  }
0x37: {  	[smem:$0x3FAD] =	sst s10  }
0x38: {  	s10 =	sld [smem:$0x3FAE]  }
0x39: {  	_ = 	snop;
	(pc) =	sbr.ind lr, $3  }
0x3a: {  	_ = 	snop  }
0x3b: {  	_ = 	snop  }
0x3c: {  	p2 =	seq.s32 s10, $0x1;
	s10 =	sld [smem:$0x3FAD]  }
0x3d: {  	_ =	shalt  }
0x3e: {  	_ =	shalt  }
0x3f: {  	_ =	shalt  }
0x40: {  	_ =	shalt  }
0x41: {  	_ =	shalt  }
0x42: {  	_ =	shalt  }
0x43: {  	_ =	shalt  }
0x44: {  	_ =	shalt  }
0x45: {  	_ =	shalt  }
0x46: {  	_ =	shalt  }
0x47: {  	_ =	shalt  }
0x48: {  	_ =	shalt  }
0x49: {  	_ =	shalt  }
0x4a: {  	_ =	shalt  }
0x4b: {  	_ =	shalt  }
0x4c: {  	_ =	shalt  }
0x4d: {  	_ =	shalt  }
0x4e: {  	_ =	shalt  }
0x4f: {  	_ =	shalt  }
0x50: {  	_ =	shalt  }
0x51: {  	_ =	shalt  }
0x52: {  	_ =	shalt  }
0x53: {  	_ =	shalt  }
0x54: {  	_ =	shalt  }
0x55: {  	_ =	shalt  }
0x56: {  	_ =	shalt  }
0x57: {  	_ =	shalt  }
0x58: {  	_ =	shalt  }
0x59: {  	_ =	shalt  }
0x5a: {  	_ =	shalt  }
0x5b: {  	_ =	shalt  }
0x5c: {  	_ =	shalt  }
0x5d: {  	_ =	shalt  }
0x5e: {  	_ =	shalt  }
0x5f: {  	_ =	shalt  }
0x60: {  	_ =	shalt  }
0x61: {  	_ =	shalt  }
0x62: {  	_ =	shalt  }
0x63: {  	_ =	shalt  }
0x64: {  	_ =	shalt  }
0x65: {  	_ =	shalt  }
0x66: {  	_ =	shalt  }
0x67: {  	_ =	shalt  }
0x68: {  	_ =	shalt  }
0x69: {  	_ =	shalt  }
0x6a: {  	_ =	shalt  }
0x6b: {  	_ =	shalt  }
0x6c: {  	_ =	shalt  }
0x6d: {  	_ =	shalt  }
0x6e: {  	_ =	shalt  }
0x6f: {  	_ =	shalt  }
0x70: {  	_ =	shalt  }
0x71: {  	_ =	shalt  }
0x72: {  	_ =	shalt  }
0x73: {  	_ =	shalt  }
0x74: {  	_ =	shalt  }
0x75: {  	_ =	shalt  }
0x76: {  	_ =	shalt  }
0x77: {  	_ =	shalt  }
0x78: {  	_ =	shalt  }
0x79: {  	_ =	shalt  }
0x7a: {  	_ =	shalt  }
0x7b: {  	_ =	shalt  }
0x7c: {  	_ =	shalt  }
0x7d: {  	_ =	shalt  }
0x7e: {  	_ =	shalt  }
0x7f: {  	_ =	shalt  }
0x80: {  	_ =	shalt  }
0x81: {  	_ =	shalt  }
0x82: {  	_ =	shalt  }
0x83: {  	_ =	shalt  }
0x84: {  	_ =	shalt  }
0x85: {  	_ =	shalt  }
0x86: {  	_ =	shalt  }
0x87: {  	_ =	shalt  }
.Lfunc_end0:
.L_simem_size_0:
called_computation.3_lowered:
.L_overlay_start_0:
0x88: {  	s2 =	sld [smem:$0x3FD9]  }
0x89: {  	s3 =	sld [smem:$0x3FFE];
	_ =	sdelay $0x1  }
0x8a: {  	s1 =	srdreg.scid  }
0x8b: {  	s0 =	sand.u32 $0x1, s1  }
0x8c: {  	s16 =	sshll.u32 s0, $0xA;
	s2 =	sadd.s32 s3, s2  }
0x8d: {  	s2 =	sadd.s32 s2, s16  }
0x8e: {  	[smem:$0x3FB9] =	sst s2  }
0x8f: {  	_ = 	snop  }
0x90: {  	(tm) =	ssettm $0x1  }
0x91: {  	s17 =	sld [smem:$0x3FFB];
	_ =	sdelay $0x3  }
0x92: {  	_ =	strace s17  }
0x93: {  	s2 =	sld [smem:$0x3FFC];
	_ =	sdelay $0x3  }
0x94: {  	_ =	strace s2  }
0x95: {  	s2 =	sld [smem:$0x3FFD];
	_ =	sdelay $0x3  }
0x96: {  	_ =	strace s2  }
0x97: {  	_ =	strace $0x8FFFFFFF  }
0x98: {  	s18 =	sld [smem:$0x3FDB];
	_ =	sdelay $0x1  }
0x99: {  	s19 =	simm.s32 $_scs_section_size  }
0x9a: {  	s4 =	simm.s32 $_size__tile_overlayer_lowered;
	s5 =	simm.s32 $_tile_overlayer_lowered  }
0x9b: {  	s22 =	simm.s32 $0x1BFF;
	s21 =	sshll.u32 s5, $0x1;
	s2 =	sadd.s32 s19, s18  }
0x9c: {  	s6 =	simm.s32 $0x0;
	s20 =	sshll.u32 s4, $0x1;
	s4 =	sadd.s32 s21, s2  }
0x9d: {  	[timem:s6], [sflag:s22] =	dma.local [hbm:s4], s20  }
0x9e: {  	_ =	swait.ge [sflag:s22], s20  }
0x9f: {  	s3 =	ssub.s32 $0x0, s20;
	[sflag:s22] =	ssyncset.done $0x0  }
0xa0: {  	[sflag:s22] =	ssyncadd.s32 s3;
	_ =	sdelay $0x1  }
0xa1: {  	s23 =	simm.s32 $0x1B8B  }
0xa2: {  	_ =	swait.ge [sflag:s23], $0x1  }
0xa3: {  	[sflag:s23] =	ssyncset.done $0x0  }
0xa4: {  	s25 =	simm.s32 $0x1B8E;
	s24 =	sld [smem:$0x3FFE];
	[sflag:s23] =	ssyncadd.s32 $0xFFFFFFFF  }
0xa5: {  	s26 =	simm.s32 $execute0_lowered;
	[smem:$0x3FD2] =	sst s25  }
0xa6: {  	s4 =	sshll.u32 s26, $0x1;
	_ =	strace $0x8000004F;
	[dreg:$0x1] =	wrdreg $0xFFFFFFFF  }
0xa7: {  	s28 =	simm.s32 $_size_execute0_lowered;
	s2 =	sadd.s32 s2, s4;
	[dreg:$0x0] =	wrdreg $0x0  }
0xa8: {  	s4 =	sshll.u32 s28, $0x1;
	[dreg:$0x2] =	wrdreg s2  }
0xa9: {  	[dreg:$0x3] =	wrdreg s4  }
0xaa: {  	[dreg:$0x4] =	wrdreg $0xC0  }
0xab: {  	_ =	task [dreg:s6], $0x5FFFF  }
0xac: {  	[dreg:$0x1] =	wrdreg $0xFFFFFFFF  }
0xad: {  	[dreg:$0x0] =	wrdreg $0x60  }
0xae: {  	[dreg:$0x2] =	wrdreg s24  }
0xaf: {  	[dreg:$0x3] =	wrdreg $0x0  }
0xb0: {  	[dreg:$0x4] =	wrdreg $0x9  }
0xb1: {  	_ =	task.clear_ibuf [dreg:s6], $0x5FFFF;
	_ =	strace $0x9000004F  }
0xb2: {  	s29 =	simm.s32 $0x9;
	_ =	strace $0x80000051  }
0xb3: {  	_ =	swait.ge [sflag:s29], $0x1  }
0xb4: {  	[sflag:s29] =	ssyncadd.s32 $0xFFFFFFFF  }
0xb5: {  	_ =	strace $0x90000051  }
0xb6: {  	_ =	sfence  }
0xb7: {  	s30 =	sld [smem:$0x0];
	_ =	sdelay $0x2  }
0xb8: {  	s31 =	sshll.u32 s1, $0xD;
	s1 =	sshrl.u32 s1, $0x2  }
0xb9: {  	s3 =	sand.u32 $0x4000, s31;
	s1 =	sadd.s32 s1, s30  }
0xba: {  	s0 =	sor.u32 s3, s0;
	s1 =	sshll.u32 s1, $0x11  }
0xbb: {  	s0 =	sor.u32 s1, s0  }
0xbc: {  	s0 =	sadd.s32 $0x8F2B, s0  }
0xbd: {  	[sflag:s0] =	ssyncadd.remote.s32 $0x1  }
0xbe: {  	_ =	sfence.sel $0xFFFF  }
0xbf: {  	[dreg:$0x0] =	wrdreg $0xFFFFFFFF;
	(pc) =	sbr.abs _section_cstart, $3  }
0xc0: {  	[dreg:$0x1] =	wrdreg $0xFFFFFFFF  }
0xc1: {  	_ =	task.clear_ibuf [dreg:s6], $0x2FFFF;
	_ =	strace $0x9FFFFFFF  }
0xc2: {  	(tm) =	ssettm $0x7FFFFFFF  }
0xc3: {  	_ =	shalt  }
tec
execute0_lowered:
.L_overlay_start_1:
0x0: {  	(tag) =	ssettag $0x1  }
0x1: {  	s0 =	rddreg [dreg:$0x0]  }
0x2: {  	s1 =	rddreg [dreg:$0x1];
	s3 =	simm.s32 $0x0  }
0x3: {  	s2 =	srdreg.scid;
	s14 =	stileid.u32;
	s28 =	simm.s32 $0x1  }
0x4: {  	s29 =	simm.s32 $0x80;
	s30 =	simm.s32 $0x14200;
	s31 =	simm.s32 $0x2  }
0x5: {  	[smem:$0x7FF] =	sst s3;
	s2 =	sand.u32 $0x1, s2;
	s7 =	smul.u32 $0x14000, s14  }
0x6: {  	s4 =	sadd.s32 $0x17E00, s0;
	s8 =	sadd.s32 $0xD600, s0;
	s9 =	sadd.s32 $0x3600, s0  }
0x7: {  	s5 =	sadd.s32 $0x17600, s0;
	s11 =	smul.u32 $0x50000, s14;
	s25 =	sshll.u32 s14, $0x6  }
0x8: {  	s6 =	smul.u32 $0x140000, s2;
	_ =	strace $0x80000050;
	s17 =	ssub.s32 $0x2, s2  }
0x9: {  	s22 =	sshll.u32 s2, $0x4;
	s2 =	smul.u32 $0x28000, s2;
	s10 =	sshrl.u32 s17, $0x1  }
0xa: {  	s23 =	sor.u32 s14, s22;
	s24 =	sshrl.u32 s11, $0x2;
	s14 =	smul.u32 $0x2800, s14  }
0xb: {  	s11 =	simm.s32 $0x0;
	s6 =	sadd.s32 s7, s6;
	s18 =	ssub.s32 s17, s10  }
0xc: {  	s15 =	sadd.s32 s24, s1;
	s7 =	sor.u32 $0x1C07, s25;
	s10 =	smul.u32 $0x2800, s23  }
0xd: {  	s6 =	sshrl.u32 s6, $0x3;
	s26 =	sadd.s32 $0x4000, s15;
	s12 =	sadd.s32 $0x8000, s15  }
0xe: {  	s13 =	sadd.s32 $0xC000, s15;
	[dreg:$0x3] =	wrdreg s15;
	s22 =	sadd.s32 $0x10000, s15  }
0xf: {  	s2 =	sadd.s32 s14, s2;
	s0 =	sadd.s32 s6, s0;
	s10 =	sshrl.u32 s10, $0x3  }
0x10: {  	s24 =	sor.u32 $0x180, s2;
	s6 =	smax.u32 s18, $0x1;
	s2 =	sor.u32 $0x100, s2  }
0x11: {  	s18 =	simm.s32 $0x7;
	s26 =	sshrl.u32 s26, $0x3;
	s22 =	sshrl.u32 s22, $0x3  }
0x12: {  	s19 =	sadd.s32 s8, s10;
	s20 =	sor.u32 $0x10, s10;
	[dreg:$0x9] =	wrdreg s6  }
0x13: {  	s10 =	sadd.s32 s9, s10;
	s0 =	sadd.s32 $0xB8600, s0;
	[dreg:$0xa] =	wrdreg s26  }
0x14: {  	s25 =	sshrl.u32 s2, $0x3;
	s26 =	simm.s32 $0x14180;
	[dreg:$0x4] =	wrdreg s19  }
0x15: {  	s2 =	simm.s32 $0x5;
	[dreg:$0x5] =	wrdreg s10;
	s21 =	sadd.s32 s8, s20  }
0x16: {  	s23 =	sadd.s32 s9, s20;
	[dreg:$0x8] =	wrdreg s0;
	s0 =	sshrl.u32 s24, $0x3  }
0x17: {  	s16 =	sadd.s32 s25, s9;
	s17 =	sadd.s32 s25, s8;
	s20 =	sshrl.u32 s12, $0x3  }
0x18: {  	s24 =	simm.s32 $0x14100;
	s25 =	simm.s32 $0x14080;
	[dreg:$0x6] =	wrdreg s21  }
0x19: {  	s10 =	simm.s32 $0x4;
	[dreg:$0x7] =	wrdreg s23;
	s14 =	sadd.s32 s0, s9  }
0x1a: {  	s15 =	sadd.s32 s0, s8;
	s21 =	sshrl.u32 s13, $0x3;
	s23 =	simm.s32 $0x14000  }
0x1b: {  	s0 =	simm.s32 $0x18200;
	s8 =	simm.s32 $0x3;
	s9 =	simm.s32 $0x6  }
.LBB2_1:
0x1c: {  	s6 =	rddreg [dreg:$0x3]  }
0x1d: {  	s12 =	sshrl.u32 s6, $0x3  }
0x1e: {  	[spmem:s12], [sflag:s7] =	dma.local [hbm:s5], $0x800  }
0x1f: {  	_ =	swait.ge [sflag:s18], $0x800  }
0x20: {  	[sflag:s18] =	ssyncset.done $0x0  }
0x21: {  	s13 =	rddreg [dreg:$0xa];
	[sflag:s18] =	ssyncadd.s32 $0xFFFFF800  }
0x22: {  	[spmem:s13], [sflag:s7] =	dma.local [hbm:s5], $0x800  }
0x23: {  	_ =	swait.ge [sflag:s18], $0x800  }
0x24: {  	[sflag:s18] =	ssyncset.done $0x0  }
0x25: {  	[sflag:s18] =	ssyncadd.s32 $0xFFFFF800  }
0x26: {  	[spmem:s20], [sflag:s7] =	dma.local [hbm:s5], $0x800  }
0x27: {  	_ =	swait.ge [sflag:s18], $0x800  }
0x28: {  	[sflag:s18] =	ssyncset.done $0x0  }
0x29: {  	[sflag:s18] =	ssyncadd.s32 $0xFFFFF800  }
0x2a: {  	[spmem:s21], [sflag:s7] =	dma.local [hbm:s5], $0x800  }
0x2b: {  	_ =	swait.ge [sflag:s18], $0x800  }
0x2c: {  	[sflag:s18] =	ssyncset.done $0x0  }
0x2d: {  	[sflag:s18] =	ssyncadd.s32 $0xFFFFF800  }
0x2e: {  	[spmem:s22], [sflag:s7] =	dma.local [hbm:s5], $0x800  }
0x2f: {  	_ =	swait.ge [sflag:s18], $0x800  }
0x30: {  	[sflag:s18] =	ssyncset.done $0x0  }
0x31: {  	[sflag:s18] =	ssyncadd.s32 $0xFFFFF800  }
0x32: {  	[bflag:$0x0] =	sbarrier.arrive $0xFFFF  }
0x33: {  	s19 =	rddreg [dreg:$0x4]  }
0x34: {  	[tilespmem:s23], [sflag:$0x1] =	stream.linear.gather [hbm4b:s19+s3], $0x80, $0x38;
	[tilespmem:$0x1C200] =	vst v63  }
0x35: {  	s13 =	rddreg [dreg:$0x5]  }
0x36: {  	[tilespmem:s24], [sflag:$0x3] =	stream.linear.gather [hbm4b:s13+s3], $0x80, $0x38;
	[tilespmem:$0x1C200] =	vst v63  }
0x37: {  	s19 =	rddreg [dreg:$0x6]  }
0x38: {  	[tilespmem:s25], [sflag:$0x2] =	stream.linear.gather [hbm4b:s19+s3], $0x80, $0x38;
	[tilespmem:$0x1C200] =	vst v63  }
0x39: {  	s13 =	rddreg [dreg:$0x7]  }
0x3a: {  	[tilespmem:s26], [sflag:$0x4] =	stream.linear.gather [hbm4b:s13+s3], $0x80, $0x38;
	[tilespmem:$0x1C200] =	vst v63  }
0x3b: {  	_ =	swait.ge [sflag:s28], $0x80  }
0x3c: {  	[sflag:s28] =	ssyncset.done $0x0  }
0x3d: {  	[sflag:s28] =	ssyncadd.s32 $0xFFFFFF80  }
0x3e: {  	[tilespmem:s30], [sflag:$0x5] =	stream.indirect.gather [hbm4b:s4+s29], $0x80, s23, s29, $0xb8;
	[tilespmem:$0x1C200] =	vst v63  }
0x3f: {  	_ =	swait.ge [sflag:s31], $0x80  }
0x40: {  	[sflag:s31] =	ssyncset.done $0x0  }
0x41: {  	[sflag:s31] =	ssyncadd.s32 $0xFFFFFF80  }
0x42: {  	[tilespmem:s0], [sflag:$0x6] =	stream.indirect.gather [hbm4b:s4+s29], $0x80, s25, s29, $0xb8;
	[tilespmem:$0x1C200] =	vst v63  }
0x43: {  	_ =	swait.ge [sflag:s2], $0x4000  }
0x44: {  	[sflag:s2] =	ssyncset.done $0x0  }
0x45: {  	[sflag:s2] =	ssyncadd.s32 $0xFFFFC000  }
0x46: {  	_ =	swait.ge [sflag:s8], $0x80  }
0x47: {  	[sflag:s8] =	ssyncset.done $0x0  }
0x48: {  	[sflag:s8] =	ssyncadd.s32 $0xFFFFFF80  }
0x49: {  	[spmem:s1] =	stream.indirect.scatter.add.f32 [tilespmem:s30], [sflag:$0x7], $0x80, s24, s29, $0xb8;
	[tilespmem:$0x1C200] =	vst v63  }
0x4a: {  	_ =	swait.ge [sflag:s18], $0x4000  }
0x4b: {  	[sflag:s18] =	ssyncset.done $0x0  }
0x4c: {  	s19 =	sadd.s32 $0x0, s17;
	[sflag:s18] =	ssyncadd.s32 $0xFFFFC000  }
0x4d: {  	[tilespmem:s23], [sflag:$0x1] =	stream.linear.gather [hbm4b:s19+s3], $0x80, $0x38;
	[tilespmem:$0x1C200] =	vst v63  }
0x4e: {  	s13 =	sadd.s32 $0x0, s16  }
0x4f: {  	[tilespmem:s24], [sflag:$0x3] =	stream.linear.gather [hbm4b:s13+s3], $0x80, $0x38;
	[tilespmem:$0x1C200] =	vst v63  }
0x50: {  	_ =	swait.ge [sflag:s28], $0x80  }
0x51: {  	[sflag:s28] =	ssyncset.done $0x0  }
0x52: {  	[sflag:s28] =	ssyncadd.s32 $0xFFFFFF80  }
0x53: {  	[tilespmem:s30], [sflag:$0x5] =	stream.indirect.gather [hbm4b:s4+s29], $0x80, s23, s29, $0xb8;
	[tilespmem:$0x1C200] =	vst v63  }
0x54: {  	_ =	swait.ge [sflag:s9], $0x4000  }
0x55: {  	[sflag:s9] =	ssyncset.done $0x0  }
0x56: {  	[sflag:s9] =	ssyncadd.s32 $0xFFFFC000  }
0x57: {  	_ =	swait.ge [sflag:s10], $0x80  }
0x58: {  	[sflag:s10] =	ssyncset.done $0x0  }
0x59: {  	[sflag:s10] =	ssyncadd.s32 $0xFFFFFF80  }
0x5a: {  	[spmem:s1] =	stream.indirect.scatter.add.f32 [tilespmem:s0], [sflag:$0x7], $0x80, s26, s29, $0xb8;
	[tilespmem:$0x1C200] =	vst v63  }
0x5b: {  	_ =	swait.ge [sflag:s18], $0x4000  }
0x5c: {  	s6 =	sadd.s32 $0x0, s14;
	[sflag:s18] =	ssyncset.done $0x0  }
0x5d: {  	s19 =	sadd.s32 $0x0, s15;
	s13 =	simm.s32 $0x20;
	[sflag:s18] =	ssyncadd.s32 $0xFFFFC000  }
0x5e: {  	[tilespmem:s25], [sflag:$0x2] =	stream.linear.gather [hbm4b:s19+s3], $0x80, $0x38;
	[tilespmem:$0x1C200] =	vst v63  }
.LBB2_2:
0x5f: {  	[tilespmem:s26], [sflag:$0x4] =	stream.linear.gather [hbm4b:s6+s3], $0x80, $0x38;
	[tilespmem:$0x1C200] =	vst v63  }
0x60: {  	s6 =	smov.u32 s13  }
0x61: {  	p0 =	sne.s32 s13, $0x4C0;
	s13 =	sadd.s32 $0x20, s13;
	_ =	swait.ge [sflag:s31], $0x80  }
0x62: {  	[sflag:s31] =	ssyncset.done $0x0  }
0x63: {  	[sflag:s31] =	ssyncadd.s32 $0xFFFFFF80  }
0x64: {  	[tilespmem:s0], [sflag:$0x6] =	stream.indirect.gather [hbm4b:s4+s29], $0x80, s25, s29, $0xb8;
	[tilespmem:$0x1C200] =	vst v63  }
0x65: {  	_ =	swait.ge [sflag:s2], $0x4000  }
0x66: {  	[sflag:s2] =	ssyncset.done $0x0  }
0x67: {  	[sflag:s2] =	ssyncadd.s32 $0xFFFFC000  }
0x68: {  	_ =	swait.ge [sflag:s8], $0x80  }
0x69: {  	[sflag:s8] =	ssyncset.done $0x0  }
0x6a: {  	[sflag:s8] =	ssyncadd.s32 $0xFFFFFF80  }
0x6b: {  	[spmem:s1] =	stream.indirect.scatter.add.f32 [tilespmem:s30], [sflag:$0x7], $0x80, s24, s29, $0xb8;
	[tilespmem:$0x1C200] =	vst v63  }
0x6c: {  	_ =	swait.ge [sflag:s18], $0x4000  }
0x6d: {  	[sflag:s18] =	ssyncset.done $0x0  }
0x6e: {  	s19 =	sadd.s32 s6, s17;
	[sflag:s18] =	ssyncadd.s32 $0xFFFFC000  }
0x6f: {  	[tilespmem:s23], [sflag:$0x1] =	stream.linear.gather [hbm4b:s19+s3], $0x80, $0x38;
	[tilespmem:$0x1C200] =	vst v63  }
0x70: {  	s19 =	sadd.s32 s6, s16  }
0x71: {  	[tilespmem:s24], [sflag:$0x3] =	stream.linear.gather [hbm4b:s19+s3], $0x80, $0x38;
	[tilespmem:$0x1C200] =	vst v63  }
0x72: {  	_ =	swait.ge [sflag:s28], $0x80  }
0x73: {  	[sflag:s28] =	ssyncset.done $0x0  }
0x74: {  	[sflag:s28] =	ssyncadd.s32 $0xFFFFFF80  }
0x75: {  	[tilespmem:s30], [sflag:$0x5] =	stream.indirect.gather [hbm4b:s4+s29], $0x80, s23, s29, $0xb8;
	[tilespmem:$0x1C200] =	vst v63  }
0x76: {  	_ =	swait.ge [sflag:s9], $0x4000  }
0x77: {  	[sflag:s9] =	ssyncset.done $0x0  }
0x78: {  	[sflag:s9] =	ssyncadd.s32 $0xFFFFC000  }
0x79: {  	_ =	swait.ge [sflag:s10], $0x80  }
0x7a: {  	[sflag:s10] =	ssyncset.done $0x0  }
0x7b: {  	[sflag:s10] =	ssyncadd.s32 $0xFFFFFF80  }
0x7c: {  	[spmem:s1] =	stream.indirect.scatter.add.f32 [tilespmem:s0], [sflag:$0x7], $0x80, s26, s29, $0xb8;
	[tilespmem:$0x1C200] =	vst v63  }
.Ltmp0:
0x7d: {  	_ =	swait.ge [sflag:s18], $0x4000;
	(pc) =	sbr.rel @p0 .LBB2_2-.Ltmp0, $4  }
0x7e: {  	[sflag:s18] =	ssyncset.done $0x0  }
0x7f: {  	s19 =	sadd.s32 s6, s15;
	[sflag:s18] =	ssyncadd.s32 $0xFFFFC000  }
0x80: {  	[tilespmem:s25], [sflag:$0x2] =	stream.linear.gather [hbm4b:s19+s3], $0x80, $0x38;
	[tilespmem:$0x1C200] =	vst v63  }
0x81: {  	s6 =	sadd.s32 s6, s14  }
0x82: {  	[tilespmem:s26], [sflag:$0x4] =	stream.linear.gather [hbm4b:s6+s3], $0x80, $0x38;
	[tilespmem:$0x1C200] =	vst v63  }
0x83: {  	_ =	swait.ge [sflag:s31], $0x80  }
0x84: {  	[sflag:s31] =	ssyncset.done $0x0  }
0x85: {  	[sflag:s31] =	ssyncadd.s32 $0xFFFFFF80  }
0x86: {  	[tilespmem:s0], [sflag:$0x6] =	stream.indirect.gather [hbm4b:s4+s29], $0x80, s25, s29, $0xb8;
	[tilespmem:$0x1C200] =	vst v63  }
0x87: {  	_ =	swait.ge [sflag:s2], $0x4000  }
0x88: {  	[sflag:s2] =	ssyncset.done $0x0  }
0x89: {  	[sflag:s2] =	ssyncadd.s32 $0xFFFFC000  }
0x8a: {  	_ =	swait.ge [sflag:s8], $0x80  }
0x8b: {  	[sflag:s8] =	ssyncset.done $0x0  }
0x8c: {  	[sflag:s8] =	ssyncadd.s32 $0xFFFFFF80  }
0x8d: {  	[spmem:s1] =	stream.indirect.scatter.add.f32 [tilespmem:s30], [sflag:$0x7], $0x80, s24, s29, $0xb8;
	[tilespmem:$0x1C200] =	vst v63  }
0x8e: {  	_ =	swait.ge [sflag:s18], $0x4000  }
0x8f: {  	[sflag:s18] =	ssyncset.done $0x0  }
0x90: {  	[sflag:s18] =	ssyncadd.s32 $0xFFFFC000  }
0x91: {  	_ =	swait.ge [sflag:s9], $0x4000  }
0x92: {  	[sflag:s9] =	ssyncset.done $0x0  }
0x93: {  	[sflag:s9] =	ssyncadd.s32 $0xFFFFC000  }
0x94: {  	_ =	swait.ge [sflag:s10], $0x80  }
0x95: {  	[sflag:s10] =	ssyncset.done $0x0  }
0x96: {  	[sflag:s10] =	ssyncadd.s32 $0xFFFFFF80  }
0x97: {  	[spmem:s1] =	stream.indirect.scatter.add.f32 [tilespmem:s0], [sflag:$0x7], $0x80, s26, s29, $0xb8;
	[tilespmem:$0x1C200] =	vst v63  }
0x98: {  	_ =	swait.ge [sflag:s18], $0x4000  }
0x99: {  	[sflag:s18] =	ssyncset.done $0x0  }
0x9a: {  	[sflag:s18] =	ssyncadd.s32 $0xFFFFC000  }
0x9b: {  	[bflag:$0x0] =	sbarrier.arrive $0xFFFF  }
0x9c: {  	s13 =	rddreg [dreg:$0x8]  }
0x9d: {  	[hbm:s13], [sflag:s7] =	dma.local [spmem:s12], $0x2800  }
0x9e: {  	_ =	swait.ge [sflag:s18], $0x2800  }
0x9f: {  	s11 =	sadd.s32 $0x1, s11;
	s19 =	rddreg [dreg:$0x9]  }
0xa0: {  	p0 =	sne.s32 s11, s19  }
.Ltmp1:
0xa1: {  	_ = 	snop;
	(pc) =	sbr.rel @p0 .LBB2_1-.Ltmp1, $3  }
0xa2: {  	_ =	sdelay $0x1  }
0xa3: {  	[sflag:s18] =	ssyncset.done $0x0  }
0xa4: {  	[sflag:s18] =	ssyncadd.s32 $0xFFFFD800  }
0xa5: {  	_ =	sfence.sel $0x180000  }
0xa6: {  	[bflag:$0x0] =	sbarrier.arrive $0xFFFF  }
0xa7: {  	_ =	strace $0x90000050  }
0xa8: {  	s0 =	stileid.u32;
	[bflag:$0x2] =	sbarrier.arrive $0xFFFF  }
0xa9: {  	p0 =	sne.s32 s0, $0x0;
	s0 =	rddreg [dreg:$0x2]  }
0xaa: {  	s0 =	sadd.s32 @!p0 $0x100000, s0  }
0xab: {  	[sflag:s0] =	ssyncadd.tile.s32 @!p0 $0x1;
	_ =	shalt  }
.Lfunc_end2:
_tile_overlayer_lowered:
.L_overlay_start_2:
0xac: {  	(tag) =	ssettag $0x2  }
0xad: {  	s0 =	rddreg [dreg:$0x0];
	s2 =	stileid.u32  }
0xae: {  	s1 =	rddreg [dreg:$0x1];
	p0 =	sne.s32 s2, $0x0  }
0xaf: {  	s3 =	rddreg [dreg:$0x2];
	[bflag:$0x3] =	sbarrier.arrive $0xFFFF;
	s2 =	simm.s32 @!p0 $0x1C07  }
0xb0: {  	[timem:s3], [sflag:s2] =	dma.local @!p0 [hbm:s0], s1  }
0xb1: {  	s0 =	simm.s32 @!p0 $0x7  }
0xb2: {  	_ =	swait.ge @!p0 [sflag:s0], s1  }
0xb3: {  	s1 =	ssub.s32 @!p0 $0x0, s1;
	[sflag:s0] =	ssyncset.done @!p0 $0x0  }
0xb4: {  	[sflag:s0] =	ssyncadd.s32 @!p0 s1  }
0xb5: {  	[bflag:$0x3] =	sbarrier.arrive $0xFFFF  }
0xb6: {  	_ =	shalt  }

// kernel: kernel.9.cloned.1.call-start
scs
__scs_entry_jumppad:
0x0: {  	(pc) =	sbr.rel $0x88, $3  }
0x1: {  	(tag) =	ssettag $0x0;
	lr =	simm.s32 $0x1  }
0x2: {  	[smem:$0x3F92] =	sst lr;
	_ =	strace $0xD0000000  }
0x3: {  	_ = 	snop  }
0x4: {  	_ = 	snop  }
0x5: {  	_ = 	snop  }
0x6: {  	_ = 	snop  }
0x7: {  	_ = 	snop  }
__scs_overlays_trampoline_lowered:
0x8: {  	[smem:$0x3FA1] =	sst s0  }
0x9: {  	[smem:$0x3FA2] =	sst s1  }
0xa: {  	[smem:$0x3FA3] =	sst s2  }
0xb: {  	[smem:$0x3FA4] =	sst s3  }
0xc: {  	[smem:$0x3FA5] =	sst s4  }
0xd: {  	[smem:$0x3FA6] =	sst s5  }
0xe: {  	[smem:$0x3FA7] =	sst s6  }
0xf: {  	[smem:$0x3FA8] =	sst s7  }
0x10: {  	[smem:$0x3FA9] =	sst s8  }
0x11: {  	[smem:$0x3FAA] =	sst s9;
	s0 =	simm.s32 @!p0 $0x0  }
0x12: {  	s1 =	sld [smem:$0x3F90];
	s0 =	simm.s32 @p0 $0x1  }
0x13: {  	[smem:$0x3FAB] =	sst s0;
	s0 =	simm.s32 @!p1 $0x0  }
0x14: {  	s2 =	sld [smem:$0x3F8F];
	s0 =	simm.s32 @p1 $0x1  }
0x15: {  	[smem:$0x3FAC] =	sst s0;
	s0 =	simm.s32 @!p2 $0x0  }
0x16: {  	s3 =	sld [smem:$0x3FDB];
	s0 =	simm.s32 @p2 $0x1  }
0x17: {  	s4 =	simm.s32 $0x1BF5;
	[smem:$0x3FAE] =	sst s0  }
0x18: {  	s0 =	sld [smem:$0x3F91];
	_ =	swait.ge [sflag:s4], $0x0  }
0x19: {  	s7 =	sld [smem:$0x3F92]  }
0x1a: {  	s8 =	sadd.s32 $0xFFFFE003, lr  }
0x1b: {  	s9 =	sadd.s32 $0xFFFFFEF7, lr;
	s5 =	simm.s32 $0xFFFFFFFF;
	p2 =	slt.u32 s8, $0xFFFFF086  }
0x1c: {  	p1 =	slt.u32 s9, $0xF7A;
	s5 =	simm.s32 @!p2 $0x0  }
0x1d: {  	s5 =	simm.s32 @p1 $0x1;
	p0 =	seq.s32 s7, s2  }
0x1e: {  	s7 =	smul.u32 @!p0 $0xF7A, s2;
	p2 =	seq.s32 @!p0 s5, $0x0  }
0x1f: {  	s9 =	smul.u32 $0xF7A, s1;
	s8 =	simm.s32 @!p0 $0x1BF5;
	p2 =	por !p2, p0  }
0x20: {  	[sflag:s8] =	ssyncset.s32 @!p0 $0xFFFFF086;
	s6 =	sadd.s32 @!p0 s3, s7;
	s7 =	simm.s32 @!p0 $0x108  }
0x21: {  	s3 =	sadd.s32 s3, s9;
	s6 =	sadd.s32 @!p0 $0x88, s6;
	s7 =	simm.s32 @p2 $0x1082  }
0x22: {  	[simem:s7], [sflag:s8] =	dma.local @!p0 [hbm:s6], $0xF7A  }
0x23: {  	s9 =	sor.u32 $0xD0000000, s2;
	s6 =	simm.s32 $0x108;
	_ =	swait.ge @!p0 [sflag:s8], $0x0  }
0x24: {  	s3 =	sadd.s32 $0x88, s3;
	s6 =	simm.s32 @!p1 $0x1082;
	[sflag:s4] =	ssyncset.s32 $0xFFFFF086  }
0x25: {  	[simem:s6], [sflag:s4] =	dma.local [hbm:s3], $0xF7A  }
0x26: {  	[smem:$0x3F92] =	sst s1;
	(tag) =	ssettag s2;
	_ =	strace s9  }
0x27: {  	s1 =	sld [smem:$0x3FA2]  }
0x28: {  	s2 =	sld [smem:$0x3FA3]  }
0x29: {  	s4 =	sld [smem:$0x3FA5]  }
0x2a: {  	p0 =	seq.s32 s5, $0x0;
	s5 =	sld [smem:$0x3FA6]  }
0x2b: {  	s6 =	sld [smem:$0x3FA7]  }
0x2c: {  	s7 =	sld [smem:$0x3FA8]  }
0x2d: {  	s3 =	simm.s32 $0x108;
	s8 =	sld [smem:$0x3FA9]  }
0x2e: {  	s3 =	simm.s32 @!p0 $0x1082;
	s9 =	sld [smem:$0x3FAA]  }
0x2f: {  	lr =	sadd.s32 s0, s3;
	s0 =	sld [smem:$0x3FA1]  }
0x30: {  	s3 =	sld [smem:$0x3FA4]  }
0x31: {  	[smem:$0x3FAD] =	sst s10  }
0x32: {  	s10 =	sld [smem:$0x3FAB];
	_ =	sdelay $0x3  }
0x33: {  	p0 =	seq.s32 s10, $0x1;
	s10 =	sld [smem:$0x3FAD];
	_ =	sdelay $0x3  }
0x34: {  	[smem:$0x3FAD] =	sst s10  }
0x35: {  	s10 =	sld [smem:$0x3FAC];
	_ =	sdelay $0x3  }
0x36: {  	p1 =	seq.s32 s10, $0x1;
	s10 =	sld [smem:$0x3FAD];
	_ =	sdelay $0x3  }
0x37: {  	[smem:$0x3FAD] =	sst s10  }
0x38: {  	s10 =	sld [smem:$0x3FAE]  }
0x39: {  	_ = 	snop;
	(pc) =	sbr.ind lr, $3  }
0x3a: {  	_ = 	snop  }
0x3b: {  	_ = 	snop  }
0x3c: {  	p2 =	seq.s32 s10, $0x1;
	s10 =	sld [smem:$0x3FAD]  }
0x3d: {  	_ =	shalt  }
0x3e: {  	_ =	shalt  }
0x3f: {  	_ =	shalt  }
0x40: {  	_ =	shalt  }
0x41: {  	_ =	shalt  }
0x42: {  	_ =	shalt  }
0x43: {  	_ =	shalt  }
0x44: {  	_ =	shalt  }
0x45: {  	_ =	shalt  }
0x46: {  	_ =	shalt  }
0x47: {  	_ =	shalt  }
0x48: {  	_ =	shalt  }
0x49: {  	_ =	shalt  }
0x4a: {  	_ =	shalt  }
0x4b: {  	_ =	shalt  }
0x4c: {  	_ =	shalt  }
0x4d: {  	_ =	shalt  }
0x4e: {  	_ =	shalt  }
0x4f: {  	_ =	shalt  }
0x50: {  	_ =	shalt  }
0x51: {  	_ =	shalt  }
0x52: {  	_ =	shalt  }
0x53: {  	_ =	shalt  }
0x54: {  	_ =	shalt  }
0x55: {  	_ =	shalt  }
0x56: {  	_ =	shalt  }
0x57: {  	_ =	shalt  }
0x58: {  	_ =	shalt  }
0x59: {  	_ =	shalt  }
0x5a: {  	_ =	shalt  }
0x5b: {  	_ =	shalt  }
0x5c: {  	_ =	shalt  }
0x5d: {  	_ =	shalt  }
0x5e: {  	_ =	shalt  }
0x5f: {  	_ =	shalt  }
0x60: {  	_ =	shalt  }
0x61: {  	_ =	shalt  }
0x62: {  	_ =	shalt  }
0x63: {  	_ =	shalt  }
0x64: {  	_ =	shalt  }
0x65: {  	_ =	shalt  }
0x66: {  	_ =	shalt  }
0x67: {  	_ =	shalt  }
0x68: {  	_ =	shalt  }
0x69: {  	_ =	shalt  }
0x6a: {  	_ =	shalt  }
0x6b: {  	_ =	shalt  }
0x6c: {  	_ =	shalt  }
0x6d: {  	_ =	shalt  }
0x6e: {  	_ =	shalt  }
0x6f: {  	_ =	shalt  }
0x70: {  	_ =	shalt  }
0x71: {  	_ =	shalt  }
0x72: {  	_ =	shalt  }
0x73: {  	_ =	shalt  }
0x74: {  	_ =	shalt  }
0x75: {  	_ =	shalt  }
0x76: {  	_ =	shalt  }
0x77: {  	_ =	shalt  }
0x78: {  	_ =	shalt  }
0x79: {  	_ =	shalt  }
0x7a: {  	_ =	shalt  }
0x7b: {  	_ =	shalt  }
0x7c: {  	_ =	shalt  }
0x7d: {  	_ =	shalt  }
0x7e: {  	_ =	shalt  }
0x7f: {  	_ =	shalt  }
0x80: {  	_ =	shalt  }
0x81: {  	_ =	shalt  }
0x82: {  	_ =	shalt  }
0x83: {  	_ =	shalt  }
0x84: {  	_ =	shalt  }
0x85: {  	_ =	shalt  }
0x86: {  	_ =	shalt  }
0x87: {  	_ =	shalt  }
.Lfunc_end0:
.L_simem_size_0:
called_computation_lowered:
.L_overlay_start_0:
0x88: {  	s2 =	sld [smem:$0x3FD9]  }
0x89: {  	s3 =	sld [smem:$0x3FFE];
	_ =	sdelay $0x1  }
0x8a: {  	s1 =	srdreg.scid  }
0x8b: {  	s0 =	sand.u32 $0x1, s1  }
0x8c: {  	s17 =	sshll.u32 s0, $0xA;
	s2 =	sadd.s32 s3, s2  }
0x8d: {  	s2 =	sadd.s32 s2, s17  }
0x8e: {  	[smem:$0x3FB9] =	sst s2  }
0x8f: {  	_ = 	snop  }
0x90: {  	(tm) =	ssettm $0x1  }
0x91: {  	s18 =	sld [smem:$0x3FFB];
	_ =	sdelay $0x3  }
0x92: {  	_ =	strace s18  }
0x93: {  	s2 =	sld [smem:$0x3FFC];
	_ =	sdelay $0x3  }
0x94: {  	_ =	strace s2  }
0x95: {  	s2 =	sld [smem:$0x3FFD];
	_ =	sdelay $0x3  }
0x96: {  	_ =	strace s2  }
0x97: {  	_ =	strace $0x8FFFFFFF  }
0x98: {  	s19 =	sld [smem:$0x3FDB];
	_ =	sdelay $0x1  }
0x99: {  	s20 =	simm.s32 $_scs_section_size  }
0x9a: {  	s4 =	simm.s32 $_size__tile_overlayer_lowered;
	s5 =	simm.s32 $_tile_overlayer_lowered  }
0x9b: {  	s6 =	simm.s32 $0x1BFF;
	s21 =	sshll.u32 s5, $0x1;
	s3 =	sadd.s32 s20, s19  }
0x9c: {  	s22 =	simm.s32 $0x0;
	s4 =	sshll.u32 s4, $0x1;
	s5 =	sadd.s32 s21, s3  }
0x9d: {  	[timem:s22], [sflag:s6] =	dma.local [hbm:s5], s4  }
0x9e: {  	_ =	swait.ge [sflag:s6], s4  }
0x9f: {  	s4 =	ssub.s32 $0x0, s4;
	[sflag:s6] =	ssyncset.done $0x0  }
0xa0: {  	[sflag:s6] =	ssyncadd.s32 s4;
	_ =	sdelay $0x1  }
0xa1: {  	s23 =	simm.s32 $0x1B8B  }
0xa2: {  	_ =	swait.ge [sflag:s23], $0x1  }
0xa3: {  	[sflag:s23] =	ssyncset.done $0x0  }
0xa4: {  	[sflag:s23] =	ssyncadd.s32 $0xFFFFFFFF  }
0xa5: {  	s4 =	sld [smem:$0x0]  }
0xa6: {  	s5 =	sand.u32 $0xFFFFFFFE, s1  }
0xa7: {  	p0 =	sne.s32 s1, s5  }
0xa8: {  	s5 =	sshll.u32 @p0 s5, $0xE  }
0xa9: {  	s5 =	sadd.s32 @p0 $0x11B8D, s5;
	s6 =	sshll.u32 @p0 s4, $0x11  }
0xaa: {  	s5 =	sor.u32 @p0 s6, s5  }
0xab: {  	[sflag:s5] =	ssyncadd.remote.s32 @p0 $0x1;
	_ =	sdelay $0x1  }
0xac: {  	s5 =	simm.s32 @p0 $0x1B8D  }
0xad: {  	_ =	swait.eq @p0 [sflag:s5], $0x1  }
0xae: {  	[sflag:s5] =	ssyncadd.s32 @p0 $0xFFFFFFFF  }
0xaf: {  	s6 =	sshll.u32 @!p0 s1, $0xE  }
0xb0: {  	s6 =	sor.u32 @!p0 $0x4000, s6;
	s5 =	simm.s32 @!p0 $0x1B8D  }
0xb1: {  	s4 =	sshll.u32 @!p0 s4, $0x11;
	s6 =	sadd.s32 @!p0 $0x11B8D, s6;
	_ =	swait.eq @!p0 [sflag:s5], $0x1  }
0xb2: {  	s4 =	sor.u32 @!p0 s4, s6;
	[sflag:s5] =	ssyncadd.s32 @!p0 $0xFFFFFFFF  }
0xb3: {  	s25 =	simm.s32 $0x1B8E;
	s24 =	sld [smem:$0x3FFE];
	[sflag:s4] =	ssyncadd.remote.s32 @!p0 $0x1  }
0xb4: {  	s26 =	simm.s32 $execute0_lowered;
	[smem:$0x3FD2] =	sst s25  }
0xb5: {  	s5 =	sshll.u32 s26, $0x1;
	_ =	strace $0x80000049;
	[dreg:$0x1] =	wrdreg $0xFFFFFFFF  }
0xb6: {  	s28 =	simm.s32 $_size_execute0_lowered;
	s3 =	sadd.s32 s3, s5;
	[dreg:$0x0] =	wrdreg $0x0  }
0xb7: {  	s5 =	sshll.u32 s28, $0x1;
	[dreg:$0x2] =	wrdreg s3  }
0xb8: {  	[dreg:$0x3] =	wrdreg s5  }
0xb9: {  	[dreg:$0x4] =	wrdreg $0xC0  }
0xba: {  	_ =	task [dreg:s22], $0x5FFFF  }
0xbb: {  	[dreg:$0x1] =	wrdreg $0xFFFFFFFF  }
0xbc: {  	[dreg:$0x0] =	wrdreg $0x60  }
0xbd: {  	[dreg:$0x2] =	wrdreg s24  }
0xbe: {  	[dreg:$0x3] =	wrdreg $0x0  }
0xbf: {  	[dreg:$0x4] =	wrdreg $0x9  }
0xc0: {  	_ =	task.clear_ibuf [dreg:s22], $0x5FFFF;
	_ =	strace $0x90000049  }
0xc1: {  	s29 =	simm.s32 $0x9;
	_ =	strace $0x8000004B  }
0xc2: {  	_ =	swait.ge [sflag:s29], $0x1  }
0xc3: {  	[sflag:s29] =	ssyncadd.s32 $0xFFFFFFFF  }
0xc4: {  	_ =	strace $0x9000004B  }
0xc5: {  	_ =	sfence  }
0xc6: {  	s30 =	sld [smem:$0x0];
	_ =	sdelay $0x2  }
0xc7: {  	s31 =	sshll.u32 s1, $0xD;
	s1 =	sshrl.u32 s1, $0x2  }
0xc8: {  	s4 =	sand.u32 $0x4000, s31;
	s1 =	sadd.s32 s1, s30  }
0xc9: {  	s0 =	sor.u32 s4, s0;
	s1 =	sshll.u32 s1, $0x11  }
0xca: {  	s0 =	sor.u32 s1, s0  }
0xcb: {  	s0 =	sadd.s32 $0x8F2B, s0  }
0xcc: {  	[sflag:s0] =	ssyncadd.remote.s32 $0x1  }
0xcd: {  	_ =	sfence.sel $0xFFFF  }
0xce: {  	[dreg:$0x0] =	wrdreg $0xFFFFFFFF;
	(pc) =	sbr.abs _section_cstart, $3  }
0xcf: {  	[dreg:$0x1] =	wrdreg $0xFFFFFFFF  }
0xd0: {  	_ =	task.clear_ibuf [dreg:s22], $0x2FFFF;
	_ =	strace $0x9FFFFFFF  }
0xd1: {  	(tm) =	ssettm $0x7FFFFFFF  }
tec
execute0_lowered:
.L_overlay_start_1:
0x0: {  	(tag) =	ssettag $0x1  }
0x1: {  	s6 =	rddreg [dreg:$0x0]  }
0x2: {  	s1 =	rddreg [dreg:$0x1]  }
0x3: {  	s2 =	srdreg.scid;
	s0 =	rddreg [dreg:$0x2];
	s3 =	simm.s32 $0x0  }
0x4: {  	s20 =	simm.s32 $0x14000;
	s21 =	simm.s32 $0x14080;
	s7 =	sand.u32 $0x1, s2  }
0x5: {  	s22 =	simm.s32 $0x1;
	s2 =	stileid.u32;
	s5 =	smul.u32 $0x140000, s7  }
0x6: {  	s23 =	simm.s32 $0x80;
	[smem:$0x7FF] =	sst s3;
	s8 =	smul.u32 $0x14000, s2  }
0x7: {  	s12 =	sadd.s32 $0x3600, s6;
	s4 =	sadd.s32 $0x17600, s6;
	s13 =	smul.u32 $0x50000, s2  }
0x8: {  	_ =	strace $0x8000004A;
	s9 =	ssub.s32 $0x2, s7;
	s28 =	smul.u32 $0x28000, s7  }
0x9: {  	s11 =	sshll.u32 s7, $0x4;
	s26 =	sshll.u32 s2, $0x6;
	s30 =	smul.u32 $0x2800, s2  }
0xa: {  	s10 =	sshrl.u32 s9, $0x1;
	s24 =	sor.u32 s2, s11;
	s8 =	sadd.s32 s8, s5  }
0xb: {  	s5 =	sadd.s32 $0x67E00, s6;
	s10 =	ssub.s32 s9, s10;
	s25 =	sshrl.u32 s13, $0x2  }
0xc: {  	s11 =	smul.u32 $0x2800, s24;
	s24 =	simm.s32 $0x2;
	s8 =	sshrl.u32 s8, $0x3  }
0xd: {  	s13 =	sadd.s32 s25, s1;
	s10 =	smax.u32 s10, $0x1;
	s25 =	simm.s32 $0x0  }
0xe: {  	s14 =	sadd.s32 s8, s6;
	s6 =	sor.u32 $0x1C03, s26;
	s15 =	sadd.s32 $0x4000, s13  }
0xf: {  	s29 =	sshrl.u32 s11, $0x3;
	s16 =	sadd.s32 $0x8000, s13;
	s17 =	sadd.s32 $0xC000, s13  }
0x10: {  	s18 =	sadd.s32 $0x10000, s13;
	s11 =	sadd.s32 s30, s28;
	s13 =	sshrl.u32 s13, $0x3  }
0x11: {  	s7 =	sadd.s32 s12, s29;
	s9 =	sadd.s32 $0x68600, s14;
	s31 =	sor.u32 $0x180, s11  }
0x12: {  	s11 =	sor.u32 $0x100, s11;
	s15 =	sshrl.u32 s15, $0x3;
	s16 =	sshrl.u32 s16, $0x3  }
0x13: {  	s17 =	sshrl.u32 s17, $0x3;
	s18 =	sshrl.u32 s18, $0x3;
	s14 =	sshrl.u32 s31, $0x3  }
0x14: {  	s8 =	sadd.s32 $0x10, s7;
	s19 =	sshrl.u32 s11, $0x3;
	s11 =	sadd.s32 s14, s12  }
0x15: {  	s12 =	sadd.s32 s19, s12;
	s14 =	simm.s32 $0x3;
	s19 =	simm.s32 $0x14100  }
.LBB2_1:
0x16: {  	[spmem:s13], [sflag:s6] =	dma.local [hbm:s4], $0x800  }
0x17: {  	_ =	swait.ge [sflag:s14], $0x800  }
0x18: {  	[sflag:s14] =	ssyncset.done $0x0  }
0x19: {  	[sflag:s14] =	ssyncadd.s32 $0xFFFFF800  }
0x1a: {  	[spmem:s15], [sflag:s6] =	dma.local [hbm:s4], $0x800  }
0x1b: {  	_ =	swait.ge [sflag:s14], $0x800  }
0x1c: {  	[sflag:s14] =	ssyncset.done $0x0  }
0x1d: {  	[sflag:s14] =	ssyncadd.s32 $0xFFFFF800  }
0x1e: {  	[spmem:s16], [sflag:s6] =	dma.local [hbm:s4], $0x800  }
0x1f: {  	_ =	swait.ge [sflag:s14], $0x800  }
0x20: {  	[sflag:s14] =	ssyncset.done $0x0  }
0x21: {  	[sflag:s14] =	ssyncadd.s32 $0xFFFFF800  }
0x22: {  	[spmem:s17], [sflag:s6] =	dma.local [hbm:s4], $0x800  }
0x23: {  	_ =	swait.ge [sflag:s14], $0x800  }
0x24: {  	[sflag:s14] =	ssyncset.done $0x0  }
0x25: {  	[sflag:s14] =	ssyncadd.s32 $0xFFFFF800  }
0x26: {  	[spmem:s18], [sflag:s6] =	dma.local [hbm:s4], $0x800  }
0x27: {  	_ =	swait.ge [sflag:s14], $0x800  }
0x28: {  	[sflag:s14] =	ssyncset.done $0x0  }
0x29: {  	[sflag:s14] =	ssyncadd.s32 $0xFFFFF800  }
0x2a: {  	[tilespmem:s19], [sflag:$0x3] =	stream.linear.gather [hbm4b:s5+s3], $0x4000, $0x38;
	[tilespmem:$0x18100] =	vst v63  }
0x2b: {  	_ =	swait.ge [sflag:s14], $0x4000  }
0x2c: {  	[sflag:s14] =	ssyncset.done $0x0  }
0x2d: {  	[sflag:s14] =	ssyncadd.s32 $0xFFFFC000  }
0x2e: {  	[bflag:$0x0] =	sbarrier.arrive $0xFFFF  }
0x2f: {  	[tilespmem:s20], [sflag:$0x1] =	stream.linear.gather [hbm4b:s7+s3], $0x80, $0x38;
	[tilespmem:$0x18100] =	vst v63  }
0x30: {  	_ = 	snop  }
0x31: {  	[tilespmem:s21], [sflag:$0x2] =	stream.linear.gather [hbm4b:s8+s3], $0x80, $0x38;
	[tilespmem:$0x18100] =	vst v63  }
0x32: {  	_ =	swait.ge [sflag:s22], $0x80  }
0x33: {  	[sflag:s22] =	ssyncset.done $0x0  }
0x34: {  	[sflag:s22] =	ssyncadd.s32 $0xFFFFFF80  }
0x35: {  	[spmem:s1] =	stream.indirect.scatter.add.f32 [tilespmem:s19], [sflag:$0x3], $0x80, s20, s23, $0xb8;
	[tilespmem:$0x18100] =	vst v63  }
0x36: {  	_ =	swait.ge [sflag:s14], $0x4000  }
0x37: {  	[sflag:s14] =	ssyncset.done $0x0  }
0x38: {  	s26 =	sadd.s32 $0x0, s12;
	[sflag:s14] =	ssyncadd.s32 $0xFFFFC000  }
0x39: {  	[tilespmem:s20], [sflag:$0x1] =	stream.linear.gather [hbm4b:s26+s3], $0x80, $0x38;
	[tilespmem:$0x18100] =	vst v63  }
0x3a: {  	_ =	swait.ge [sflag:s24], $0x80  }
0x3b: {  	[sflag:s24] =	ssyncset.done $0x0  }
0x3c: {  	[sflag:s24] =	ssyncadd.s32 $0xFFFFFF80  }
0x3d: {  	[spmem:s1] =	stream.indirect.scatter.add.f32 [tilespmem:s19], [sflag:$0x3], $0x80, s21, s23, $0xb8;
	[tilespmem:$0x18100] =	vst v63  }
0x3e: {  	_ =	swait.ge [sflag:s14], $0x4000  }
0x3f: {  	[sflag:s14] =	ssyncset.done $0x0  }
0x40: {  	s28 =	sadd.s32 $0x0, s11;
	s26 =	simm.s32 $0x20;
	[sflag:s14] =	ssyncadd.s32 $0xFFFFC000  }
.LBB2_2:
0x41: {  	[tilespmem:s21], [sflag:$0x2] =	stream.linear.gather [hbm4b:s28+s3], $0x80, $0x38;
	[tilespmem:$0x18100] =	vst v63  }
0x42: {  	s28 =	smov.u32 s26  }
0x43: {  	p0 =	sne.s32 s26, $0x4C0;
	s26 =	sadd.s32 $0x20, s26;
	_ =	swait.ge [sflag:s22], $0x80  }
0x44: {  	[sflag:s22] =	ssyncset.done $0x0  }
0x45: {  	[sflag:s22] =	ssyncadd.s32 $0xFFFFFF80  }
0x46: {  	[spmem:s1] =	stream.indirect.scatter.add.f32 [tilespmem:s19], [sflag:$0x3], $0x80, s20, s23, $0xb8;
	[tilespmem:$0x18100] =	vst v63  }
0x47: {  	_ =	swait.ge [sflag:s14], $0x4000  }
0x48: {  	[sflag:s14] =	ssyncset.done $0x0  }
0x49: {  	s29 =	sadd.s32 s28, s12;
	[sflag:s14] =	ssyncadd.s32 $0xFFFFC000  }
0x4a: {  	[tilespmem:s20], [sflag:$0x1] =	stream.linear.gather [hbm4b:s29+s3], $0x80, $0x38;
	[tilespmem:$0x18100] =	vst v63  }
0x4b: {  	_ =	swait.ge [sflag:s24], $0x80  }
0x4c: {  	[sflag:s24] =	ssyncset.done $0x0  }
.Ltmp0:
0x4d: {  	[sflag:s24] =	ssyncadd.s32 $0xFFFFFF80;
	(pc) =	sbr.rel @p0 .LBB2_2-.Ltmp0, $4  }
0x4e: {  	[spmem:s1] =	stream.indirect.scatter.add.f32 [tilespmem:s19], [sflag:$0x3], $0x80, s21, s23, $0xb8;
	[tilespmem:$0x18100] =	vst v63  }
0x4f: {  	_ =	swait.ge [sflag:s14], $0x4000  }
0x50: {  	[sflag:s14] =	ssyncset.done $0x0  }
0x51: {  	s28 =	sadd.s32 s28, s11;
	[sflag:s14] =	ssyncadd.s32 $0xFFFFC000  }
0x52: {  	[tilespmem:s21], [sflag:$0x2] =	stream.linear.gather [hbm4b:s28+s3], $0x80, $0x38;
	[tilespmem:$0x18100] =	vst v63  }
0x53: {  	_ =	swait.ge [sflag:s22], $0x80  }
0x54: {  	[sflag:s22] =	ssyncset.done $0x0  }
0x55: {  	[sflag:s22] =	ssyncadd.s32 $0xFFFFFF80  }
0x56: {  	[spmem:s1] =	stream.indirect.scatter.add.f32 [tilespmem:s19], [sflag:$0x3], $0x80, s20, s23, $0xb8;
	[tilespmem:$0x18100] =	vst v63  }
0x57: {  	_ =	swait.ge [sflag:s14], $0x4000  }
0x58: {  	[sflag:s14] =	ssyncset.done $0x0  }
0x59: {  	[sflag:s14] =	ssyncadd.s32 $0xFFFFC000  }
0x5a: {  	_ =	swait.ge [sflag:s24], $0x80  }
0x5b: {  	[sflag:s24] =	ssyncset.done $0x0  }
0x5c: {  	[sflag:s24] =	ssyncadd.s32 $0xFFFFFF80  }
0x5d: {  	[spmem:s1] =	stream.indirect.scatter.add.f32 [tilespmem:s19], [sflag:$0x3], $0x80, s21, s23, $0xb8;
	[tilespmem:$0x18100] =	vst v63  }
0x5e: {  	_ =	swait.ge [sflag:s14], $0x4000  }
0x5f: {  	s25 =	sadd.s32 $0x1, s25;
	[sflag:s14] =	ssyncset.done $0x0  }
0x60: {  	p0 =	sne.s32 s25, s10;
	[sflag:s14] =	ssyncadd.s32 $0xFFFFC000  }
.Ltmp1:
0x61: {  	[bflag:$0x0] =	sbarrier.arrive $0xFFFF;
	(pc) =	sbr.rel @p0 .LBB2_1-.Ltmp1, $4  }
0x62: {  	[hbm:s9], [sflag:s6] =	dma.local [spmem:s13], $0x2800  }
0x63: {  	_ =	swait.ge [sflag:s14], $0x2800  }
0x64: {  	[sflag:s14] =	ssyncset.done $0x0  }
0x65: {  	[sflag:s14] =	ssyncadd.s32 $0xFFFFD800  }
0x66: {  	_ =	sfence.sel $0x180000  }
0x67: {  	[bflag:$0x0] =	sbarrier.arrive $0xFFFF  }
0x68: {  	p0 =	sne.s32 s2, $0x0;
	_ =	strace $0x9000004A  }
0x69: {  	s0 =	sadd.s32 @!p0 $0x100000, s0;
	[bflag:$0x2] =	sbarrier.arrive $0xFFFF  }
0x6a: {  	[sflag:s0] =	ssyncadd.tile.s32 @!p0 $0x1;
	_ =	shalt  }
.Lfunc_end2:
_tile_overlayer_lowered:
.L_overlay_start_2:
0x6b: {  	(tag) =	ssettag $0x2  }
0x6c: {  	s0 =	rddreg [dreg:$0x0];
	s2 =	stileid.u32  }
0x6d: {  	s1 =	rddreg [dreg:$0x1];
	p0 =	sne.s32 s2, $0x0  }
0x6e: {  	s3 =	rddreg [dreg:$0x2];
	[bflag:$0x3] =	sbarrier.arrive $0xFFFF;
	s2 =	simm.s32 @!p0 $0x1C03  }
0x6f: {  	[timem:s3], [sflag:s2] =	dma.local @!p0 [hbm:s0], s1  }
0x70: {  	s0 =	simm.s32 @!p0 $0x3  }
0x71: {  	_ =	swait.ge @!p0 [sflag:s0], s1  }
0x72: {  	s1 =	ssub.s32 @!p0 $0x0, s1;
	[sflag:s0] =	ssyncset.done @!p0 $0x0  }
0x73: {  	[sflag:s0] =	ssyncadd.s32 @!p0 s1  }
0x74: {  	[bflag:$0x3] =	sbarrier.arrive $0xFFFF  }
0x75: {  	_ =	shalt  }

</sc_bundles>
